<compile_context>
chip_gen: v7x
topology: tpu7x:2x2x1
jax: 0.10.2.dev20260603
libtpu: 0.0.44.dev20260713+nightly
codegen_flags: <defaults>
</compile_context>

<pallas_src>
import functools

import jax
import jax.numpy as jnp
from jax import lax
from jax.experimental import pallas as pl
from jax.experimental.pallas import tpu as pltpu
from jax.experimental.pallas import tpu_sc as plsc

_NT = 18115
_D = 64
_B = 16384
_L = 50
_TP = 18176

_NW = 32
_IPW = _B // _NW
_IPB = 64
_CPB = _IPB // 2
_NBLK = _IPW // _IPB


def _scores_tc(table_p, w1t, b1, w2r, b2):

    def body(tp_ref, w1t_ref, b1_ref, w2_ref, b2_ref, s_ref):
        e = jnp.tanh(
            jnp.dot(tp_ref[...], w1t_ref[...],
                    preferred_element_type=jnp.float32)
            + b1_ref[...][None, :]
        )
        z = jnp.sum(e * w2_ref[...][None, :], axis=1) + b2_ref[0]
        s_ref[...] = jnp.exp(z)

    return pl.pallas_call(
        body,
        out_shape=jax.ShapeDtypeStruct((_TP,), jnp.float32),
    )(table_p, w1t, b1, w2r, b2)


def _make_sc_bag():
    mesh = plsc.VectorSubcoreMesh(core_axis_name="c", subcore_axis_name="s")

    @functools.partial(
        pl.kernel,
        mesh=mesh,
        compiler_params=pltpu.CompilerParams(
            needs_layout_passes=False, use_tc_tiling_on_sc=False),
        out_type=jax.ShapeDtypeStruct((_B, _D), jnp.float32),
        scratch_types=[
            pltpu.VMEM((_TP,), jnp.float32),
            pltpu.VMEM((_CPB, 100), jnp.int32),
            pltpu.VMEM((_CPB, 128), jnp.int32),
            pltpu.VMEM((100, _D), jnp.float32),
            pltpu.VMEM((_IPB, _D), jnp.float32),
            pltpu.SemaphoreType.DMA,
        ],
    )
    def sc_bag(ids2d_hbm, ids2dp_hbm, table_hbm, s_hbm, out_hbm,
               s_v, ids_vg, ids_vw, rows_v, out_v, sem):
        wid = lax.axis_index("s") * 2 + lax.axis_index("c")
        pltpu.sync_copy(s_hbm, s_v)
        item0 = wid * _IPW

        def block_body(blk, carry):
            ib = pl.multiple_of(item0 + blk * _IPB, _IPB)
            crow = pl.multiple_of(ib // 2, _IPB // 2)
            pltpu.sync_copy(ids2d_hbm.at[pl.ds(crow, _CPB)], ids_vg)
            pltpu.sync_copy(ids2dp_hbm.at[pl.ds(crow, _CPB)], ids_vw)

            def chunk_body(j, c2):
                pltpu.async_copy(table_hbm.at[ids_vg.at[j]], rows_v, sem).wait()
                for a in range(2):
                    idv = [ids_vw[j, pl.ds(a * _L + k * 16, 16)]
                           for k in range(4)]
                    wv = [plsc.load_gather(s_v, [idv[k]]) for k in range(4)]
                    zero = jnp.zeros((16,), jnp.float32)
                    wv = [jnp.where(idv[k] == 0, zero, wv[k])
                          for k in range(4)]
                    lanes = lax.iota(jnp.int32, 16)
                    wv[3] = jnp.where(lanes < (_L - 48), wv[3], zero)
                    den = jnp.sum(wv[0] + wv[1] + wv[2] + wv[3])
                    dv = jnp.full((16,), den + jnp.float32(1e-8), jnp.float32)
                    wn = [wv[k] / dv for k in range(4)]
                    acc = [jnp.zeros((16,), jnp.float32) for _ in range(4)]
                    for l in range(_L):
                        t = a * _L + l
                        wvb = jnp.full((16,), wn[l // 16][l % 16], jnp.float32)
                        for dd in range(4):
                            acc[dd] = acc[dd] + wvb * rows_v[t, pl.ds(dd * 16, 16)]
                    row = 2 * j + a
                    for dd in range(4):
                        out_v[row, pl.ds(dd * 16, 16)] = acc[dd]
                return c2

            lax.fori_loop(0, _CPB, chunk_body, 0)
            pltpu.sync_copy(out_v, out_hbm.at[pl.ds(ib, _IPB)])
            return carry

        lax.fori_loop(0, _NBLK, block_body, 0)

    return sc_bag


_sc_bag = _make_sc_bag()


def kernel(topic_ids, table, W1, b1, W2, b2):
    ids2d = topic_ids.astype(jnp.int32).reshape(_B * _L // 100, 100)
    ids2dp = jnp.pad(ids2d, ((0, 0), (0, 28)))
    table_p = jnp.pad(table, ((0, _TP - _NT), (0, 0)))
    s = _scores_tc(table_p, W1.T, b1, W2[0], b2)
    return _sc_bag(ids2d, ids2dp, table, s)

# --- scband reference (transcript-rebuilt; emitter-appended) ---
"""Pipeline reference for scband-topic-encoder-29265907155089 (READ-ONLY COPY).

The authoritative reference and input builder live on the scoring server;
editing this copy changes nothing except your own understanding.
"""

import jax, jax.numpy as jnp
import numpy as np

NUM_TOPIC = 18115
TOPIC_EMB_DIM = 64
HIDDEN = TOPIC_EMB_DIM // 2
B, L = 16384, 50


def setup_inputs(seed: int = 0) -> dict:
    key = jax.random.key(seed)
    k1, k2, k3, k4, k5, k6 = jax.random.split(key, 6)
    topic_ids = jax.random.randint(k1, (B, L), 0, NUM_TOPIC, dtype=jnp.int64 if jax.config.jax_enable_x64 else jnp.int32)
    table = jax.random.normal(k2, (NUM_TOPIC, TOPIC_EMB_DIM), dtype=jnp.float32) * 0.02
    lim1 = 1.0 / np.sqrt(TOPIC_EMB_DIM)
    W1 = jax.random.uniform(k3, (HIDDEN, TOPIC_EMB_DIM), minval=-lim1, maxval=lim1, dtype=jnp.float32)
    b1 = jax.random.uniform(k4, (HIDDEN,), minval=-lim1, maxval=lim1, dtype=jnp.float32)
    lim2 = 1.0 / np.sqrt(HIDDEN)
    W2 = jax.random.uniform(k5, (1, HIDDEN), minval=-lim2, maxval=lim2, dtype=jnp.float32)
    b2 = jax.random.uniform(k6, (1,), minval=-lim2, maxval=lim2, dtype=jnp.float32)
    return {"topic_ids": topic_ids, "table": table, "W1": W1, "b1": b1, "W2": W2, "b2": b2}


def reference(topic_ids, table, W1, b1, W2, b2):
    # embedding lookup
    emb = jnp.take(table, topic_ids, axis=0)  # [B, L, D]
    attn_mask = (topic_ids != 0).astype(jnp.float32)  # [B, L]
    # AttentionPooling
    e = jnp.tanh(emb @ W1.T + b1)  # [B, L, H]
    alpha = jnp.exp(e @ W2.T + b2)  # [B, L, 1]
    alpha = alpha * attn_mask[:, :, None]
    alpha = alpha / (jnp.sum(alpha, axis=1, keepdims=True) + 1e-08)
    out = jnp.squeeze(jnp.matmul(jnp.transpose(emb, (0, 2, 1)), alpha), axis=-1)  # [B, D]
    return out

if __name__ == "__main__":
    import jax
    _d = setup_inputs()
    print(jax.jit(kernel)(*tuple(_d.values())))

</pallas_src>

<mosaic_0001>
#map = affine_map<(d0, d1) -> (0, 0)>
#map1 = affine_map<(d0, d1) -> (0)>
module attributes {stable_mosaic.version = 14 : i64} {
  func.func @sc_bag(%arg0: i32, %arg1: i32, %arg2: memref<8192x100xi32, #tpu.memory_space<hbm>>, %arg3: memref<8192x128xi32, #tpu.memory_space<hbm>>, %arg4: memref<18115x64xf32, #tpu.memory_space<hbm>>, %arg5: memref<18176xf32, #tpu.memory_space<hbm>>, %arg6: memref<16384x64xf32, #tpu.memory_space<hbm>>, %arg7: memref<18176xf32, #tpu.memory_space<vmem>>, %arg8: memref<32x100xi32, #tpu.memory_space<vmem>>, %arg9: memref<32x128xi32, #tpu.memory_space<vmem>>, %arg10: memref<100x64xf32, #tpu.memory_space<vmem>>, %arg11: memref<64x64xf32, #tpu.memory_space<vmem>>, %arg12: memref<!tpu.dma_semaphore, #tpu.memory_space<semaphore_mem>>) attributes {dimension_semantics = [#tpu.dimension_semantics<core_parallel>, #tpu.dimension_semantics<subcore_parallel>], iteration_bounds = array<i64: 2, 16>, scalar_prefetch = 0 : i64, scratch_operands = 6 : i64, tpu.core_type = #tpu.core_type<sc_vector_subcore>, window_params = [{transform_indices = #map}, {transform_indices = #map}, {transform_indices = #map}, {transform_indices = #map1}, {transform_indices = #map}]} {
    %mul3A = arith.constant 2 : i32
    %mul3A_0 = arith.muli %arg1, %mul3A : i32
    %add3A = arith.addi %mul3A_0, %arg0 : i32
    "tpu.region"() ({
      %run_scoped3A = tpu.sem_alloc : memref<!tpu.dma_semaphore, #tpu.memory_space<semaphore_mem>>
      tpu.enqueue_dma source(%arg5 : memref<18176xf32, #tpu.memory_space<hbm>>) target(%arg7 : memref<18176xf32, #tpu.memory_space<vmem>>) target_semaphore(%run_scoped3A : memref<!tpu.dma_semaphore, #tpu.memory_space<semaphore_mem>>)
      tpu.wait_dma2 semaphore(%run_scoped3A : memref<!tpu.dma_semaphore, #tpu.memory_space<semaphore_mem>>) src(%arg5 : memref<18176xf32, #tpu.memory_space<hbm>>) dst(%arg7 : memref<18176xf32, #tpu.memory_space<vmem>>)
      tpu.yield
    }) : () -> ()
    %mul3A_1 = arith.constant 512 : i32
    %mul3A_2 = arith.muli %add3A, %mul3A_1 : i32
    %scan3A = arith.constant 0 : i32
    %scan3A_3 = arith.constant 0 : i32
    %scan3A_4 = arith.constant 8 : i32
    %scan3A_5 = arith.addi %scan3A_3, %scan3A_4 : i32
    %scan3A_6 = arith.constant 1 : i32
    scf.for %scan3A_8 = %scan3A_3 to %scan3A_5 step %scan3A_6  : i32 {
      %mul3A_9 = arith.constant 64 : i32
      %mul3A_10 = arith.muli %scan3A_8, %mul3A_9 : i32
      %add3A_11 = arith.addi %mul3A_2, %mul3A_10 : i32
      %multiple_of3A = tpu.assume_multiple %add3A_11, 64 : i32
      %jit3A = arith.constant 2 : i32
      %div3A = arith.divsi %multiple_of3A, %jit3A : i32
      %sign3A = arith.constant 0 : i32
      %sign3A_12 = arith.cmpi sgt, %multiple_of3A, %sign3A : i32
      %sign3A_13 = arith.extui %sign3A_12 : i1 to i32
      %sign3A_14 = arith.constant 0 : i32
      %sign3A_15 = arith.cmpi slt, %multiple_of3A, %sign3A_14 : i32
      %sign3A_16 = arith.extui %sign3A_15 : i1 to i32
      %sign3A_17 = arith.subi %sign3A_13, %sign3A_16 : i32
      %sign3A_18 = arith.constant 0 : i32
      %sign3A_19 = arith.cmpi sgt, %jit3A, %sign3A_18 : i32
      %sign3A_20 = arith.extui %sign3A_19 : i1 to i32
      %sign3A_21 = arith.constant 0 : i32
      %sign3A_22 = arith.cmpi slt, %jit3A, %sign3A_21 : i32
      %sign3A_23 = arith.extui %sign3A_22 : i1 to i32
      %sign3A_24 = arith.subi %sign3A_20, %sign3A_23 : i32
      %ne3A = arith.cmpi ne, %sign3A_17, %sign3A_24 : i32
      %rem3A = arith.remsi %multiple_of3A, %jit3A : i32
      %ne3A_25 = arith.constant 0 : i32
      %ne3A_26 = arith.cmpi ne, %rem3A, %ne3A_25 : i32
      %and3A = arith.andi %ne3A, %ne3A_26 : i1
      %sub3A = arith.constant 1 : i32
      %sub3A_27 = arith.subi %div3A, %sub3A : i32
      %select_n3A = arith.select %and3A, %sub3A_27, %div3A : i32
      %multiple_of3A_28 = tpu.assume_multiple %select_n3A, 32 : i32
      "tpu.region"() ({
        %run_scoped3A = tpu.sem_alloc : memref<!tpu.dma_semaphore, #tpu.memory_space<semaphore_mem>>
        %dma_start3A = arith.constant 0 : i32
        %dma_start3A_35 = tpu.memref_slice %arg2[%multiple_of3A_28, %dma_start3A] : memref<8192x100xi32, #tpu.memory_space<hbm>> -> memref<32x100xi32, #tpu.memory_space<hbm>>
        %dma_start3A_36 = arith.constant 0 : i32
        %dma_start3A_37 = tpu.memref_slice %arg2[%multiple_of3A_28, %dma_start3A_36] : memref<8192x100xi32, #tpu.memory_space<hbm>> -> memref<32x100xi32, #tpu.memory_space<hbm>>
        tpu.enqueue_dma source(%dma_start3A_37 : memref<32x100xi32, #tpu.memory_space<hbm>>) target(%arg8 : memref<32x100xi32, #tpu.memory_space<vmem>>) target_semaphore(%run_scoped3A : memref<!tpu.dma_semaphore, #tpu.memory_space<semaphore_mem>>)
        %dma_wait3A = arith.constant 0 : i32
        %dma_wait3A_38 = tpu.memref_slice %arg2[%multiple_of3A_28, %dma_wait3A] : memref<8192x100xi32, #tpu.memory_space<hbm>> -> memref<32x100xi32, #tpu.memory_space<hbm>>
        %dma_wait3A_39 = arith.constant 0 : i32
        %dma_wait3A_40 = tpu.memref_slice %arg2[%multiple_of3A_28, %dma_wait3A_39] : memref<8192x100xi32, #tpu.memory_space<hbm>> -> memref<32x100xi32, #tpu.memory_space<hbm>>
        tpu.wait_dma2 semaphore(%run_scoped3A : memref<!tpu.dma_semaphore, #tpu.memory_space<semaphore_mem>>) src(%dma_wait3A_40 : memref<32x100xi32, #tpu.memory_space<hbm>>) dst(%arg8 : memref<32x100xi32, #tpu.memory_space<vmem>>)
        tpu.yield
      }) : () -> ()
      "tpu.region"() ({
        %run_scoped3A = tpu.sem_alloc : memref<!tpu.dma_semaphore, #tpu.memory_space<semaphore_mem>>
        %dma_start3A = arith.constant 0 : i32
        %dma_start3A_35 = tpu.memref_slice %arg3[%multiple_of3A_28, %dma_start3A] : memref<8192x128xi32, #tpu.memory_space<hbm>> -> memref<32x128xi32, #tpu.memory_space<hbm>>
        %dma_start3A_36 = arith.constant 0 : i32
        %dma_start3A_37 = tpu.memref_slice %arg3[%multiple_of3A_28, %dma_start3A_36] : memref<8192x128xi32, #tpu.memory_space<hbm>> -> memref<32x128xi32, #tpu.memory_space<hbm>>
        tpu.enqueue_dma source(%dma_start3A_37 : memref<32x128xi32, #tpu.memory_space<hbm>>) target(%arg9 : memref<32x128xi32, #tpu.memory_space<vmem>>) target_semaphore(%run_scoped3A : memref<!tpu.dma_semaphore, #tpu.memory_space<semaphore_mem>>)
        %dma_wait3A = arith.constant 0 : i32
        %dma_wait3A_38 = tpu.memref_slice %arg3[%multiple_of3A_28, %dma_wait3A] : memref<8192x128xi32, #tpu.memory_space<hbm>> -> memref<32x128xi32, #tpu.memory_space<hbm>>
        %dma_wait3A_39 = arith.constant 0 : i32
        %dma_wait3A_40 = tpu.memref_slice %arg3[%multiple_of3A_28, %dma_wait3A_39] : memref<8192x128xi32, #tpu.memory_space<hbm>> -> memref<32x128xi32, #tpu.memory_space<hbm>>
        tpu.wait_dma2 semaphore(%run_scoped3A : memref<!tpu.dma_semaphore, #tpu.memory_space<semaphore_mem>>) src(%dma_wait3A_40 : memref<32x128xi32, #tpu.memory_space<hbm>>) dst(%arg9 : memref<32x128xi32, #tpu.memory_space<vmem>>)
        tpu.yield
      }) : () -> ()
      %scan3A_29 = arith.constant 0 : i32
      %scan3A_30 = arith.constant 0 : i32
      %scan3A_31 = arith.constant 32 : i32
      %scan3A_32 = arith.addi %scan3A_30, %scan3A_31 : i32
      %scan3A_33 = arith.constant 1 : i32
      scf.for %scan3A_35 = %scan3A_30 to %scan3A_32 step %scan3A_33  : i32 {
        %dma_start3A = arith.constant 0 : i32
        %dma_start3A_36 = tpu.memref_slice %arg8[%scan3A_35, %dma_start3A] : memref<32x100xi32, #tpu.memory_space<vmem>> -> memref<1x100xi32, #tpu.memory_space<vmem>>
        %dma_start3A_37 = tpu.memref_squeeze %dma_start3A_36 : memref<1x100xi32, #tpu.memory_space<vmem>> -> memref<100xi32, #tpu.memory_space<vmem>>
        %dma_start3A_38 = arith.constant 0 : i32
        %dma_start3A_39 = arith.constant 0 : i32
        %dma_start3A_40 = tpu.memref_slice %arg4[%dma_start3A_38, %dma_start3A_39] : memref<18115x64xf32, #tpu.memory_space<hbm>> -> memref<18115x64xf32, #tpu.memory_space<hbm>>
        tpu.enqueue_indirect_dma source(%dma_start3A_40 : memref<18115x64xf32, #tpu.memory_space<hbm>>) target(%arg10 : memref<100x64xf32, #tpu.memory_space<vmem>>) offsets(%dma_start3A_37 : memref<100xi32, #tpu.memory_space<vmem>>) semaphore(%arg12 : memref<!tpu.dma_semaphore, #tpu.memory_space<semaphore_mem>>)
        %dma_wait3A = arith.constant 0 : i32
        %dma_wait3A_41 = tpu.memref_slice %arg8[%scan3A_35, %dma_wait3A] : memref<32x100xi32, #tpu.memory_space<vmem>> -> memref<1x100xi32, #tpu.memory_space<vmem>>
        %dma_wait3A_42 = tpu.memref_squeeze %dma_wait3A_41 : memref<1x100xi32, #tpu.memory_space<vmem>> -> memref<100xi32, #tpu.memory_space<vmem>>
        %dma_wait3A_43 = arith.constant 0 : i32
        %dma_wait3A_44 = arith.constant 0 : i32
        %dma_wait3A_45 = tpu.memref_slice %arg4[%dma_wait3A_43, %dma_wait3A_44] : memref<18115x64xf32, #tpu.memory_space<hbm>> -> memref<18115x64xf32, #tpu.memory_space<hbm>>
        tpu.wait_indirect_dma semaphore(%arg12 : memref<!tpu.dma_semaphore, #tpu.memory_space<semaphore_mem>>) src(%dma_wait3A_45 : memref<18115x64xf32, #tpu.memory_space<hbm>>) dst(%arg10 : memref<100x64xf32, #tpu.memory_space<vmem>>)
        %get3A = arith.index_cast %scan3A_35 : i32 to index
        %get3A_46 = arith.constant 0 : index
        %get3A_47 = tpu.vector_load %arg9[%get3A, %get3A_46] {strides = array<i32>} : memref<32x128xi32, #tpu.memory_space<vmem>>, vector<16xi32>,
        %get3A_48 = arith.index_cast %scan3A_35 : i32 to index
        %get3A_49 = arith.constant 16 : index
        %get3A_50 = tpu.vector_load %arg9[%get3A_48, %get3A_49] {strides = array<i32>} : memref<32x128xi32, #tpu.memory_space<vmem>>, vector<16xi32>,
        %get3A_51 = arith.index_cast %scan3A_35 : i32 to index
        %get3A_52 = arith.constant 32 : index
        %get3A_53 = tpu.vector_load %arg9[%get3A_51, %get3A_52] {strides = array<i32>} : memref<32x128xi32, #tpu.memory_space<vmem>>, vector<16xi32>,
        %get3A_54 = arith.index_cast %scan3A_35 : i32 to index
        %get3A_55 = arith.constant 48 : index
        %get3A_56 = tpu.vector_load %arg9[%get3A_54, %get3A_55] {strides = array<i32>} : memref<32x128xi32, #tpu.memory_space<vmem>>, vector<16xi32>,
        %gather3A = tpu.vector_load_idx %arg7[%get3A_47] : memref<18176xf32, #tpu.memory_space<vmem>>[vector<16xi32>], vector<16xf32>,
        %gather3A_57 = tpu.vector_load_idx %arg7[%get3A_50] : memref<18176xf32, #tpu.memory_space<vmem>>[vector<16xi32>], vector<16xf32>,
        %gather3A_58 = tpu.vector_load_idx %arg7[%get3A_53] : memref<18176xf32, #tpu.memory_space<vmem>>[vector<16xi32>], vector<16xf32>,
        %gather3A_59 = tpu.vector_load_idx %arg7[%get3A_56] : memref<18176xf32, #tpu.memory_space<vmem>>[vector<16xi32>], vector<16xf32>,
        %broadcast_in_dim3A = arith.constant 0.000000e+00 : f32
        %broadcast_in_dim3A_60 = vector.broadcast %broadcast_in_dim3A : f32 to vector<16xf32>
        %eq3A = arith.constant 0 : i32
        %eq3A_61 = vector.broadcast %eq3A : i32 to vector<16xi32>
        %eq3A_62 = arith.cmpi eq, %get3A_47, %eq3A_61 : vector<16xi32>
        %select_n3A_63 = arith.select %eq3A_62, %broadcast_in_dim3A_60, %gather3A : vector<16xi1>, vector<16xf32>
        %eq3A_64 = arith.constant 0 : i32
        %eq3A_65 = vector.broadcast %eq3A_64 : i32 to vector<16xi32>
        %eq3A_66 = arith.cmpi eq, %get3A_50, %eq3A_65 : vector<16xi32>
        %select_n3A_67 = arith.select %eq3A_66, %broadcast_in_dim3A_60, %gather3A_57 : vector<16xi1>, vector<16xf32>
        %eq3A_68 = arith.constant 0 : i32
        %eq3A_69 = vector.broadcast %eq3A_68 : i32 to vector<16xi32>
        %eq3A_70 = arith.cmpi eq, %get3A_53, %eq3A_69 : vector<16xi32>
        %select_n3A_71 = arith.select %eq3A_70, %broadcast_in_dim3A_60, %gather3A_58 : vector<16xi1>, vector<16xf32>
        %eq3A_72 = arith.constant 0 : i32
        %eq3A_73 = vector.broadcast %eq3A_72 : i32 to vector<16xi32>
        %eq3A_74 = arith.cmpi eq, %get3A_56, %eq3A_73 : vector<16xi32>
        %select_n3A_75 = arith.select %eq3A_74, %broadcast_in_dim3A_60, %gather3A_59 : vector<16xi1>, vector<16xf32>
        %iota3A = tpu.iota {dimensions = array<i32: 0>} : vector<16xi32>
        %lt3A = arith.constant 2 : i32
        %lt3A_76 = vector.broadcast %lt3A : i32 to vector<16xi32>
        %lt3A_77 = arith.cmpi slt, %iota3A, %lt3A_76 : vector<16xi32>
        %select_n3A_78 = arith.select %lt3A_77, %select_n3A_75, %broadcast_in_dim3A_60 : vector<16xi1>, vector<16xf32>
        %add3A_79 = arith.addf %select_n3A_63, %select_n3A_67 : vector<16xf32>
        %add3A_80 = arith.addf %add3A_79, %select_n3A_71 : vector<16xf32>
        %add3A_81 = arith.addf %add3A_80, %select_n3A_78 : vector<16xf32>
        %reduce_sum3A = arith.constant true
        %reduce_sum3A_82 = vector.broadcast %reduce_sum3A : i1 to vector<16xi1>
        %reduce_sum3A_83 = tpu.scan <sum>, %add3A_81 masked %reduce_sum3A_82 : vector<16xf32>, vector<16xi1> -> vector<16xf32>
        %reduce_sum3A_84 = vector.extract %reduce_sum3A_83[15] : f32 from vector<16xf32>
        %add3A_85 = arith.constant 9.99999993E-9 : f32
        %add3A_86 = arith.addf %reduce_sum3A_84, %add3A_85 : f32
        %broadcast_in_dim3A_87 = vector.broadcast %add3A_86 : f32 to vector<16xf32>
        %div3A_88 = arith.divf %select_n3A_63, %broadcast_in_dim3A_87 : vector<16xf32>
        %div3A_89 = arith.divf %select_n3A_67, %broadcast_in_dim3A_87 : vector<16xf32>
        %div3A_90 = arith.divf %select_n3A_71, %broadcast_in_dim3A_87 : vector<16xf32>
        %div3A_91 = arith.divf %select_n3A_78, %broadcast_in_dim3A_87 : vector<16xf32>
        %broadcast_in_dim3A_92 = arith.constant 0.000000e+00 : f32
        %broadcast_in_dim3A_93 = vector.broadcast %broadcast_in_dim3A_92 : f32 to vector<16xf32>
        %broadcast_in_dim3A_94 = arith.constant 0.000000e+00 : f32
        %broadcast_in_dim3A_95 = vector.broadcast %broadcast_in_dim3A_94 : f32 to vector<16xf32>
        %broadcast_in_dim3A_96 = arith.constant 0.000000e+00 : f32
        %broadcast_in_dim3A_97 = vector.broadcast %broadcast_in_dim3A_96 : f32 to vector<16xf32>
        %broadcast_in_dim3A_98 = arith.constant 0.000000e+00 : f32
        %broadcast_in_dim3A_99 = vector.broadcast %broadcast_in_dim3A_98 : f32 to vector<16xf32>
        %slice3A = vector.extract_strided_slice %div3A_88 {offsets = [0], sizes = [1], strides = [1]} : vector<16xf32> to vector<1xf32>
        %squeeze3A = vector.extract %slice3A[0] : f32 from vector<1xf32>
        %broadcast_in_dim3A_100 = vector.broadcast %squeeze3A : f32 to vector<16xf32>
        %get3A_101 = arith.constant 0 : i32
        %get3A_102 = arith.index_cast %get3A_101 : i32 to index
        %get3A_103 = arith.constant 0 : index
        %get3A_104 = tpu.vector_load %arg10[%get3A_102, %get3A_103] {strides = array<i32>} : memref<100x64xf32, #tpu.memory_space<vmem>>, vector<16xf32>,
        %mul3A_105 = arith.mulf %broadcast_in_dim3A_100, %get3A_104 : vector<16xf32>
        %add3A_106 = arith.addf %broadcast_in_dim3A_93, %mul3A_105 : vector<16xf32>
        %get3A_107 = arith.constant 0 : i32
        %get3A_108 = arith.index_cast %get3A_107 : i32 to index
        %get3A_109 = arith.constant 16 : index
        %get3A_110 = tpu.vector_load %arg10[%get3A_108, %get3A_109] {strides = array<i32>} : memref<100x64xf32, #tpu.memory_space<vmem>>, vector<16xf32>,
        %mul3A_111 = arith.mulf %broadcast_in_dim3A_100, %get3A_110 : vector<16xf32>
        %add3A_112 = arith.addf %broadcast_in_dim3A_95, %mul3A_111 : vector<16xf32>
        %get3A_113 = arith.constant 0 : i32
        %get3A_114 = arith.index_cast %get3A_113 : i32 to index
        %get3A_115 = arith.constant 32 : index
        %get3A_116 = tpu.vector_load %arg10[%get3A_114, %get3A_115] {strides = array<i32>} : memref<100x64xf32, #tpu.memory_space<vmem>>, vector<16xf32>,
        %mul3A_117 = arith.mulf %broadcast_in_dim3A_100, %get3A_116 : vector<16xf32>
        %add3A_118 = arith.addf %broadcast_in_dim3A_97, %mul3A_117 : vector<16xf32>
        %get3A_119 = arith.constant 0 : i32
        %get3A_120 = arith.index_cast %get3A_119 : i32 to index
        %get3A_121 = arith.constant 48 : index
        %get3A_122 = tpu.vector_load %arg10[%get3A_120, %get3A_121] {strides = array<i32>} : memref<100x64xf32, #tpu.memory_space<vmem>>, vector<16xf32>,
        %mul3A_123 = arith.mulf %broadcast_in_dim3A_100, %get3A_122 : vector<16xf32>
        %add3A_124 = arith.addf %broadcast_in_dim3A_99, %mul3A_123 : vector<16xf32>
        %slice3A_125 = vector.extract_strided_slice %div3A_88 {offsets = [1], sizes = [1], strides = [1]} : vector<16xf32> to vector<1xf32>
        %squeeze3A_126 = vector.extract %slice3A_125[0] : f32 from vector<1xf32>
        %broadcast_in_dim3A_127 = vector.broadcast %squeeze3A_126 : f32 to vector<16xf32>
        %get3A_128 = arith.constant 1 : i32
        %get3A_129 = arith.index_cast %get3A_128 : i32 to index
        %get3A_130 = arith.constant 0 : index
        %get3A_131 = tpu.vector_load %arg10[%get3A_129, %get3A_130] {strides = array<i32>} : memref<100x64xf32, #tpu.memory_space<vmem>>, vector<16xf32>,
        %mul3A_132 = arith.mulf %broadcast_in_dim3A_127, %get3A_131 : vector<16xf32>
        %add3A_133 = arith.addf %add3A_106, %mul3A_132 : vector<16xf32>
        %get3A_134 = arith.constant 1 : i32
        %get3A_135 = arith.index_cast %get3A_134 : i32 to index
        %get3A_136 = arith.constant 16 : index
        %get3A_137 = tpu.vector_load %arg10[%get3A_135, %get3A_136] {strides = array<i32>} : memref<100x64xf32, #tpu.memory_space<vmem>>, vector<16xf32>,
        %mul3A_138 = arith.mulf %broadcast_in_dim3A_127, %get3A_137 : vector<16xf32>
        %add3A_139 = arith.addf %add3A_112, %mul3A_138 : vector<16xf32>
        %get3A_140 = arith.constant 1 : i32
        %get3A_141 = arith.index_cast %get3A_140 : i32 to index
        %get3A_142 = arith.constant 32 : index
        %get3A_143 = tpu.vector_load %arg10[%get3A_141, %get3A_142] {strides = array<i32>} : memref<100x64xf32, #tpu.memory_space<vmem>>, vector<16xf32>,
        %mul3A_144 = arith.mulf %broadcast_in_dim3A_127, %get3A_143 : vector<16xf32>
        %add3A_145 = arith.addf %add3A_118, %mul3A_144 : vector<16xf32>
        %get3A_146 = arith.constant 1 : i32
        %get3A_147 = arith.index_cast %get3A_146 : i32 to index
        %get3A_148 = arith.constant 48 : index
        %get3A_149 = tpu.vector_load %arg10[%get3A_147, %get3A_148] {strides = array<i32>} : memref<100x64xf32, #tpu.memory_space<vmem>>, vector<16xf32>,
        %mul3A_150 = arith.mulf %broadcast_in_dim3A_127, %get3A_149 : vector<16xf32>
        %add3A_151 = arith.addf %add3A_124, %mul3A_150 : vector<16xf32>
        %slice3A_152 = vector.extract_strided_slice %div3A_88 {offsets = [2], sizes = [1], strides = [1]} : vector<16xf32> to vector<1xf32>
        %squeeze3A_153 = vector.extract %slice3A_152[0] : f32 from vector<1xf32>
        %broadcast_in_dim3A_154 = vector.broadcast %squeeze3A_153 : f32 to vector<16xf32>
        %get3A_155 = arith.constant 2 : i32
        %get3A_156 = arith.index_cast %get3A_155 : i32 to index
        %get3A_157 = arith.constant 0 : index
        %get3A_158 = tpu.vector_load %arg10[%get3A_156, %get3A_157] {strides = array<i32>} : memref<100x64xf32, #tpu.memory_space<vmem>>, vector<16xf32>,
        %mul3A_159 = arith.mulf %broadcast_in_dim3A_154, %get3A_158 : vector<16xf32>
        %add3A_160 = arith.addf %add3A_133, %mul3A_159 : vector<16xf32>
        %get3A_161 = arith.constant 2 : i32
        %get3A_162 = arith.index_cast %get3A_161 : i32 to index
        %get3A_163 = arith.constant 16 : index
        %get3A_164 = tpu.vector_load %arg10[%get3A_162, %get3A_163] {strides = array<i32>} : memref<100x64xf32, #tpu.memory_space<vmem>>, vector<16xf32>,
        %mul3A_165 = arith.mulf %broadcast_in_dim3A_154, %get3A_164 : vector<16xf32>
        %add3A_166 = arith.addf %add3A_139, %mul3A_165 : vector<16xf32>
        %get3A_167 = arith.constant 2 : i32
        %get3A_168 = arith.index_cast %get3A_167 : i32 to index
        %get3A_169 = arith.constant 32 : index
        %get3A_170 = tpu.vector_load %arg10[%get3A_168, %get3A_169] {strides = array<i32>} : memref<100x64xf32, #tpu.memory_space<vmem>>, vector<16xf32>,
        %mul3A_171 = arith.mulf %broadcast_in_dim3A_154, %get3A_170 : vector<16xf32>
        %add3A_172 = arith.addf %add3A_145, %mul3A_171 : vector<16xf32>
        %get3A_173 = arith.constant 2 : i32
        %get3A_174 = arith.index_cast %get3A_173 : i32 to index
        %get3A_175 = arith.constant 48 : index
        %get3A_176 = tpu.vector_load %arg10[%get3A_174, %get3A_175] {strides = array<i32>} : memref<100x64xf32, #tpu.memory_space<vmem>>, vector<16xf32>,
        %mul3A_177 = arith.mulf %broadcast_in_dim3A_154, %get3A_176 : vector<16xf32>
        %add3A_178 = arith.addf %add3A_151, %mul3A_177 : vector<16xf32>
        %slice3A_179 = vector.extract_strided_slice %div3A_88 {offsets = [3], sizes = [1], strides = [1]} : vector<16xf32> to vector<1xf32>
        %squeeze3A_180 = vector.extract %slice3A_179[0] : f32 from vector<1xf32>
        %broadcast_in_dim3A_181 = vector.broadcast %squeeze3A_180 : f32 to vector<16xf32>
        %get3A_182 = arith.constant 3 : i32
        %get3A_183 = arith.index_cast %get3A_182 : i32 to index
        %get3A_184 = arith.constant 0 : index
        %get3A_185 = tpu.vector_load %arg10[%get3A_183, %get3A_184] {strides = array<i32>} : memref<100x64xf32, #tpu.memory_space<vmem>>, vector<16xf32>,
        %mul3A_186 = arith.mulf %broadcast_in_dim3A_181, %get3A_185 : vector<16xf32>
        %add3A_187 = arith.addf %add3A_160, %mul3A_186 : vector<16xf32>
        %get3A_188 = arith.constant 3 : i32
        %get3A_189 = arith.index_cast %get3A_188 : i32 to index
        %get3A_190 = arith.constant 16 : index
        %get3A_191 = tpu.vector_load %arg10[%get3A_189, %get3A_190] {strides = array<i32>} : memref<100x64xf32, #tpu.memory_space<vmem>>, vector<16xf32>,
        %mul3A_192 = arith.mulf %broadcast_in_dim3A_181, %get3A_191 : vector<16xf32>
        %add3A_193 = arith.addf %add3A_166, %mul3A_192 : vector<16xf32>
        %get3A_194 = arith.constant 3 : i32
        %get3A_195 = arith.index_cast %get3A_194 : i32 to index
        %get3A_196 = arith.constant 32 : index
        %get3A_197 = tpu.vector_load %arg10[%get3A_195, %get3A_196] {strides = array<i32>} : memref<100x64xf32, #tpu.memory_space<vmem>>, vector<16xf32>,
        %mul3A_198 = arith.mulf %broadcast_in_dim3A_181, %get3A_197 : vector<16xf32>
        %add3A_199 = arith.addf %add3A_172, %mul3A_198 : vector<16xf32>
        %get3A_200 = arith.constant 3 : i32
        %get3A_201 = arith.index_cast %get3A_200 : i32 to index
        %get3A_202 = arith.constant 48 : index
        %get3A_203 = tpu.vector_load %arg10[%get3A_201, %get3A_202] {strides = array<i32>} : memref<100x64xf32, #tpu.memory_space<vmem>>, vector<16xf32>,
        %mul3A_204 = arith.mulf %broadcast_in_dim3A_181, %get3A_203 : vector<16xf32>
        %add3A_205 = arith.addf %add3A_178, %mul3A_204 : vector<16xf32>
        %slice3A_206 = vector.extract_strided_slice %div3A_88 {offsets = [4], sizes = [1], strides = [1]} : vector<16xf32> to vector<1xf32>
        %squeeze3A_207 = vector.extract %slice3A_206[0] : f32 from vector<1xf32>
        %broadcast_in_dim3A_208 = vector.broadcast %squeeze3A_207 : f32 to vector<16xf32>
        %get3A_209 = arith.constant 4 : i32
        %get3A_210 = arith.index_cast %get3A_209 : i32 to index
        %get3A_211 = arith.constant 0 : index
        %get3A_212 = tpu.vector_load %arg10[%get3A_210, %get3A_211] {strides = array<i32>} : memref<100x64xf32, #tpu.memory_space<vmem>>, vector<16xf32>,
        %mul3A_213 = arith.mulf %broadcast_in_dim3A_208, %get3A_212 : vector<16xf32>
        %add3A_214 = arith.addf %add3A_187, %mul3A_213 : vector<16xf32>
        %get3A_215 = arith.constant 4 : i32
        %get3A_216 = arith.index_cast %get3A_215 : i32 to index
        %get3A_217 = arith.constant 16 : index
        %get3A_218 = tpu.vector_load %arg10[%get3A_216, %get3A_217] {strides = array<i32>} : memref<100x64xf32, #tpu.memory_space<vmem>>, vector<16xf32>,
        %mul3A_219 = arith.mulf %broadcast_in_dim3A_208, %get3A_218 : vector<16xf32>
        %add3A_220 = arith.addf %add3A_193, %mul3A_219 : vector<16xf32>
        %get3A_221 = arith.constant 4 : i32
        %get3A_222 = arith.index_cast %get3A_221 : i32 to index
        %get3A_223 = arith.constant 32 : index
        %get3A_224 = tpu.vector_load %arg10[%get3A_222, %get3A_223] {strides = array<i32>} : memref<100x64xf32, #tpu.memory_space<vmem>>, vector<16xf32>,
        %mul3A_225 = arith.mulf %broadcast_in_dim3A_208, %get3A_224 : vector<16xf32>
        %add3A_226 = arith.addf %add3A_199, %mul3A_225 : vector<16xf32>
        %get3A_227 = arith.constant 4 : i32
        %get3A_228 = arith.index_cast %get3A_227 : i32 to index
        %get3A_229 = arith.constant 48 : index
        %get3A_230 = tpu.vector_load %arg10[%get3A_228, %get3A_229] {strides = array<i32>} : memref<100x64xf32, #tpu.memory_space<vmem>>, vector<16xf32>,
        %mul3A_231 = arith.mulf %broadcast_in_dim3A_208, %get3A_230 : vector<16xf32>
        %add3A_232 = arith.addf %add3A_205, %mul3A_231 : vector<16xf32>
        %slice3A_233 = vector.extract_strided_slice %div3A_88 {offsets = [5], sizes = [1], strides = [1]} : vector<16xf32> to vector<1xf32>
        %squeeze3A_234 = vector.extract %slice3A_233[0] : f32 from vector<1xf32>
        %broadcast_in_dim3A_235 = vector.broadcast %squeeze3A_234 : f32 to vector<16xf32>
        %get3A_236 = arith.constant 5 : i32
        %get3A_237 = arith.index_cast %get3A_236 : i32 to index
        %get3A_238 = arith.constant 0 : index
        %get3A_239 = tpu.vector_load %arg10[%get3A_237, %get3A_238] {strides = array<i32>} : memref<100x64xf32, #tpu.memory_space<vmem>>, vector<16xf32>,
        %mul3A_240 = arith.mulf %broadcast_in_dim3A_235, %get3A_239 : vector<16xf32>
        %add3A_241 = arith.addf %add3A_214, %mul3A_240 : vector<16xf32>
        %get3A_242 = arith.constant 5 : i32
        %get3A_243 = arith.index_cast %get3A_242 : i32 to index
        %get3A_244 = arith.constant 16 : index
        %get3A_245 = tpu.vector_load %arg10[%get3A_243, %get3A_244] {strides = array<i32>} : memref<100x64xf32, #tpu.memory_space<vmem>>, vector<16xf32>,
        %mul3A_246 = arith.mulf %broadcast_in_dim3A_235, %get3A_245 : vector<16xf32>
        %add3A_247 = arith.addf %add3A_220, %mul3A_246 : vector<16xf32>
        %get3A_248 = arith.constant 5 : i32
        %get3A_249 = arith.index_cast %get3A_248 : i32 to index
        %get3A_250 = arith.constant 32 : index
        %get3A_251 = tpu.vector_load %arg10[%get3A_249, %get3A_250] {strides = array<i32>} : memref<100x64xf32, #tpu.memory_space<vmem>>, vector<16xf32>,
        %mul3A_252 = arith.mulf %broadcast_in_dim3A_235, %get3A_251 : vector<16xf32>
        %add3A_253 = arith.addf %add3A_226, %mul3A_252 : vector<16xf32>
        %get3A_254 = arith.constant 5 : i32
        %get3A_255 = arith.index_cast %get3A_254 : i32 to index
        %get3A_256 = arith.constant 48 : index
        %get3A_257 = tpu.vector_load %arg10[%get3A_255, %get3A_256] {strides = array<i32>} : memref<100x64xf32, #tpu.memory_space<vmem>>, vector<16xf32>,
        %mul3A_258 = arith.mulf %broadcast_in_dim3A_235, %get3A_257 : vector<16xf32>
        %add3A_259 = arith.addf %add3A_232, %mul3A_258 : vector<16xf32>
        %slice3A_260 = vector.extract_strided_slice %div3A_88 {offsets = [6], sizes = [1], strides = [1]} : vector<16xf32> to vector<1xf32>
        %squeeze3A_261 = vector.extract %slice3A_260[0] : f32 from vector<1xf32>
        %broadcast_in_dim3A_262 = vector.broadcast %squeeze3A_261 : f32 to vector<16xf32>
        %get3A_263 = arith.constant 6 : i32
        %get3A_264 = arith.index_cast %get3A_263 : i32 to index
        %get3A_265 = arith.constant 0 : index
        %get3A_266 = tpu.vector_load %arg10[%get3A_264, %get3A_265] {strides = array<i32>} : memref<100x64xf32, #tpu.memory_space<vmem>>, vector<16xf32>,
        %mul3A_267 = arith.mulf %broadcast_in_dim3A_262, %get3A_266 : vector<16xf32>
        %add3A_268 = arith.addf %add3A_241, %mul3A_267 : vector<16xf32>
        %get3A_269 = arith.constant 6 : i32
        %get3A_270 = arith.index_cast %get3A_269 : i32 to index
        %get3A_271 = arith.constant 16 : index
        %get3A_272 = tpu.vector_load %arg10[%get3A_270, %get3A_271] {strides = array<i32>} : memref<100x64xf32, #tpu.memory_space<vmem>>, vector<16xf32>,
        %mul3A_273 = arith.mulf %broadcast_in_dim3A_262, %get3A_272 : vector<16xf32>
        %add3A_274 = arith.addf %add3A_247, %mul3A_273 : vector<16xf32>
        %get3A_275 = arith.constant 6 : i32
        %get3A_276 = arith.index_cast %get3A_275 : i32 to index
        %get3A_277 = arith.constant 32 : index
        %get3A_278 = tpu.vector_load %arg10[%get3A_276, %get3A_277] {strides = array<i32>} : memref<100x64xf32, #tpu.memory_space<vmem>>, vector<16xf32>,
        %mul3A_279 = arith.mulf %broadcast_in_dim3A_262, %get3A_278 : vector<16xf32>
        %add3A_280 = arith.addf %add3A_253, %mul3A_279 : vector<16xf32>
        %get3A_281 = arith.constant 6 : i32
        %get3A_282 = arith.index_cast %get3A_281 : i32 to index
        %get3A_283 = arith.constant 48 : index
        %get3A_284 = tpu.vector_load %arg10[%get3A_282, %get3A_283] {strides = array<i32>} : memref<100x64xf32, #tpu.memory_space<vmem>>, vector<16xf32>,
        %mul3A_285 = arith.mulf %broadcast_in_dim3A_262, %get3A_284 : vector<16xf32>
        %add3A_286 = arith.addf %add3A_259, %mul3A_285 : vector<16xf32>
        %slice3A_287 = vector.extract_strided_slice %div3A_88 {offsets = [7], sizes = [1], strides = [1]} : vector<16xf32> to vector<1xf32>
        %squeeze3A_288 = vector.extract %slice3A_287[0] : f32 from vector<1xf32>
        %broadcast_in_dim3A_289 = vector.broadcast %squeeze3A_288 : f32 to vector<16xf32>
        %get3A_290 = arith.constant 7 : i32
        %get3A_291 = arith.index_cast %get3A_290 : i32 to index
        %get3A_292 = arith.constant 0 : index
        %get3A_293 = tpu.vector_load %arg10[%get3A_291, %get3A_292] {strides = array<i32>} : memref<100x64xf32, #tpu.memory_space<vmem>>, vector<16xf32>,
        %mul3A_294 = arith.mulf %broadcast_in_dim3A_289, %get3A_293 : vector<16xf32>
        %add3A_295 = arith.addf %add3A_268, %mul3A_294 : vector<16xf32>
        %get3A_296 = arith.constant 7 : i32
        %get3A_297 = arith.index_cast %get3A_296 : i32 to index
        %get3A_298 = arith.constant 16 : index
        %get3A_299 = tpu.vector_load %arg10[%get3A_297, %get3A_298] {strides = array<i32>} : memref<100x64xf32, #tpu.memory_space<vmem>>, vector<16xf32>,
        %mul3A_300 = arith.mulf %broadcast_in_dim3A_289, %get3A_299 : vector<16xf32>
        %add3A_301 = arith.addf %add3A_274, %mul3A_300 : vector<16xf32>
        %get3A_302 = arith.constant 7 : i32
        %get3A_303 = arith.index_cast %get3A_302 : i32 to index
        %get3A_304 = arith.constant 32 : index
        %get3A_305 = tpu.vector_load %arg10[%get3A_303, %get3A_304] {strides = array<i32>} : memref<100x64xf32, #tpu.memory_space<vmem>>, vector<16xf32>,
        %mul3A_306 = arith.mulf %broadcast_in_dim3A_289, %get3A_305 : vector<16xf32>
        %add3A_307 = arith.addf %add3A_280, %mul3A_306 : vector<16xf32>
        %get3A_308 = arith.constant 7 : i32
        %get3A_309 = arith.index_cast %get3A_308 : i32 to index
        %get3A_310 = arith.constant 48 : index
        %get3A_311 = tpu.vector_load %arg10[%get3A_309, %get3A_310] {strides = array<i32>} : memref<100x64xf32, #tpu.memory_space<vmem>>, vector<16xf32>,
        %mul3A_312 = arith.mulf %broadcast_in_dim3A_289, %get3A_311 : vector<16xf32>
        %add3A_313 = arith.addf %add3A_286, %mul3A_312 : vector<16xf32>
        %slice3A_314 = vector.extract_strided_slice %div3A_88 {offsets = [8], sizes = [1], strides = [1]} : vector<16xf32> to vector<1xf32>
        %squeeze3A_315 = vector.extract %slice3A_314[0] : f32 from vector<1xf32>
        %broadcast_in_dim3A_316 = vector.broadcast %squeeze3A_315 : f32 to vector<16xf32>
        %get3A_317 = arith.constant 8 : i32
        %get3A_318 = arith.index_cast %get3A_317 : i32 to index
        %get3A_319 = arith.constant 0 : index
        %get3A_320 = tpu.vector_load %arg10[%get3A_318, %get3A_319] {strides = array<i32>} : memref<100x64xf32, #tpu.memory_space<vmem>>, vector<16xf32>,
        %mul3A_321 = arith.mulf %broadcast_in_dim3A_316, %get3A_320 : vector<16xf32>
        %add3A_322 = arith.addf %add3A_295, %mul3A_321 : vector<16xf32>
        %get3A_323 = arith.constant 8 : i32
        %get3A_324 = arith.index_cast %get3A_323 : i32 to index
        %get3A_325 = arith.constant 16 : index
        %get3A_326 = tpu.vector_load %arg10[%get3A_324, %get3A_325] {strides = array<i32>} : memref<100x64xf32, #tpu.memory_space<vmem>>, vector<16xf32>,
        %mul3A_327 = arith.mulf %broadcast_in_dim3A_316, %get3A_326 : vector<16xf32>
        %add3A_328 = arith.addf %add3A_301, %mul3A_327 : vector<16xf32>
        %get3A_329 = arith.constant 8 : i32
        %get3A_330 = arith.index_cast %get3A_329 : i32 to index
        %get3A_331 = arith.constant 32 : index
        %get3A_332 = tpu.vector_load %arg10[%get3A_330, %get3A_331] {strides = array<i32>} : memref<100x64xf32, #tpu.memory_space<vmem>>, vector<16xf32>,
        %mul3A_333 = arith.mulf %broadcast_in_dim3A_316, %get3A_332 : vector<16xf32>
        %add3A_334 = arith.addf %add3A_307, %mul3A_333 : vector<16xf32>
        %get3A_335 = arith.constant 8 : i32
        %get3A_336 = arith.index_cast %get3A_335 : i32 to index
        %get3A_337 = arith.constant 48 : index
        %get3A_338 = tpu.vector_load %arg10[%get3A_336, %get3A_337] {strides = array<i32>} : memref<100x64xf32, #tpu.memory_space<vmem>>, vector<16xf32>,
        %mul3A_339 = arith.mulf %broadcast_in_dim3A_316, %get3A_338 : vector<16xf32>
        %add3A_340 = arith.addf %add3A_313, %mul3A_339 : vector<16xf32>
        %slice3A_341 = vector.extract_strided_slice %div3A_88 {offsets = [9], sizes = [1], strides = [1]} : vector<16xf32> to vector<1xf32>
        %squeeze3A_342 = vector.extract %slice3A_341[0] : f32 from vector<1xf32>
        %broadcast_in_dim3A_343 = vector.broadcast %squeeze3A_342 : f32 to vector<16xf32>
        %get3A_344 = arith.constant 9 : i32
        %get3A_345 = arith.index_cast %get3A_344 : i32 to index
        %get3A_346 = arith.constant 0 : index
        %get3A_347 = tpu.vector_load %arg10[%get3A_345, %get3A_346] {strides = array<i32>} : memref<100x64xf32, #tpu.memory_space<vmem>>, vector<16xf32>,
        %mul3A_348 = arith.mulf %broadcast_in_dim3A_343, %get3A_347 : vector<16xf32>
        %add3A_349 = arith.addf %add3A_322, %mul3A_348 : vector<16xf32>
        %get3A_350 = arith.constant 9 : i32
        %get3A_351 = arith.index_cast %get3A_350 : i32 to index
        %get3A_352 = arith.constant 16 : index
        %get3A_353 = tpu.vector_load %arg10[%get3A_351, %get3A_352] {strides = array<i32>} : memref<100x64xf32, #tpu.memory_space<vmem>>, vector<16xf32>,
        %mul3A_354 = arith.mulf %broadcast_in_dim3A_343, %get3A_353 : vector<16xf32>
        %add3A_355 = arith.addf %add3A_328, %mul3A_354 : vector<16xf32>
        %get3A_356 = arith.constant 9 : i32
        %get3A_357 = arith.index_cast %get3A_356 : i32 to index
        %get3A_358 = arith.constant 32 : index
        %get3A_359 = tpu.vector_load %arg10[%get3A_357, %get3A_358] {strides = array<i32>} : memref<100x64xf32, #tpu.memory_space<vmem>>, vector<16xf32>,
        %mul3A_360 = arith.mulf %broadcast_in_dim3A_343, %get3A_359 : vector<16xf32>
        %add3A_361 = arith.addf %add3A_334, %mul3A_360 : vector<16xf32>
        %get3A_362 = arith.constant 9 : i32
        %get3A_363 = arith.index_cast %get3A_362 : i32 to index
        %get3A_364 = arith.constant 48 : index
        %get3A_365 = tpu.vector_load %arg10[%get3A_363, %get3A_364] {strides = array<i32>} : memref<100x64xf32, #tpu.memory_space<vmem>>, vector<16xf32>,
        %mul3A_366 = arith.mulf %broadcast_in_dim3A_343, %get3A_365 : vector<16xf32>
        %add3A_367 = arith.addf %add3A_340, %mul3A_366 : vector<16xf32>
        %slice3A_368 = vector.extract_strided_slice %div3A_88 {offsets = [10], sizes = [1], strides = [1]} : vector<16xf32> to vector<1xf32>
        %squeeze3A_369 = vector.extract %slice3A_368[0] : f32 from vector<1xf32>
        %broadcast_in_dim3A_370 = vector.broadcast %squeeze3A_369 : f32 to vector<16xf32>
        %get3A_371 = arith.constant 10 : i32
        %get3A_372 = arith.index_cast %get3A_371 : i32 to index
        %get3A_373 = arith.constant 0 : index
        %get3A_374 = tpu.vector_load %arg10[%get3A_372, %get3A_373] {strides = array<i32>} : memref<100x64xf32, #tpu.memory_space<vmem>>, vector<16xf32>,
        %mul3A_375 = arith.mulf %broadcast_in_dim3A_370, %get3A_374 : vector<16xf32>
        %add3A_376 = arith.addf %add3A_349, %mul3A_375 : vector<16xf32>
        %get3A_377 = arith.constant 10 : i32
        %get3A_378 = arith.index_cast %get3A_377 : i32 to index
        %get3A_379 = arith.constant 16 : index
        %get3A_380 = tpu.vector_load %arg10[%get3A_378, %get3A_379] {strides = array<i32>} : memref<100x64xf32, #tpu.memory_space<vmem>>, vector<16xf32>,
        %mul3A_381 = arith.mulf %broadcast_in_dim3A_370, %get3A_380 : vector<16xf32>
        %add3A_382 = arith.addf %add3A_355, %mul3A_381 : vector<16xf32>
        %get3A_383 = arith.constant 10 : i32
        %get3A_384 = arith.index_cast %get3A_383 : i32 to index
        %get3A_385 = arith.constant 32 : index
        %get3A_386 = tpu.vector_load %arg10[%get3A_384, %get3A_385] {strides = array<i32>} : memref<100x64xf32, #tpu.memory_space<vmem>>, vector<16xf32>,
        %mul3A_387 = arith.mulf %broadcast_in_dim3A_370, %get3A_386 : vector<16xf32>
        %add3A_388 = arith.addf %add3A_361, %mul3A_387 : vector<16xf32>
        %get3A_389 = arith.constant 10 : i32
        %get3A_390 = arith.index_cast %get3A_389 : i32 to index
        %get3A_391 = arith.constant 48 : index
        %get3A_392 = tpu.vector_load %arg10[%get3A_390, %get3A_391] {strides = array<i32>} : memref<100x64xf32, #tpu.memory_space<vmem>>, vector<16xf32>,
        %mul3A_393 = arith.mulf %broadcast_in_dim3A_370, %get3A_392 : vector<16xf32>
        %add3A_394 = arith.addf %add3A_367, %mul3A_393 : vector<16xf32>
        %slice3A_395 = vector.extract_strided_slice %div3A_88 {offsets = [11], sizes = [1], strides = [1]} : vector<16xf32> to vector<1xf32>
        %squeeze3A_396 = vector.extract %slice3A_395[0] : f32 from vector<1xf32>
        %broadcast_in_dim3A_397 = vector.broadcast %squeeze3A_396 : f32 to vector<16xf32>
        %get3A_398 = arith.constant 11 : i32
        %get3A_399 = arith.index_cast %get3A_398 : i32 to index
        %get3A_400 = arith.constant 0 : index
        %get3A_401 = tpu.vector_load %arg10[%get3A_399, %get3A_400] {strides = array<i32>} : memref<100x64xf32, #tpu.memory_space<vmem>>, vector<16xf32>,
        %mul3A_402 = arith.mulf %broadcast_in_dim3A_397, %get3A_401 : vector<16xf32>
        %add3A_403 = arith.addf %add3A_376, %mul3A_402 : vector<16xf32>
        %get3A_404 = arith.constant 11 : i32
        %get3A_405 = arith.index_cast %get3A_404 : i32 to index
        %get3A_406 = arith.constant 16 : index
        %get3A_407 = tpu.vector_load %arg10[%get3A_405, %get3A_406] {strides = array<i32>} : memref<100x64xf32, #tpu.memory_space<vmem>>, vector<16xf32>,
        %mul3A_408 = arith.mulf %broadcast_in_dim3A_397, %get3A_407 : vector<16xf32>
        %add3A_409 = arith.addf %add3A_382, %mul3A_408 : vector<16xf32>
        %get3A_410 = arith.constant 11 : i32
        %get3A_411 = arith.index_cast %get3A_410 : i32 to index
        %get3A_412 = arith.constant 32 : index
        %get3A_413 = tpu.vector_load %arg10[%get3A_411, %get3A_412] {strides = array<i32>} : memref<100x64xf32, #tpu.memory_space<vmem>>, vector<16xf32>,
        %mul3A_414 = arith.mulf %broadcast_in_dim3A_397, %get3A_413 : vector<16xf32>
        %add3A_415 = arith.addf %add3A_388, %mul3A_414 : vector<16xf32>
        %get3A_416 = arith.constant 11 : i32
        %get3A_417 = arith.index_cast %get3A_416 : i32 to index
        %get3A_418 = arith.constant 48 : index
        %get3A_419 = tpu.vector_load %arg10[%get3A_417, %get3A_418] {strides = array<i32>} : memref<100x64xf32, #tpu.memory_space<vmem>>, vector<16xf32>,
        %mul3A_420 = arith.mulf %broadcast_in_dim3A_397, %get3A_419 : vector<16xf32>
        %add3A_421 = arith.addf %add3A_394, %mul3A_420 : vector<16xf32>
        %slice3A_422 = vector.extract_strided_slice %div3A_88 {offsets = [12], sizes = [1], strides = [1]} : vector<16xf32> to vector<1xf32>
        %squeeze3A_423 = vector.extract %slice3A_422[0] : f32 from vector<1xf32>
        %broadcast_in_dim3A_424 = vector.broadcast %squeeze3A_423 : f32 to vector<16xf32>
        %get3A_425 = arith.constant 12 : i32
        %get3A_426 = arith.index_cast %get3A_425 : i32 to index
        %get3A_427 = arith.constant 0 : index
        %get3A_428 = tpu.vector_load %arg10[%get3A_426, %get3A_427] {strides = array<i32>} : memref<100x64xf32, #tpu.memory_space<vmem>>, vector<16xf32>,
        %mul3A_429 = arith.mulf %broadcast_in_dim3A_424, %get3A_428 : vector<16xf32>
        %add3A_430 = arith.addf %add3A_403, %mul3A_429 : vector<16xf32>
        %get3A_431 = arith.constant 12 : i32
        %get3A_432 = arith.index_cast %get3A_431 : i32 to index
        %get3A_433 = arith.constant 16 : index
        %get3A_434 = tpu.vector_load %arg10[%get3A_432, %get3A_433] {strides = array<i32>} : memref<100x64xf32, #tpu.memory_space<vmem>>, vector<16xf32>,
        %mul3A_435 = arith.mulf %broadcast_in_dim3A_424, %get3A_434 : vector<16xf32>
        %add3A_436 = arith.addf %add3A_409, %mul3A_435 : vector<16xf32>
        %get3A_437 = arith.constant 12 : i32
        %get3A_438 = arith.index_cast %get3A_437 : i32 to index
        %get3A_439 = arith.constant 32 : index
        %get3A_440 = tpu.vector_load %arg10[%get3A_438, %get3A_439] {strides = array<i32>} : memref<100x64xf32, #tpu.memory_space<vmem>>, vector<16xf32>,
        %mul3A_441 = arith.mulf %broadcast_in_dim3A_424, %get3A_440 : vector<16xf32>
        %add3A_442 = arith.addf %add3A_415, %mul3A_441 : vector<16xf32>
        %get3A_443 = arith.constant 12 : i32
        %get3A_444 = arith.index_cast %get3A_443 : i32 to index
        %get3A_445 = arith.constant 48 : index
        %get3A_446 = tpu.vector_load %arg10[%get3A_444, %get3A_445] {strides = array<i32>} : memref<100x64xf32, #tpu.memory_space<vmem>>, vector<16xf32>,
        %mul3A_447 = arith.mulf %broadcast_in_dim3A_424, %get3A_446 : vector<16xf32>
        %add3A_448 = arith.addf %add3A_421, %mul3A_447 : vector<16xf32>
        %slice3A_449 = vector.extract_strided_slice %div3A_88 {offsets = [13], sizes = [1], strides = [1]} : vector<16xf32> to vector<1xf32>
        %squeeze3A_450 = vector.extract %slice3A_449[0] : f32 from vector<1xf32>
        %broadcast_in_dim3A_451 = vector.broadcast %squeeze3A_450 : f32 to vector<16xf32>
        %get3A_452 = arith.constant 13 : i32
        %get3A_453 = arith.index_cast %get3A_452 : i32 to index
        %get3A_454 = arith.constant 0 : index
        %get3A_455 = tpu.vector_load %arg10[%get3A_453, %get3A_454] {strides = array<i32>} : memref<100x64xf32, #tpu.memory_space<vmem>>, vector<16xf32>,
        %mul3A_456 = arith.mulf %broadcast_in_dim3A_451, %get3A_455 : vector<16xf32>
        %add3A_457 = arith.addf %add3A_430, %mul3A_456 : vector<16xf32>
        %get3A_458 = arith.constant 13 : i32
        %get3A_459 = arith.index_cast %get3A_458 : i32 to index
        %get3A_460 = arith.constant 16 : index
        %get3A_461 = tpu.vector_load %arg10[%get3A_459, %get3A_460] {strides = array<i32>} : memref<100x64xf32, #tpu.memory_space<vmem>>, vector<16xf32>,
        %mul3A_462 = arith.mulf %broadcast_in_dim3A_451, %get3A_461 : vector<16xf32>
        %add3A_463 = arith.addf %add3A_436, %mul3A_462 : vector<16xf32>
        %get3A_464 = arith.constant 13 : i32
        %get3A_465 = arith.index_cast %get3A_464 : i32 to index
        %get3A_466 = arith.constant 32 : index
        %get3A_467 = tpu.vector_load %arg10[%get3A_465, %get3A_466] {strides = array<i32>} : memref<100x64xf32, #tpu.memory_space<vmem>>, vector<16xf32>,
        %mul3A_468 = arith.mulf %broadcast_in_dim3A_451, %get3A_467 : vector<16xf32>
        %add3A_469 = arith.addf %add3A_442, %mul3A_468 : vector<16xf32>
        %get3A_470 = arith.constant 13 : i32
        %get3A_471 = arith.index_cast %get3A_470 : i32 to index
        %get3A_472 = arith.constant 48 : index
        %get3A_473 = tpu.vector_load %arg10[%get3A_471, %get3A_472] {strides = array<i32>} : memref<100x64xf32, #tpu.memory_space<vmem>>, vector<16xf32>,
        %mul3A_474 = arith.mulf %broadcast_in_dim3A_451, %get3A_473 : vector<16xf32>
        %add3A_475 = arith.addf %add3A_448, %mul3A_474 : vector<16xf32>
        %slice3A_476 = vector.extract_strided_slice %div3A_88 {offsets = [14], sizes = [1], strides = [1]} : vector<16xf32> to vector<1xf32>
        %squeeze3A_477 = vector.extract %slice3A_476[0] : f32 from vector<1xf32>
        %broadcast_in_dim3A_478 = vector.broadcast %squeeze3A_477 : f32 to vector<16xf32>
        %get3A_479 = arith.constant 14 : i32
        %get3A_480 = arith.index_cast %get3A_479 : i32 to index
        %get3A_481 = arith.constant 0 : index
        %get3A_482 = tpu.vector_load %arg10[%get3A_480, %get3A_481] {strides = array<i32>} : memref<100x64xf32, #tpu.memory_space<vmem>>, vector<16xf32>,
        %mul3A_483 = arith.mulf %broadcast_in_dim3A_478, %get3A_482 : vector<16xf32>
        %add3A_484 = arith.addf %add3A_457, %mul3A_483 : vector<16xf32>
        %get3A_485 = arith.constant 14 : i32
        %get3A_486 = arith.index_cast %get3A_485 : i32 to index
        %get3A_487 = arith.constant 16 : index
        %get3A_488 = tpu.vector_load %arg10[%get3A_486, %get3A_487] {strides = array<i32>} : memref<100x64xf32, #tpu.memory_space<vmem>>, vector<16xf32>,
        %mul3A_489 = arith.mulf %broadcast_in_dim3A_478, %get3A_488 : vector<16xf32>
        %add3A_490 = arith.addf %add3A_463, %mul3A_489 : vector<16xf32>
        %get3A_491 = arith.constant 14 : i32
        %get3A_492 = arith.index_cast %get3A_491 : i32 to index
        %get3A_493 = arith.constant 32 : index
        %get3A_494 = tpu.vector_load %arg10[%get3A_492, %get3A_493] {strides = array<i32>} : memref<100x64xf32, #tpu.memory_space<vmem>>, vector<16xf32>,
        %mul3A_495 = arith.mulf %broadcast_in_dim3A_478, %get3A_494 : vector<16xf32>
        %add3A_496 = arith.addf %add3A_469, %mul3A_495 : vector<16xf32>
        %get3A_497 = arith.constant 14 : i32
        %get3A_498 = arith.index_cast %get3A_497 : i32 to index
        %get3A_499 = arith.constant 48 : index
        %get3A_500 = tpu.vector_load %arg10[%get3A_498, %get3A_499] {strides = array<i32>} : memref<100x64xf32, #tpu.memory_space<vmem>>, vector<16xf32>,
        %mul3A_501 = arith.mulf %broadcast_in_dim3A_478, %get3A_500 : vector<16xf32>
        %add3A_502 = arith.addf %add3A_475, %mul3A_501 : vector<16xf32>
        %slice3A_503 = vector.extract_strided_slice %div3A_88 {offsets = [15], sizes = [1], strides = [1]} : vector<16xf32> to vector<1xf32>
        %squeeze3A_504 = vector.extract %slice3A_503[0] : f32 from vector<1xf32>
        %broadcast_in_dim3A_505 = vector.broadcast %squeeze3A_504 : f32 to vector<16xf32>
        %get3A_506 = arith.constant 15 : i32
        %get3A_507 = arith.index_cast %get3A_506 : i32 to index
        %get3A_508 = arith.constant 0 : index
        %get3A_509 = tpu.vector_load %arg10[%get3A_507, %get3A_508] {strides = array<i32>} : memref<100x64xf32, #tpu.memory_space<vmem>>, vector<16xf32>,
        %mul3A_510 = arith.mulf %broadcast_in_dim3A_505, %get3A_509 : vector<16xf32>
        %add3A_511 = arith.addf %add3A_484, %mul3A_510 : vector<16xf32>
        %get3A_512 = arith.constant 15 : i32
        %get3A_513 = arith.index_cast %get3A_512 : i32 to index
        %get3A_514 = arith.constant 16 : index
        %get3A_515 = tpu.vector_load %arg10[%get3A_513, %get3A_514] {strides = array<i32>} : memref<100x64xf32, #tpu.memory_space<vmem>>, vector<16xf32>,
        %mul3A_516 = arith.mulf %broadcast_in_dim3A_505, %get3A_515 : vector<16xf32>
        %add3A_517 = arith.addf %add3A_490, %mul3A_516 : vector<16xf32>
        %get3A_518 = arith.constant 15 : i32
        %get3A_519 = arith.index_cast %get3A_518 : i32 to index
        %get3A_520 = arith.constant 32 : index
        %get3A_521 = tpu.vector_load %arg10[%get3A_519, %get3A_520] {strides = array<i32>} : memref<100x64xf32, #tpu.memory_space<vmem>>, vector<16xf32>,
        %mul3A_522 = arith.mulf %broadcast_in_dim3A_505, %get3A_521 : vector<16xf32>
        %add3A_523 = arith.addf %add3A_496, %mul3A_522 : vector<16xf32>
        %get3A_524 = arith.constant 15 : i32
        %get3A_525 = arith.index_cast %get3A_524 : i32 to index
        %get3A_526 = arith.constant 48 : index
        %get3A_527 = tpu.vector_load %arg10[%get3A_525, %get3A_526] {strides = array<i32>} : memref<100x64xf32, #tpu.memory_space<vmem>>, vector<16xf32>,
        %mul3A_528 = arith.mulf %broadcast_in_dim3A_505, %get3A_527 : vector<16xf32>
        %add3A_529 = arith.addf %add3A_502, %mul3A_528 : vector<16xf32>
        %slice3A_530 = vector.extract_strided_slice %div3A_89 {offsets = [0], sizes = [1], strides = [1]} : vector<16xf32> to vector<1xf32>
        %squeeze3A_531 = vector.extract %slice3A_530[0] : f32 from vector<1xf32>
        %broadcast_in_dim3A_532 = vector.broadcast %squeeze3A_531 : f32 to vector<16xf32>
        %get3A_533 = arith.constant 16 : i32
        %get3A_534 = arith.index_cast %get3A_533 : i32 to index
        %get3A_535 = arith.constant 0 : index
        %get3A_536 = tpu.vector_load %arg10[%get3A_534, %get3A_535] {strides = array<i32>} : memref<100x64xf32, #tpu.memory_space<vmem>>, vector<16xf32>,
        %mul3A_537 = arith.mulf %broadcast_in_dim3A_532, %get3A_536 : vector<16xf32>
        %add3A_538 = arith.addf %add3A_511, %mul3A_537 : vector<16xf32>
        %get3A_539 = arith.constant 16 : i32
        %get3A_540 = arith.index_cast %get3A_539 : i32 to index
        %get3A_541 = arith.constant 16 : index
        %get3A_542 = tpu.vector_load %arg10[%get3A_540, %get3A_541] {strides = array<i32>} : memref<100x64xf32, #tpu.memory_space<vmem>>, vector<16xf32>,
        %mul3A_543 = arith.mulf %broadcast_in_dim3A_532, %get3A_542 : vector<16xf32>
        %add3A_544 = arith.addf %add3A_517, %mul3A_543 : vector<16xf32>
        %get3A_545 = arith.constant 16 : i32
        %get3A_546 = arith.index_cast %get3A_545 : i32 to index
        %get3A_547 = arith.constant 32 : index
        %get3A_548 = tpu.vector_load %arg10[%get3A_546, %get3A_547] {strides = array<i32>} : memref<100x64xf32, #tpu.memory_space<vmem>>, vector<16xf32>,
        %mul3A_549 = arith.mulf %broadcast_in_dim3A_532, %get3A_548 : vector<16xf32>
        %add3A_550 = arith.addf %add3A_523, %mul3A_549 : vector<16xf32>
        %get3A_551 = arith.constant 16 : i32
        %get3A_552 = arith.index_cast %get3A_551 : i32 to index
        %get3A_553 = arith.constant 48 : index
        %get3A_554 = tpu.vector_load %arg10[%get3A_552, %get3A_553] {strides = array<i32>} : memref<100x64xf32, #tpu.memory_space<vmem>>, vector<16xf32>,
        %mul3A_555 = arith.mulf %broadcast_in_dim3A_532, %get3A_554 : vector<16xf32>
        %add3A_556 = arith.addf %add3A_529, %mul3A_555 : vector<16xf32>
        %slice3A_557 = vector.extract_strided_slice %div3A_89 {offsets = [1], sizes = [1], strides = [1]} : vector<16xf32> to vector<1xf32>
        %squeeze3A_558 = vector.extract %slice3A_557[0] : f32 from vector<1xf32>
        %broadcast_in_dim3A_559 = vector.broadcast %squeeze3A_558 : f32 to vector<16xf32>
        %get3A_560 = arith.constant 17 : i32
        %get3A_561 = arith.index_cast %get3A_560 : i32 to index
        %get3A_562 = arith.constant 0 : index
        %get3A_563 = tpu.vector_load %arg10[%get3A_561, %get3A_562] {strides = array<i32>} : memref<100x64xf32, #tpu.memory_space<vmem>>, vector<16xf32>,
        %mul3A_564 = arith.mulf %broadcast_in_dim3A_559, %get3A_563 : vector<16xf32>
        %add3A_565 = arith.addf %add3A_538, %mul3A_564 : vector<16xf32>
        %get3A_566 = arith.constant 17 : i32
        %get3A_567 = arith.index_cast %get3A_566 : i32 to index
        %get3A_568 = arith.constant 16 : index
        %get3A_569 = tpu.vector_load %arg10[%get3A_567, %get3A_568] {strides = array<i32>} : memref<100x64xf32, #tpu.memory_space<vmem>>, vector<16xf32>,
        %mul3A_570 = arith.mulf %broadcast_in_dim3A_559, %get3A_569 : vector<16xf32>
        %add3A_571 = arith.addf %add3A_544, %mul3A_570 : vector<16xf32>
        %get3A_572 = arith.constant 17 : i32
        %get3A_573 = arith.index_cast %get3A_572 : i32 to index
        %get3A_574 = arith.constant 32 : index
        %get3A_575 = tpu.vector_load %arg10[%get3A_573, %get3A_574] {strides = array<i32>} : memref<100x64xf32, #tpu.memory_space<vmem>>, vector<16xf32>,
        %mul3A_576 = arith.mulf %broadcast_in_dim3A_559, %get3A_575 : vector<16xf32>
        %add3A_577 = arith.addf %add3A_550, %mul3A_576 : vector<16xf32>
        %get3A_578 = arith.constant 17 : i32
        %get3A_579 = arith.index_cast %get3A_578 : i32 to index
        %get3A_580 = arith.constant 48 : index
        %get3A_581 = tpu.vector_load %arg10[%get3A_579, %get3A_580] {strides = array<i32>} : memref<100x64xf32, #tpu.memory_space<vmem>>, vector<16xf32>,
        %mul3A_582 = arith.mulf %broadcast_in_dim3A_559, %get3A_581 : vector<16xf32>
        %add3A_583 = arith.addf %add3A_556, %mul3A_582 : vector<16xf32>
        %slice3A_584 = vector.extract_strided_slice %div3A_89 {offsets = [2], sizes = [1], strides = [1]} : vector<16xf32> to vector<1xf32>
        %squeeze3A_585 = vector.extract %slice3A_584[0] : f32 from vector<1xf32>
        %broadcast_in_dim3A_586 = vector.broadcast %squeeze3A_585 : f32 to vector<16xf32>
        %get3A_587 = arith.constant 18 : i32
        %get3A_588 = arith.index_cast %get3A_587 : i32 to index
        %get3A_589 = arith.constant 0 : index
        %get3A_590 = tpu.vector_load %arg10[%get3A_588, %get3A_589] {strides = array<i32>} : memref<100x64xf32, #tpu.memory_space<vmem>>, vector<16xf32>,
        %mul3A_591 = arith.mulf %broadcast_in_dim3A_586, %get3A_590 : vector<16xf32>
        %add3A_592 = arith.addf %add3A_565, %mul3A_591 : vector<16xf32>
        %get3A_593 = arith.constant 18 : i32
        %get3A_594 = arith.index_cast %get3A_593 : i32 to index
        %get3A_595 = arith.constant 16 : index
        %get3A_596 = tpu.vector_load %arg10[%get3A_594, %get3A_595] {strides = array<i32>} : memref<100x64xf32, #tpu.memory_space<vmem>>, vector<16xf32>,
        %mul3A_597 = arith.mulf %broadcast_in_dim3A_586, %get3A_596 : vector<16xf32>
        %add3A_598 = arith.addf %add3A_571, %mul3A_597 : vector<16xf32>
        %get3A_599 = arith.constant 18 : i32
        %get3A_600 = arith.index_cast %get3A_599 : i32 to index
        %get3A_601 = arith.constant 32 : index
        %get3A_602 = tpu.vector_load %arg10[%get3A_600, %get3A_601] {strides = array<i32>} : memref<100x64xf32, #tpu.memory_space<vmem>>, vector<16xf32>,
        %mul3A_603 = arith.mulf %broadcast_in_dim3A_586, %get3A_602 : vector<16xf32>
        %add3A_604 = arith.addf %add3A_577, %mul3A_603 : vector<16xf32>
        %get3A_605 = arith.constant 18 : i32
        %get3A_606 = arith.index_cast %get3A_605 : i32 to index
        %get3A_607 = arith.constant 48 : index
        %get3A_608 = tpu.vector_load %arg10[%get3A_606, %get3A_607] {strides = array<i32>} : memref<100x64xf32, #tpu.memory_space<vmem>>, vector<16xf32>,
        %mul3A_609 = arith.mulf %broadcast_in_dim3A_586, %get3A_608 : vector<16xf32>
        %add3A_610 = arith.addf %add3A_583, %mul3A_609 : vector<16xf32>
        %slice3A_611 = vector.extract_strided_slice %div3A_89 {offsets = [3], sizes = [1], strides = [1]} : vector<16xf32> to vector<1xf32>
        %squeeze3A_612 = vector.extract %slice3A_611[0] : f32 from vector<1xf32>
        %broadcast_in_dim3A_613 = vector.broadcast %squeeze3A_612 : f32 to vector<16xf32>
        %get3A_614 = arith.constant 19 : i32
        %get3A_615 = arith.index_cast %get3A_614 : i32 to index
        %get3A_616 = arith.constant 0 : index
        %get3A_617 = tpu.vector_load %arg10[%get3A_615, %get3A_616] {strides = array<i32>} : memref<100x64xf32, #tpu.memory_space<vmem>>, vector<16xf32>,
        %mul3A_618 = arith.mulf %broadcast_in_dim3A_613, %get3A_617 : vector<16xf32>
        %add3A_619 = arith.addf %add3A_592, %mul3A_618 : vector<16xf32>
        %get3A_620 = arith.constant 19 : i32
        %get3A_621 = arith.index_cast %get3A_620 : i32 to index
        %get3A_622 = arith.constant 16 : index
        %get3A_623 = tpu.vector_load %arg10[%get3A_621, %get3A_622] {strides = array<i32>} : memref<100x64xf32, #tpu.memory_space<vmem>>, vector<16xf32>,
        %mul3A_624 = arith.mulf %broadcast_in_dim3A_613, %get3A_623 : vector<16xf32>
        %add3A_625 = arith.addf %add3A_598, %mul3A_624 : vector<16xf32>
        %get3A_626 = arith.constant 19 : i32
        %get3A_627 = arith.index_cast %get3A_626 : i32 to index
        %get3A_628 = arith.constant 32 : index
        %get3A_629 = tpu.vector_load %arg10[%get3A_627, %get3A_628] {strides = array<i32>} : memref<100x64xf32, #tpu.memory_space<vmem>>, vector<16xf32>,
        %mul3A_630 = arith.mulf %broadcast_in_dim3A_613, %get3A_629 : vector<16xf32>
        %add3A_631 = arith.addf %add3A_604, %mul3A_630 : vector<16xf32>
        %get3A_632 = arith.constant 19 : i32
        %get3A_633 = arith.index_cast %get3A_632 : i32 to index
        %get3A_634 = arith.constant 48 : index
        %get3A_635 = tpu.vector_load %arg10[%get3A_633, %get3A_634] {strides = array<i32>} : memref<100x64xf32, #tpu.memory_space<vmem>>, vector<16xf32>,
        %mul3A_636 = arith.mulf %broadcast_in_dim3A_613, %get3A_635 : vector<16xf32>
        %add3A_637 = arith.addf %add3A_610, %mul3A_636 : vector<16xf32>
        %slice3A_638 = vector.extract_strided_slice %div3A_89 {offsets = [4], sizes = [1], strides = [1]} : vector<16xf32> to vector<1xf32>
        %squeeze3A_639 = vector.extract %slice3A_638[0] : f32 from vector<1xf32>
        %broadcast_in_dim3A_640 = vector.broadcast %squeeze3A_639 : f32 to vector<16xf32>
        %get3A_641 = arith.constant 20 : i32
        %get3A_642 = arith.index_cast %get3A_641 : i32 to index
        %get3A_643 = arith.constant 0 : index
        %get3A_644 = tpu.vector_load %arg10[%get3A_642, %get3A_643] {strides = array<i32>} : memref<100x64xf32, #tpu.memory_space<vmem>>, vector<16xf32>,
        %mul3A_645 = arith.mulf %broadcast_in_dim3A_640, %get3A_644 : vector<16xf32>
        %add3A_646 = arith.addf %add3A_619, %mul3A_645 : vector<16xf32>
        %get3A_647 = arith.constant 20 : i32
        %get3A_648 = arith.index_cast %get3A_647 : i32 to index
        %get3A_649 = arith.constant 16 : index
        %get3A_650 = tpu.vector_load %arg10[%get3A_648, %get3A_649] {strides = array<i32>} : memref<100x64xf32, #tpu.memory_space<vmem>>, vector<16xf32>,
        %mul3A_651 = arith.mulf %broadcast_in_dim3A_640, %get3A_650 : vector<16xf32>
        %add3A_652 = arith.addf %add3A_625, %mul3A_651 : vector<16xf32>
        %get3A_653 = arith.constant 20 : i32
        %get3A_654 = arith.index_cast %get3A_653 : i32 to index
        %get3A_655 = arith.constant 32 : index
        %get3A_656 = tpu.vector_load %arg10[%get3A_654, %get3A_655] {strides = array<i32>} : memref<100x64xf32, #tpu.memory_space<vmem>>, vector<16xf32>,
        %mul3A_657 = arith.mulf %broadcast_in_dim3A_640, %get3A_656 : vector<16xf32>
        %add3A_658 = arith.addf %add3A_631, %mul3A_657 : vector<16xf32>
        %get3A_659 = arith.constant 20 : i32
        %get3A_660 = arith.index_cast %get3A_659 : i32 to index
        %get3A_661 = arith.constant 48 : index
        %get3A_662 = tpu.vector_load %arg10[%get3A_660, %get3A_661] {strides = array<i32>} : memref<100x64xf32, #tpu.memory_space<vmem>>, vector<16xf32>,
        %mul3A_663 = arith.mulf %broadcast_in_dim3A_640, %get3A_662 : vector<16xf32>
        %add3A_664 = arith.addf %add3A_637, %mul3A_663 : vector<16xf32>
        %slice3A_665 = vector.extract_strided_slice %div3A_89 {offsets = [5], sizes = [1], strides = [1]} : vector<16xf32> to vector<1xf32>
        %squeeze3A_666 = vector.extract %slice3A_665[0] : f32 from vector<1xf32>
        %broadcast_in_dim3A_667 = vector.broadcast %squeeze3A_666 : f32 to vector<16xf32>
        %get3A_668 = arith.constant 21 : i32
        %get3A_669 = arith.index_cast %get3A_668 : i32 to index
        %get3A_670 = arith.constant 0 : index
        %get3A_671 = tpu.vector_load %arg10[%get3A_669, %get3A_670] {strides = array<i32>} : memref<100x64xf32, #tpu.memory_space<vmem>>, vector<16xf32>,
        %mul3A_672 = arith.mulf %broadcast_in_dim3A_667, %get3A_671 : vector<16xf32>
        %add3A_673 = arith.addf %add3A_646, %mul3A_672 : vector<16xf32>
        %get3A_674 = arith.constant 21 : i32
        %get3A_675 = arith.index_cast %get3A_674 : i32 to index
        %get3A_676 = arith.constant 16 : index
        %get3A_677 = tpu.vector_load %arg10[%get3A_675, %get3A_676] {strides = array<i32>} : memref<100x64xf32, #tpu.memory_space<vmem>>, vector<16xf32>,
        %mul3A_678 = arith.mulf %broadcast_in_dim3A_667, %get3A_677 : vector<16xf32>
        %add3A_679 = arith.addf %add3A_652, %mul3A_678 : vector<16xf32>
        %get3A_680 = arith.constant 21 : i32
        %get3A_681 = arith.index_cast %get3A_680 : i32 to index
        %get3A_682 = arith.constant 32 : index
        %get3A_683 = tpu.vector_load %arg10[%get3A_681, %get3A_682] {strides = array<i32>} : memref<100x64xf32, #tpu.memory_space<vmem>>, vector<16xf32>,
        %mul3A_684 = arith.mulf %broadcast_in_dim3A_667, %get3A_683 : vector<16xf32>
        %add3A_685 = arith.addf %add3A_658, %mul3A_684 : vector<16xf32>
        %get3A_686 = arith.constant 21 : i32
        %get3A_687 = arith.index_cast %get3A_686 : i32 to index
        %get3A_688 = arith.constant 48 : index
        %get3A_689 = tpu.vector_load %arg10[%get3A_687, %get3A_688] {strides = array<i32>} : memref<100x64xf32, #tpu.memory_space<vmem>>, vector<16xf32>,
        %mul3A_690 = arith.mulf %broadcast_in_dim3A_667, %get3A_689 : vector<16xf32>
        %add3A_691 = arith.addf %add3A_664, %mul3A_690 : vector<16xf32>
        %slice3A_692 = vector.extract_strided_slice %div3A_89 {offsets = [6], sizes = [1], strides = [1]} : vector<16xf32> to vector<1xf32>
        %squeeze3A_693 = vector.extract %slice3A_692[0] : f32 from vector<1xf32>
        %broadcast_in_dim3A_694 = vector.broadcast %squeeze3A_693 : f32 to vector<16xf32>
        %get3A_695 = arith.constant 22 : i32
        %get3A_696 = arith.index_cast %get3A_695 : i32 to index
        %get3A_697 = arith.constant 0 : index
        %get3A_698 = tpu.vector_load %arg10[%get3A_696, %get3A_697] {strides = array<i32>} : memref<100x64xf32, #tpu.memory_space<vmem>>, vector<16xf32>,
        %mul3A_699 = arith.mulf %broadcast_in_dim3A_694, %get3A_698 : vector<16xf32>
        %add3A_700 = arith.addf %add3A_673, %mul3A_699 : vector<16xf32>
        %get3A_701 = arith.constant 22 : i32
        %get3A_702 = arith.index_cast %get3A_701 : i32 to index
        %get3A_703 = arith.constant 16 : index
        %get3A_704 = tpu.vector_load %arg10[%get3A_702, %get3A_703] {strides = array<i32>} : memref<100x64xf32, #tpu.memory_space<vmem>>, vector<16xf32>,
        %mul3A_705 = arith.mulf %broadcast_in_dim3A_694, %get3A_704 : vector<16xf32>
        %add3A_706 = arith.addf %add3A_679, %mul3A_705 : vector<16xf32>
        %get3A_707 = arith.constant 22 : i32
        %get3A_708 = arith.index_cast %get3A_707 : i32 to index
        %get3A_709 = arith.constant 32 : index
        %get3A_710 = tpu.vector_load %arg10[%get3A_708, %get3A_709] {strides = array<i32>} : memref<100x64xf32, #tpu.memory_space<vmem>>, vector<16xf32>,
        %mul3A_711 = arith.mulf %broadcast_in_dim3A_694, %get3A_710 : vector<16xf32>
        %add3A_712 = arith.addf %add3A_685, %mul3A_711 : vector<16xf32>
        %get3A_713 = arith.constant 22 : i32
        %get3A_714 = arith.index_cast %get3A_713 : i32 to index
        %get3A_715 = arith.constant 48 : index
        %get3A_716 = tpu.vector_load %arg10[%get3A_714, %get3A_715] {strides = array<i32>} : memref<100x64xf32, #tpu.memory_space<vmem>>, vector<16xf32>,
        %mul3A_717 = arith.mulf %broadcast_in_dim3A_694, %get3A_716 : vector<16xf32>
        %add3A_718 = arith.addf %add3A_691, %mul3A_717 : vector<16xf32>
        %slice3A_719 = vector.extract_strided_slice %div3A_89 {offsets = [7], sizes = [1], strides = [1]} : vector<16xf32> to vector<1xf32>
        %squeeze3A_720 = vector.extract %slice3A_719[0] : f32 from vector<1xf32>
        %broadcast_in_dim3A_721 = vector.broadcast %squeeze3A_720 : f32 to vector<16xf32>
        %get3A_722 = arith.constant 23 : i32
        %get3A_723 = arith.index_cast %get3A_722 : i32 to index
        %get3A_724 = arith.constant 0 : index
        %get3A_725 = tpu.vector_load %arg10[%get3A_723, %get3A_724] {strides = array<i32>} : memref<100x64xf32, #tpu.memory_space<vmem>>, vector<16xf32>,
        %mul3A_726 = arith.mulf %broadcast_in_dim3A_721, %get3A_725 : vector<16xf32>
        %add3A_727 = arith.addf %add3A_700, %mul3A_726 : vector<16xf32>
        %get3A_728 = arith.constant 23 : i32
        %get3A_729 = arith.index_cast %get3A_728 : i32 to index
        %get3A_730 = arith.constant 16 : index
        %get3A_731 = tpu.vector_load %arg10[%get3A_729, %get3A_730] {strides = array<i32>} : memref<100x64xf32, #tpu.memory_space<vmem>>, vector<16xf32>,
        %mul3A_732 = arith.mulf %broadcast_in_dim3A_721, %get3A_731 : vector<16xf32>
        %add3A_733 = arith.addf %add3A_706, %mul3A_732 : vector<16xf32>
        %get3A_734 = arith.constant 23 : i32
        %get3A_735 = arith.index_cast %get3A_734 : i32 to index
        %get3A_736 = arith.constant 32 : index
        %get3A_737 = tpu.vector_load %arg10[%get3A_735, %get3A_736] {strides = array<i32>} : memref<100x64xf32, #tpu.memory_space<vmem>>, vector<16xf32>,
        %mul3A_738 = arith.mulf %broadcast_in_dim3A_721, %get3A_737 : vector<16xf32>
        %add3A_739 = arith.addf %add3A_712, %mul3A_738 : vector<16xf32>
        %get3A_740 = arith.constant 23 : i32
        %get3A_741 = arith.index_cast %get3A_740 : i32 to index
        %get3A_742 = arith.constant 48 : index
        %get3A_743 = tpu.vector_load %arg10[%get3A_741, %get3A_742] {strides = array<i32>} : memref<100x64xf32, #tpu.memory_space<vmem>>, vector<16xf32>,
        %mul3A_744 = arith.mulf %broadcast_in_dim3A_721, %get3A_743 : vector<16xf32>
        %add3A_745 = arith.addf %add3A_718, %mul3A_744 : vector<16xf32>
        %slice3A_746 = vector.extract_strided_slice %div3A_89 {offsets = [8], sizes = [1], strides = [1]} : vector<16xf32> to vector<1xf32>
        %squeeze3A_747 = vector.extract %slice3A_746[0] : f32 from vector<1xf32>
        %broadcast_in_dim3A_748 = vector.broadcast %squeeze3A_747 : f32 to vector<16xf32>
        %get3A_749 = arith.constant 24 : i32
        %get3A_750 = arith.index_cast %get3A_749 : i32 to index
        %get3A_751 = arith.constant 0 : index
        %get3A_752 = tpu.vector_load %arg10[%get3A_750, %get3A_751] {strides = array<i32>} : memref<100x64xf32, #tpu.memory_space<vmem>>, vector<16xf32>,
        %mul3A_753 = arith.mulf %broadcast_in_dim3A_748, %get3A_752 : vector<16xf32>
        %add3A_754 = arith.addf %add3A_727, %mul3A_753 : vector<16xf32>
        %get3A_755 = arith.constant 24 : i32
        %get3A_756 = arith.index_cast %get3A_755 : i32 to index
        %get3A_757 = arith.constant 16 : index
        %get3A_758 = tpu.vector_load %arg10[%get3A_756, %get3A_757] {strides = array<i32>} : memref<100x64xf32, #tpu.memory_space<vmem>>, vector<16xf32>,
        %mul3A_759 = arith.mulf %broadcast_in_dim3A_748, %get3A_758 : vector<16xf32>
        %add3A_760 = arith.addf %add3A_733, %mul3A_759 : vector<16xf32>
        %get3A_761 = arith.constant 24 : i32
        %get3A_762 = arith.index_cast %get3A_761 : i32 to index
        %get3A_763 = arith.constant 32 : index
        %get3A_764 = tpu.vector_load %arg10[%get3A_762, %get3A_763] {strides = array<i32>} : memref<100x64xf32, #tpu.memory_space<vmem>>, vector<16xf32>,
        %mul3A_765 = arith.mulf %broadcast_in_dim3A_748, %get3A_764 : vector<16xf32>
        %add3A_766 = arith.addf %add3A_739, %mul3A_765 : vector<16xf32>
        %get3A_767 = arith.constant 24 : i32
        %get3A_768 = arith.index_cast %get3A_767 : i32 to index
        %get3A_769 = arith.constant 48 : index
        %get3A_770 = tpu.vector_load %arg10[%get3A_768, %get3A_769] {strides = array<i32>} : memref<100x64xf32, #tpu.memory_space<vmem>>, vector<16xf32>,
        %mul3A_771 = arith.mulf %broadcast_in_dim3A_748, %get3A_770 : vector<16xf32>
        %add3A_772 = arith.addf %add3A_745, %mul3A_771 : vector<16xf32>
        %slice3A_773 = vector.extract_strided_slice %div3A_89 {offsets = [9], sizes = [1], strides = [1]} : vector<16xf32> to vector<1xf32>
        %squeeze3A_774 = vector.extract %slice3A_773[0] : f32 from vector<1xf32>
        %broadcast_in_dim3A_775 = vector.broadcast %squeeze3A_774 : f32 to vector<16xf32>
        %get3A_776 = arith.constant 25 : i32
        %get3A_777 = arith.index_cast %get3A_776 : i32 to index
        %get3A_778 = arith.constant 0 : index
        %get3A_779 = tpu.vector_load %arg10[%get3A_777, %get3A_778] {strides = array<i32>} : memref<100x64xf32, #tpu.memory_space<vmem>>, vector<16xf32>,
        %mul3A_780 = arith.mulf %broadcast_in_dim3A_775, %get3A_779 : vector<16xf32>
        %add3A_781 = arith.addf %add3A_754, %mul3A_780 : vector<16xf32>
        %get3A_782 = arith.constant 25 : i32
        %get3A_783 = arith.index_cast %get3A_782 : i32 to index
        %get3A_784 = arith.constant 16 : index
        %get3A_785 = tpu.vector_load %arg10[%get3A_783, %get3A_784] {strides = array<i32>} : memref<100x64xf32, #tpu.memory_space<vmem>>, vector<16xf32>,
        %mul3A_786 = arith.mulf %broadcast_in_dim3A_775, %get3A_785 : vector<16xf32>
        %add3A_787 = arith.addf %add3A_760, %mul3A_786 : vector<16xf32>
        %get3A_788 = arith.constant 25 : i32
        %get3A_789 = arith.index_cast %get3A_788 : i32 to index
        %get3A_790 = arith.constant 32 : index
        %get3A_791 = tpu.vector_load %arg10[%get3A_789, %get3A_790] {strides = array<i32>} : memref<100x64xf32, #tpu.memory_space<vmem>>, vector<16xf32>,
        %mul3A_792 = arith.mulf %broadcast_in_dim3A_775, %get3A_791 : vector<16xf32>
        %add3A_793 = arith.addf %add3A_766, %mul3A_792 : vector<16xf32>
        %get3A_794 = arith.constant 25 : i32
        %get3A_795 = arith.index_cast %get3A_794 : i32 to index
        %get3A_796 = arith.constant 48 : index
        %get3A_797 = tpu.vector_load %arg10[%get3A_795, %get3A_796] {strides = array<i32>} : memref<100x64xf32, #tpu.memory_space<vmem>>, vector<16xf32>,
        %mul3A_798 = arith.mulf %broadcast_in_dim3A_775, %get3A_797 : vector<16xf32>
        %add3A_799 = arith.addf %add3A_772, %mul3A_798 : vector<16xf32>
        %slice3A_800 = vector.extract_strided_slice %div3A_89 {offsets = [10], sizes = [1], strides = [1]} : vector<16xf32> to vector<1xf32>
        %squeeze3A_801 = vector.extract %slice3A_800[0] : f32 from vector<1xf32>
        %broadcast_in_dim3A_802 = vector.broadcast %squeeze3A_801 : f32 to vector<16xf32>
        %get3A_803 = arith.constant 26 : i32
        %get3A_804 = arith.index_cast %get3A_803 : i32 to index
        %get3A_805 = arith.constant 0 : index
        %get3A_806 = tpu.vector_load %arg10[%get3A_804, %get3A_805] {strides = array<i32>} : memref<100x64xf32, #tpu.memory_space<vmem>>, vector<16xf32>,
        %mul3A_807 = arith.mulf %broadcast_in_dim3A_802, %get3A_806 : vector<16xf32>
        %add3A_808 = arith.addf %add3A_781, %mul3A_807 : vector<16xf32>
        %get3A_809 = arith.constant 26 : i32
        %get3A_810 = arith.index_cast %get3A_809 : i32 to index
        %get3A_811 = arith.constant 16 : index
        %get3A_812 = tpu.vector_load %arg10[%get3A_810, %get3A_811] {strides = array<i32>} : memref<100x64xf32, #tpu.memory_space<vmem>>, vector<16xf32>,
        %mul3A_813 = arith.mulf %broadcast_in_dim3A_802, %get3A_812 : vector<16xf32>
        %add3A_814 = arith.addf %add3A_787, %mul3A_813 : vector<16xf32>
        %get3A_815 = arith.constant 26 : i32
        %get3A_816 = arith.index_cast %get3A_815 : i32 to index
        %get3A_817 = arith.constant 32 : index
        %get3A_818 = tpu.vector_load %arg10[%get3A_816, %get3A_817] {strides = array<i32>} : memref<100x64xf32, #tpu.memory_space<vmem>>, vector<16xf32>,
        %mul3A_819 = arith.mulf %broadcast_in_dim3A_802, %get3A_818 : vector<16xf32>
        %add3A_820 = arith.addf %add3A_793, %mul3A_819 : vector<16xf32>
        %get3A_821 = arith.constant 26 : i32
        %get3A_822 = arith.index_cast %get3A_821 : i32 to index
        %get3A_823 = arith.constant 48 : index
        %get3A_824 = tpu.vector_load %arg10[%get3A_822, %get3A_823] {strides = array<i32>} : memref<100x64xf32, #tpu.memory_space<vmem>>, vector<16xf32>,
        %mul3A_825 = arith.mulf %broadcast_in_dim3A_802, %get3A_824 : vector<16xf32>
        %add3A_826 = arith.addf %add3A_799, %mul3A_825 : vector<16xf32>
        %slice3A_827 = vector.extract_strided_slice %div3A_89 {offsets = [11], sizes = [1], strides = [1]} : vector<16xf32> to vector<1xf32>
        %squeeze3A_828 = vector.extract %slice3A_827[0] : f32 from vector<1xf32>
        %broadcast_in_dim3A_829 = vector.broadcast %squeeze3A_828 : f32 to vector<16xf32>
        %get3A_830 = arith.constant 27 : i32
        %get3A_831 = arith.index_cast %get3A_830 : i32 to index
        %get3A_832 = arith.constant 0 : index
        %get3A_833 = tpu.vector_load %arg10[%get3A_831, %get3A_832] {strides = array<i32>} : memref<100x64xf32, #tpu.memory_space<vmem>>, vector<16xf32>,
        %mul3A_834 = arith.mulf %broadcast_in_dim3A_829, %get3A_833 : vector<16xf32>
        %add3A_835 = arith.addf %add3A_808, %mul3A_834 : vector<16xf32>
        %get3A_836 = arith.constant 27 : i32
        %get3A_837 = arith.index_cast %get3A_836 : i32 to index
        %get3A_838 = arith.constant 16 : index
        %get3A_839 = tpu.vector_load %arg10[%get3A_837, %get3A_838] {strides = array<i32>} : memref<100x64xf32, #tpu.memory_space<vmem>>, vector<16xf32>,
        %mul3A_840 = arith.mulf %broadcast_in_dim3A_829, %get3A_839 : vector<16xf32>
        %add3A_841 = arith.addf %add3A_814, %mul3A_840 : vector<16xf32>
        %get3A_842 = arith.constant 27 : i32
        %get3A_843 = arith.index_cast %get3A_842 : i32 to index
        %get3A_844 = arith.constant 32 : index
        %get3A_845 = tpu.vector_load %arg10[%get3A_843, %get3A_844] {strides = array<i32>} : memref<100x64xf32, #tpu.memory_space<vmem>>, vector<16xf32>,
        %mul3A_846 = arith.mulf %broadcast_in_dim3A_829, %get3A_845 : vector<16xf32>
        %add3A_847 = arith.addf %add3A_820, %mul3A_846 : vector<16xf32>
        %get3A_848 = arith.constant 27 : i32
        %get3A_849 = arith.index_cast %get3A_848 : i32 to index
        %get3A_850 = arith.constant 48 : index
        %get3A_851 = tpu.vector_load %arg10[%get3A_849, %get3A_850] {strides = array<i32>} : memref<100x64xf32, #tpu.memory_space<vmem>>, vector<16xf32>,
        %mul3A_852 = arith.mulf %broadcast_in_dim3A_829, %get3A_851 : vector<16xf32>
        %add3A_853 = arith.addf %add3A_826, %mul3A_852 : vector<16xf32>
        %slice3A_854 = vector.extract_strided_slice %div3A_89 {offsets = [12], sizes = [1], strides = [1]} : vector<16xf32> to vector<1xf32>
        %squeeze3A_855 = vector.extract %slice3A_854[0] : f32 from vector<1xf32>
        %broadcast_in_dim3A_856 = vector.broadcast %squeeze3A_855 : f32 to vector<16xf32>
        %get3A_857 = arith.constant 28 : i32
        %get3A_858 = arith.index_cast %get3A_857 : i32 to index
        %get3A_859 = arith.constant 0 : index
        %get3A_860 = tpu.vector_load %arg10[%get3A_858, %get3A_859] {strides = array<i32>} : memref<100x64xf32, #tpu.memory_space<vmem>>, vector<16xf32>,
        %mul3A_861 = arith.mulf %broadcast_in_dim3A_856, %get3A_860 : vector<16xf32>
        %add3A_862 = arith.addf %add3A_835, %mul3A_861 : vector<16xf32>
        %get3A_863 = arith.constant 28 : i32
        %get3A_864 = arith.index_cast %get3A_863 : i32 to index
        %get3A_865 = arith.constant 16 : index
        %get3A_866 = tpu.vector_load %arg10[%get3A_864, %get3A_865] {strides = array<i32>} : memref<100x64xf32, #tpu.memory_space<vmem>>, vector<16xf32>,
        %mul3A_867 = arith.mulf %broadcast_in_dim3A_856, %get3A_866 : vector<16xf32>
        %add3A_868 = arith.addf %add3A_841, %mul3A_867 : vector<16xf32>
        %get3A_869 = arith.constant 28 : i32
        %get3A_870 = arith.index_cast %get3A_869 : i32 to index
        %get3A_871 = arith.constant 32 : index
        %get3A_872 = tpu.vector_load %arg10[%get3A_870, %get3A_871] {strides = array<i32>} : memref<100x64xf32, #tpu.memory_space<vmem>>, vector<16xf32>,
        %mul3A_873 = arith.mulf %broadcast_in_dim3A_856, %get3A_872 : vector<16xf32>
        %add3A_874 = arith.addf %add3A_847, %mul3A_873 : vector<16xf32>
        %get3A_875 = arith.constant 28 : i32
        %get3A_876 = arith.index_cast %get3A_875 : i32 to index
        %get3A_877 = arith.constant 48 : index
        %get3A_878 = tpu.vector_load %arg10[%get3A_876, %get3A_877] {strides = array<i32>} : memref<100x64xf32, #tpu.memory_space<vmem>>, vector<16xf32>,
        %mul3A_879 = arith.mulf %broadcast_in_dim3A_856, %get3A_878 : vector<16xf32>
        %add3A_880 = arith.addf %add3A_853, %mul3A_879 : vector<16xf32>
        %slice3A_881 = vector.extract_strided_slice %div3A_89 {offsets = [13], sizes = [1], strides = [1]} : vector<16xf32> to vector<1xf32>
        %squeeze3A_882 = vector.extract %slice3A_881[0] : f32 from vector<1xf32>
        %broadcast_in_dim3A_883 = vector.broadcast %squeeze3A_882 : f32 to vector<16xf32>
        %get3A_884 = arith.constant 29 : i32
        %get3A_885 = arith.index_cast %get3A_884 : i32 to index
        %get3A_886 = arith.constant 0 : index
        %get3A_887 = tpu.vector_load %arg10[%get3A_885, %get3A_886] {strides = array<i32>} : memref<100x64xf32, #tpu.memory_space<vmem>>, vector<16xf32>,
        %mul3A_888 = arith.mulf %broadcast_in_dim3A_883, %get3A_887 : vector<16xf32>
        %add3A_889 = arith.addf %add3A_862, %mul3A_888 : vector<16xf32>
        %get3A_890 = arith.constant 29 : i32
        %get3A_891 = arith.index_cast %get3A_890 : i32 to index
        %get3A_892 = arith.constant 16 : index
        %get3A_893 = tpu.vector_load %arg10[%get3A_891, %get3A_892] {strides = array<i32>} : memref<100x64xf32, #tpu.memory_space<vmem>>, vector<16xf32>,
        %mul3A_894 = arith.mulf %broadcast_in_dim3A_883, %get3A_893 : vector<16xf32>
        %add3A_895 = arith.addf %add3A_868, %mul3A_894 : vector<16xf32>
        %get3A_896 = arith.constant 29 : i32
        %get3A_897 = arith.index_cast %get3A_896 : i32 to index
        %get3A_898 = arith.constant 32 : index
        %get3A_899 = tpu.vector_load %arg10[%get3A_897, %get3A_898] {strides = array<i32>} : memref<100x64xf32, #tpu.memory_space<vmem>>, vector<16xf32>,
        %mul3A_900 = arith.mulf %broadcast_in_dim3A_883, %get3A_899 : vector<16xf32>
        %add3A_901 = arith.addf %add3A_874, %mul3A_900 : vector<16xf32>
        %get3A_902 = arith.constant 29 : i32
        %get3A_903 = arith.index_cast %get3A_902 : i32 to index
        %get3A_904 = arith.constant 48 : index
        %get3A_905 = tpu.vector_load %arg10[%get3A_903, %get3A_904] {strides = array<i32>} : memref<100x64xf32, #tpu.memory_space<vmem>>, vector<16xf32>,
        %mul3A_906 = arith.mulf %broadcast_in_dim3A_883, %get3A_905 : vector<16xf32>
        %add3A_907 = arith.addf %add3A_880, %mul3A_906 : vector<16xf32>
        %slice3A_908 = vector.extract_strided_slice %div3A_89 {offsets = [14], sizes = [1], strides = [1]} : vector<16xf32> to vector<1xf32>
        %squeeze3A_909 = vector.extract %slice3A_908[0] : f32 from vector<1xf32>
        %broadcast_in_dim3A_910 = vector.broadcast %squeeze3A_909 : f32 to vector<16xf32>
        %get3A_911 = arith.constant 30 : i32
        %get3A_912 = arith.index_cast %get3A_911 : i32 to index
        %get3A_913 = arith.constant 0 : index
        %get3A_914 = tpu.vector_load %arg10[%get3A_912, %get3A_913] {strides = array<i32>} : memref<100x64xf32, #tpu.memory_space<vmem>>, vector<16xf32>,
        %mul3A_915 = arith.mulf %broadcast_in_dim3A_910, %get3A_914 : vector<16xf32>
        %add3A_916 = arith.addf %add3A_889, %mul3A_915 : vector<16xf32>
        %get3A_917 = arith.constant 30 : i32
        %get3A_918 = arith.index_cast %get3A_917 : i32 to index
        %get3A_919 = arith.constant 16 : index
        %get3A_920 = tpu.vector_load %arg10[%get3A_918, %get3A_919] {strides = array<i32>} : memref<100x64xf32, #tpu.memory_space<vmem>>, vector<16xf32>,
        %mul3A_921 = arith.mulf %broadcast_in_dim3A_910, %get3A_920 : vector<16xf32>
        %add3A_922 = arith.addf %add3A_895, %mul3A_921 : vector<16xf32>
        %get3A_923 = arith.constant 30 : i32
        %get3A_924 = arith.index_cast %get3A_923 : i32 to index
        %get3A_925 = arith.constant 32 : index
        %get3A_926 = tpu.vector_load %arg10[%get3A_924, %get3A_925] {strides = array<i32>} : memref<100x64xf32, #tpu.memory_space<vmem>>, vector<16xf32>,
        %mul3A_927 = arith.mulf %broadcast_in_dim3A_910, %get3A_926 : vector<16xf32>
        %add3A_928 = arith.addf %add3A_901, %mul3A_927 : vector<16xf32>
        %get3A_929 = arith.constant 30 : i32
        %get3A_930 = arith.index_cast %get3A_929 : i32 to index
        %get3A_931 = arith.constant 48 : index
        %get3A_932 = tpu.vector_load %arg10[%get3A_930, %get3A_931] {strides = array<i32>} : memref<100x64xf32, #tpu.memory_space<vmem>>, vector<16xf32>,
        %mul3A_933 = arith.mulf %broadcast_in_dim3A_910, %get3A_932 : vector<16xf32>
        %add3A_934 = arith.addf %add3A_907, %mul3A_933 : vector<16xf32>
        %slice3A_935 = vector.extract_strided_slice %div3A_89 {offsets = [15], sizes = [1], strides = [1]} : vector<16xf32> to vector<1xf32>
        %squeeze3A_936 = vector.extract %slice3A_935[0] : f32 from vector<1xf32>
        %broadcast_in_dim3A_937 = vector.broadcast %squeeze3A_936 : f32 to vector<16xf32>
        %get3A_938 = arith.constant 31 : i32
        %get3A_939 = arith.index_cast %get3A_938 : i32 to index
        %get3A_940 = arith.constant 0 : index
        %get3A_941 = tpu.vector_load %arg10[%get3A_939, %get3A_940] {strides = array<i32>} : memref<100x64xf32, #tpu.memory_space<vmem>>, vector<16xf32>,
        %mul3A_942 = arith.mulf %broadcast_in_dim3A_937, %get3A_941 : vector<16xf32>
        %add3A_943 = arith.addf %add3A_916, %mul3A_942 : vector<16xf32>
        %get3A_944 = arith.constant 31 : i32
        %get3A_945 = arith.index_cast %get3A_944 : i32 to index
        %get3A_946 = arith.constant 16 : index
        %get3A_947 = tpu.vector_load %arg10[%get3A_945, %get3A_946] {strides = array<i32>} : memref<100x64xf32, #tpu.memory_space<vmem>>, vector<16xf32>,
        %mul3A_948 = arith.mulf %broadcast_in_dim3A_937, %get3A_947 : vector<16xf32>
        %add3A_949 = arith.addf %add3A_922, %mul3A_948 : vector<16xf32>
        %get3A_950 = arith.constant 31 : i32
        %get3A_951 = arith.index_cast %get3A_950 : i32 to index
        %get3A_952 = arith.constant 32 : index
        %get3A_953 = tpu.vector_load %arg10[%get3A_951, %get3A_952] {strides = array<i32>} : memref<100x64xf32, #tpu.memory_space<vmem>>, vector<16xf32>,
        %mul3A_954 = arith.mulf %broadcast_in_dim3A_937, %get3A_953 : vector<16xf32>
        %add3A_955 = arith.addf %add3A_928, %mul3A_954 : vector<16xf32>
        %get3A_956 = arith.constant 31 : i32
        %get3A_957 = arith.index_cast %get3A_956 : i32 to index
        %get3A_958 = arith.constant 48 : index
        %get3A_959 = tpu.vector_load %arg10[%get3A_957, %get3A_958] {strides = array<i32>} : memref<100x64xf32, #tpu.memory_space<vmem>>, vector<16xf32>,
        %mul3A_960 = arith.mulf %broadcast_in_dim3A_937, %get3A_959 : vector<16xf32>
        %add3A_961 = arith.addf %add3A_934, %mul3A_960 : vector<16xf32>
        %slice3A_962 = vector.extract_strided_slice %div3A_90 {offsets = [0], sizes = [1], strides = [1]} : vector<16xf32> to vector<1xf32>
        %squeeze3A_963 = vector.extract %slice3A_962[0] : f32 from vector<1xf32>
        %broadcast_in_dim3A_964 = vector.broadcast %squeeze3A_963 : f32 to vector<16xf32>
        %get3A_965 = arith.constant 32 : i32
        %get3A_966 = arith.index_cast %get3A_965 : i32 to index
        %get3A_967 = arith.constant 0 : index
        %get3A_968 = tpu.vector_load %arg10[%get3A_966, %get3A_967] {strides = array<i32>} : memref<100x64xf32, #tpu.memory_space<vmem>>, vector<16xf32>,
        %mul3A_969 = arith.mulf %broadcast_in_dim3A_964, %get3A_968 : vector<16xf32>
        %add3A_970 = arith.addf %add3A_943, %mul3A_969 : vector<16xf32>
        %get3A_971 = arith.constant 32 : i32
        %get3A_972 = arith.index_cast %get3A_971 : i32 to index
        %get3A_973 = arith.constant 16 : index
        %get3A_974 = tpu.vector_load %arg10[%get3A_972, %get3A_973] {strides = array<i32>} : memref<100x64xf32, #tpu.memory_space<vmem>>, vector<16xf32>,
        %mul3A_975 = arith.mulf %broadcast_in_dim3A_964, %get3A_974 : vector<16xf32>
        %add3A_976 = arith.addf %add3A_949, %mul3A_975 : vector<16xf32>
        %get3A_977 = arith.constant 32 : i32
        %get3A_978 = arith.index_cast %get3A_977 : i32 to index
        %get3A_979 = arith.constant 32 : index
        %get3A_980 = tpu.vector_load %arg10[%get3A_978, %get3A_979] {strides = array<i32>} : memref<100x64xf32, #tpu.memory_space<vmem>>, vector<16xf32>,
        %mul3A_981 = arith.mulf %broadcast_in_dim3A_964, %get3A_980 : vector<16xf32>
        %add3A_982 = arith.addf %add3A_955, %mul3A_981 : vector<16xf32>
        %get3A_983 = arith.constant 32 : i32
        %get3A_984 = arith.index_cast %get3A_983 : i32 to index
        %get3A_985 = arith.constant 48 : index
        %get3A_986 = tpu.vector_load %arg10[%get3A_984, %get3A_985] {strides = array<i32>} : memref<100x64xf32, #tpu.memory_space<vmem>>, vector<16xf32>,
        %mul3A_987 = arith.mulf %broadcast_in_dim3A_964, %get3A_986 : vector<16xf32>
        %add3A_988 = arith.addf %add3A_961, %mul3A_987 : vector<16xf32>
        %slice3A_989 = vector.extract_strided_slice %div3A_90 {offsets = [1], sizes = [1], strides = [1]} : vector<16xf32> to vector<1xf32>
        %squeeze3A_990 = vector.extract %slice3A_989[0] : f32 from vector<1xf32>
        %broadcast_in_dim3A_991 = vector.broadcast %squeeze3A_990 : f32 to vector<16xf32>
        %get3A_992 = arith.constant 33 : i32
        %get3A_993 = arith.index_cast %get3A_992 : i32 to index
        %get3A_994 = arith.constant 0 : index
        %get3A_995 = tpu.vector_load %arg10[%get3A_993, %get3A_994] {strides = array<i32>} : memref<100x64xf32, #tpu.memory_space<vmem>>, vector<16xf32>,
        %mul3A_996 = arith.mulf %broadcast_in_dim3A_991, %get3A_995 : vector<16xf32>
        %add3A_997 = arith.addf %add3A_970, %mul3A_996 : vector<16xf32>
        %get3A_998 = arith.constant 33 : i32
        %get3A_999 = arith.index_cast %get3A_998 : i32 to index
        %get3A_1000 = arith.constant 16 : index
        %get3A_1001 = tpu.vector_load %arg10[%get3A_999, %get3A_1000] {strides = array<i32>} : memref<100x64xf32, #tpu.memory_space<vmem>>, vector<16xf32>,
        %mul3A_1002 = arith.mulf %broadcast_in_dim3A_991, %get3A_1001 : vector<16xf32>
        %add3A_1003 = arith.addf %add3A_976, %mul3A_1002 : vector<16xf32>
        %get3A_1004 = arith.constant 33 : i32
        %get3A_1005 = arith.index_cast %get3A_1004 : i32 to index
        %get3A_1006 = arith.constant 32 : index
        %get3A_1007 = tpu.vector_load %arg10[%get3A_1005, %get3A_1006] {strides = array<i32>} : memref<100x64xf32, #tpu.memory_space<vmem>>, vector<16xf32>,
        %mul3A_1008 = arith.mulf %broadcast_in_dim3A_991, %get3A_1007 : vector<16xf32>
        %add3A_1009 = arith.addf %add3A_982, %mul3A_1008 : vector<16xf32>
        %get3A_1010 = arith.constant 33 : i32
        %get3A_1011 = arith.index_cast %get3A_1010 : i32 to index
        %get3A_1012 = arith.constant 48 : index
        %get3A_1013 = tpu.vector_load %arg10[%get3A_1011, %get3A_1012] {strides = array<i32>} : memref<100x64xf32, #tpu.memory_space<vmem>>, vector<16xf32>,
        %mul3A_1014 = arith.mulf %broadcast_in_dim3A_991, %get3A_1013 : vector<16xf32>
        %add3A_1015 = arith.addf %add3A_988, %mul3A_1014 : vector<16xf32>
        %slice3A_1016 = vector.extract_strided_slice %div3A_90 {offsets = [2], sizes = [1], strides = [1]} : vector<16xf32> to vector<1xf32>
        %squeeze3A_1017 = vector.extract %slice3A_1016[0] : f32 from vector<1xf32>
        %broadcast_in_dim3A_1018 = vector.broadcast %squeeze3A_1017 : f32 to vector<16xf32>
        %get3A_1019 = arith.constant 34 : i32
        %get3A_1020 = arith.index_cast %get3A_1019 : i32 to index
        %get3A_1021 = arith.constant 0 : index
        %get3A_1022 = tpu.vector_load %arg10[%get3A_1020, %get3A_1021] {strides = array<i32>} : memref<100x64xf32, #tpu.memory_space<vmem>>, vector<16xf32>,
        %mul3A_1023 = arith.mulf %broadcast_in_dim3A_1018, %get3A_1022 : vector<16xf32>
        %add3A_1024 = arith.addf %add3A_997, %mul3A_1023 : vector<16xf32>
        %get3A_1025 = arith.constant 34 : i32
        %get3A_1026 = arith.index_cast %get3A_1025 : i32 to index
        %get3A_1027 = arith.constant 16 : index
        %get3A_1028 = tpu.vector_load %arg10[%get3A_1026, %get3A_1027] {strides = array<i32>} : memref<100x64xf32, #tpu.memory_space<vmem>>, vector<16xf32>,
        %mul3A_1029 = arith.mulf %broadcast_in_dim3A_1018, %get3A_1028 : vector<16xf32>
        %add3A_1030 = arith.addf %add3A_1003, %mul3A_1029 : vector<16xf32>
        %get3A_1031 = arith.constant 34 : i32
        %get3A_1032 = arith.index_cast %get3A_1031 : i32 to index
        %get3A_1033 = arith.constant 32 : index
        %get3A_1034 = tpu.vector_load %arg10[%get3A_1032, %get3A_1033] {strides = array<i32>} : memref<100x64xf32, #tpu.memory_space<vmem>>, vector<16xf32>,
        %mul3A_1035 = arith.mulf %broadcast_in_dim3A_1018, %get3A_1034 : vector<16xf32>
        %add3A_1036 = arith.addf %add3A_1009, %mul3A_1035 : vector<16xf32>
        %get3A_1037 = arith.constant 34 : i32
        %get3A_1038 = arith.index_cast %get3A_1037 : i32 to index
        %get3A_1039 = arith.constant 48 : index
        %get3A_1040 = tpu.vector_load %arg10[%get3A_1038, %get3A_1039] {strides = array<i32>} : memref<100x64xf32, #tpu.memory_space<vmem>>, vector<16xf32>,
        %mul3A_1041 = arith.mulf %broadcast_in_dim3A_1018, %get3A_1040 : vector<16xf32>
        %add3A_1042 = arith.addf %add3A_1015, %mul3A_1041 : vector<16xf32>
        %slice3A_1043 = vector.extract_strided_slice %div3A_90 {offsets = [3], sizes = [1], strides = [1]} : vector<16xf32> to vector<1xf32>
        %squeeze3A_1044 = vector.extract %slice3A_1043[0] : f32 from vector<1xf32>
        %broadcast_in_dim3A_1045 = vector.broadcast %squeeze3A_1044 : f32 to vector<16xf32>
        %get3A_1046 = arith.constant 35 : i32
        %get3A_1047 = arith.index_cast %get3A_1046 : i32 to index
        %get3A_1048 = arith.constant 0 : index
        %get3A_1049 = tpu.vector_load %arg10[%get3A_1047, %get3A_1048] {strides = array<i32>} : memref<100x64xf32, #tpu.memory_space<vmem>>, vector<16xf32>,
        %mul3A_1050 = arith.mulf %broadcast_in_dim3A_1045, %get3A_1049 : vector<16xf32>
        %add3A_1051 = arith.addf %add3A_1024, %mul3A_1050 : vector<16xf32>
        %get3A_1052 = arith.constant 35 : i32
        %get3A_1053 = arith.index_cast %get3A_1052 : i32 to index
        %get3A_1054 = arith.constant 16 : index
        %get3A_1055 = tpu.vector_load %arg10[%get3A_1053, %get3A_1054] {strides = array<i32>} : memref<100x64xf32, #tpu.memory_space<vmem>>, vector<16xf32>,
        %mul3A_1056 = arith.mulf %broadcast_in_dim3A_1045, %get3A_1055 : vector<16xf32>
        %add3A_1057 = arith.addf %add3A_1030, %mul3A_1056 : vector<16xf32>
        %get3A_1058 = arith.constant 35 : i32
        %get3A_1059 = arith.index_cast %get3A_1058 : i32 to index
        %get3A_1060 = arith.constant 32 : index
        %get3A_1061 = tpu.vector_load %arg10[%get3A_1059, %get3A_1060] {strides = array<i32>} : memref<100x64xf32, #tpu.memory_space<vmem>>, vector<16xf32>,
        %mul3A_1062 = arith.mulf %broadcast_in_dim3A_1045, %get3A_1061 : vector<16xf32>
        %add3A_1063 = arith.addf %add3A_1036, %mul3A_1062 : vector<16xf32>
        %get3A_1064 = arith.constant 35 : i32
        %get3A_1065 = arith.index_cast %get3A_1064 : i32 to index
        %get3A_1066 = arith.constant 48 : index
        %get3A_1067 = tpu.vector_load %arg10[%get3A_1065, %get3A_1066] {strides = array<i32>} : memref<100x64xf32, #tpu.memory_space<vmem>>, vector<16xf32>,
        %mul3A_1068 = arith.mulf %broadcast_in_dim3A_1045, %get3A_1067 : vector<16xf32>
        %add3A_1069 = arith.addf %add3A_1042, %mul3A_1068 : vector<16xf32>
        %slice3A_1070 = vector.extract_strided_slice %div3A_90 {offsets = [4], sizes = [1], strides = [1]} : vector<16xf32> to vector<1xf32>
        %squeeze3A_1071 = vector.extract %slice3A_1070[0] : f32 from vector<1xf32>
        %broadcast_in_dim3A_1072 = vector.broadcast %squeeze3A_1071 : f32 to vector<16xf32>
        %get3A_1073 = arith.constant 36 : i32
        %get3A_1074 = arith.index_cast %get3A_1073 : i32 to index
        %get3A_1075 = arith.constant 0 : index
        %get3A_1076 = tpu.vector_load %arg10[%get3A_1074, %get3A_1075] {strides = array<i32>} : memref<100x64xf32, #tpu.memory_space<vmem>>, vector<16xf32>,
        %mul3A_1077 = arith.mulf %broadcast_in_dim3A_1072, %get3A_1076 : vector<16xf32>
        %add3A_1078 = arith.addf %add3A_1051, %mul3A_1077 : vector<16xf32>
        %get3A_1079 = arith.constant 36 : i32
        %get3A_1080 = arith.index_cast %get3A_1079 : i32 to index
        %get3A_1081 = arith.constant 16 : index
        %get3A_1082 = tpu.vector_load %arg10[%get3A_1080, %get3A_1081] {strides = array<i32>} : memref<100x64xf32, #tpu.memory_space<vmem>>, vector<16xf32>,
        %mul3A_1083 = arith.mulf %broadcast_in_dim3A_1072, %get3A_1082 : vector<16xf32>
        %add3A_1084 = arith.addf %add3A_1057, %mul3A_1083 : vector<16xf32>
        %get3A_1085 = arith.constant 36 : i32
        %get3A_1086 = arith.index_cast %get3A_1085 : i32 to index
        %get3A_1087 = arith.constant 32 : index
        %get3A_1088 = tpu.vector_load %arg10[%get3A_1086, %get3A_1087] {strides = array<i32>} : memref<100x64xf32, #tpu.memory_space<vmem>>, vector<16xf32>,
        %mul3A_1089 = arith.mulf %broadcast_in_dim3A_1072, %get3A_1088 : vector<16xf32>
        %add3A_1090 = arith.addf %add3A_1063, %mul3A_1089 : vector<16xf32>
        %get3A_1091 = arith.constant 36 : i32
        %get3A_1092 = arith.index_cast %get3A_1091 : i32 to index
        %get3A_1093 = arith.constant 48 : index
        %get3A_1094 = tpu.vector_load %arg10[%get3A_1092, %get3A_1093] {strides = array<i32>} : memref<100x64xf32, #tpu.memory_space<vmem>>, vector<16xf32>,
        %mul3A_1095 = arith.mulf %broadcast_in_dim3A_1072, %get3A_1094 : vector<16xf32>
        %add3A_1096 = arith.addf %add3A_1069, %mul3A_1095 : vector<16xf32>
        %slice3A_1097 = vector.extract_strided_slice %div3A_90 {offsets = [5], sizes = [1], strides = [1]} : vector<16xf32> to vector<1xf32>
        %squeeze3A_1098 = vector.extract %slice3A_1097[0] : f32 from vector<1xf32>
        %broadcast_in_dim3A_1099 = vector.broadcast %squeeze3A_1098 : f32 to vector<16xf32>
        %get3A_1100 = arith.constant 37 : i32
        %get3A_1101 = arith.index_cast %get3A_1100 : i32 to index
        %get3A_1102 = arith.constant 0 : index
        %get3A_1103 = tpu.vector_load %arg10[%get3A_1101, %get3A_1102] {strides = array<i32>} : memref<100x64xf32, #tpu.memory_space<vmem>>, vector<16xf32>,
        %mul3A_1104 = arith.mulf %broadcast_in_dim3A_1099, %get3A_1103 : vector<16xf32>
        %add3A_1105 = arith.addf %add3A_1078, %mul3A_1104 : vector<16xf32>
        %get3A_1106 = arith.constant 37 : i32
        %get3A_1107 = arith.index_cast %get3A_1106 : i32 to index
        %get3A_1108 = arith.constant 16 : index
        %get3A_1109 = tpu.vector_load %arg10[%get3A_1107, %get3A_1108] {strides = array<i32>} : memref<100x64xf32, #tpu.memory_space<vmem>>, vector<16xf32>,
        %mul3A_1110 = arith.mulf %broadcast_in_dim3A_1099, %get3A_1109 : vector<16xf32>
        %add3A_1111 = arith.addf %add3A_1084, %mul3A_1110 : vector<16xf32>
        %get3A_1112 = arith.constant 37 : i32
        %get3A_1113 = arith.index_cast %get3A_1112 : i32 to index
        %get3A_1114 = arith.constant 32 : index
        %get3A_1115 = tpu.vector_load %arg10[%get3A_1113, %get3A_1114] {strides = array<i32>} : memref<100x64xf32, #tpu.memory_space<vmem>>, vector<16xf32>,
        %mul3A_1116 = arith.mulf %broadcast_in_dim3A_1099, %get3A_1115 : vector<16xf32>
        %add3A_1117 = arith.addf %add3A_1090, %mul3A_1116 : vector<16xf32>
        %get3A_1118 = arith.constant 37 : i32
        %get3A_1119 = arith.index_cast %get3A_1118 : i32 to index
        %get3A_1120 = arith.constant 48 : index
        %get3A_1121 = tpu.vector_load %arg10[%get3A_1119, %get3A_1120] {strides = array<i32>} : memref<100x64xf32, #tpu.memory_space<vmem>>, vector<16xf32>,
        %mul3A_1122 = arith.mulf %broadcast_in_dim3A_1099, %get3A_1121 : vector<16xf32>
        %add3A_1123 = arith.addf %add3A_1096, %mul3A_1122 : vector<16xf32>
        %slice3A_1124 = vector.extract_strided_slice %div3A_90 {offsets = [6], sizes = [1], strides = [1]} : vector<16xf32> to vector<1xf32>
        %squeeze3A_1125 = vector.extract %slice3A_1124[0] : f32 from vector<1xf32>
        %broadcast_in_dim3A_1126 = vector.broadcast %squeeze3A_1125 : f32 to vector<16xf32>
        %get3A_1127 = arith.constant 38 : i32
        %get3A_1128 = arith.index_cast %get3A_1127 : i32 to index
        %get3A_1129 = arith.constant 0 : index
        %get3A_1130 = tpu.vector_load %arg10[%get3A_1128, %get3A_1129] {strides = array<i32>} : memref<100x64xf32, #tpu.memory_space<vmem>>, vector<16xf32>,
        %mul3A_1131 = arith.mulf %broadcast_in_dim3A_1126, %get3A_1130 : vector<16xf32>
        %add3A_1132 = arith.addf %add3A_1105, %mul3A_1131 : vector<16xf32>
        %get3A_1133 = arith.constant 38 : i32
        %get3A_1134 = arith.index_cast %get3A_1133 : i32 to index
        %get3A_1135 = arith.constant 16 : index
        %get3A_1136 = tpu.vector_load %arg10[%get3A_1134, %get3A_1135] {strides = array<i32>} : memref<100x64xf32, #tpu.memory_space<vmem>>, vector<16xf32>,
        %mul3A_1137 = arith.mulf %broadcast_in_dim3A_1126, %get3A_1136 : vector<16xf32>
        %add3A_1138 = arith.addf %add3A_1111, %mul3A_1137 : vector<16xf32>
        %get3A_1139 = arith.constant 38 : i32
        %get3A_1140 = arith.index_cast %get3A_1139 : i32 to index
        %get3A_1141 = arith.constant 32 : index
        %get3A_1142 = tpu.vector_load %arg10[%get3A_1140, %get3A_1141] {strides = array<i32>} : memref<100x64xf32, #tpu.memory_space<vmem>>, vector<16xf32>,
        %mul3A_1143 = arith.mulf %broadcast_in_dim3A_1126, %get3A_1142 : vector<16xf32>
        %add3A_1144 = arith.addf %add3A_1117, %mul3A_1143 : vector<16xf32>
        %get3A_1145 = arith.constant 38 : i32
        %get3A_1146 = arith.index_cast %get3A_1145 : i32 to index
        %get3A_1147 = arith.constant 48 : index
        %get3A_1148 = tpu.vector_load %arg10[%get3A_1146, %get3A_1147] {strides = array<i32>} : memref<100x64xf32, #tpu.memory_space<vmem>>, vector<16xf32>,
        %mul3A_1149 = arith.mulf %broadcast_in_dim3A_1126, %get3A_1148 : vector<16xf32>
        %add3A_1150 = arith.addf %add3A_1123, %mul3A_1149 : vector<16xf32>
        %slice3A_1151 = vector.extract_strided_slice %div3A_90 {offsets = [7], sizes = [1], strides = [1]} : vector<16xf32> to vector<1xf32>
        %squeeze3A_1152 = vector.extract %slice3A_1151[0] : f32 from vector<1xf32>
        %broadcast_in_dim3A_1153 = vector.broadcast %squeeze3A_1152 : f32 to vector<16xf32>
        %get3A_1154 = arith.constant 39 : i32
        %get3A_1155 = arith.index_cast %get3A_1154 : i32 to index
        %get3A_1156 = arith.constant 0 : index
        %get3A_1157 = tpu.vector_load %arg10[%get3A_1155, %get3A_1156] {strides = array<i32>} : memref<100x64xf32, #tpu.memory_space<vmem>>, vector<16xf32>,
        %mul3A_1158 = arith.mulf %broadcast_in_dim3A_1153, %get3A_1157 : vector<16xf32>
        %add3A_1159 = arith.addf %add3A_1132, %mul3A_1158 : vector<16xf32>
        %get3A_1160 = arith.constant 39 : i32
        %get3A_1161 = arith.index_cast %get3A_1160 : i32 to index
        %get3A_1162 = arith.constant 16 : index
        %get3A_1163 = tpu.vector_load %arg10[%get3A_1161, %get3A_1162] {strides = array<i32>} : memref<100x64xf32, #tpu.memory_space<vmem>>, vector<16xf32>,
        %mul3A_1164 = arith.mulf %broadcast_in_dim3A_1153, %get3A_1163 : vector<16xf32>
        %add3A_1165 = arith.addf %add3A_1138, %mul3A_1164 : vector<16xf32>
        %get3A_1166 = arith.constant 39 : i32
        %get3A_1167 = arith.index_cast %get3A_1166 : i32 to index
        %get3A_1168 = arith.constant 32 : index
        %get3A_1169 = tpu.vector_load %arg10[%get3A_1167, %get3A_1168] {strides = array<i32>} : memref<100x64xf32, #tpu.memory_space<vmem>>, vector<16xf32>,
        %mul3A_1170 = arith.mulf %broadcast_in_dim3A_1153, %get3A_1169 : vector<16xf32>
        %add3A_1171 = arith.addf %add3A_1144, %mul3A_1170 : vector<16xf32>
        %get3A_1172 = arith.constant 39 : i32
        %get3A_1173 = arith.index_cast %get3A_1172 : i32 to index
        %get3A_1174 = arith.constant 48 : index
        %get3A_1175 = tpu.vector_load %arg10[%get3A_1173, %get3A_1174] {strides = array<i32>} : memref<100x64xf32, #tpu.memory_space<vmem>>, vector<16xf32>,
        %mul3A_1176 = arith.mulf %broadcast_in_dim3A_1153, %get3A_1175 : vector<16xf32>
        %add3A_1177 = arith.addf %add3A_1150, %mul3A_1176 : vector<16xf32>
        %slice3A_1178 = vector.extract_strided_slice %div3A_90 {offsets = [8], sizes = [1], strides = [1]} : vector<16xf32> to vector<1xf32>
        %squeeze3A_1179 = vector.extract %slice3A_1178[0] : f32 from vector<1xf32>
        %broadcast_in_dim3A_1180 = vector.broadcast %squeeze3A_1179 : f32 to vector<16xf32>
        %get3A_1181 = arith.constant 40 : i32
        %get3A_1182 = arith.index_cast %get3A_1181 : i32 to index
        %get3A_1183 = arith.constant 0 : index
        %get3A_1184 = tpu.vector_load %arg10[%get3A_1182, %get3A_1183] {strides = array<i32>} : memref<100x64xf32, #tpu.memory_space<vmem>>, vector<16xf32>,
        %mul3A_1185 = arith.mulf %broadcast_in_dim3A_1180, %get3A_1184 : vector<16xf32>
        %add3A_1186 = arith.addf %add3A_1159, %mul3A_1185 : vector<16xf32>
        %get3A_1187 = arith.constant 40 : i32
        %get3A_1188 = arith.index_cast %get3A_1187 : i32 to index
        %get3A_1189 = arith.constant 16 : index
        %get3A_1190 = tpu.vector_load %arg10[%get3A_1188, %get3A_1189] {strides = array<i32>} : memref<100x64xf32, #tpu.memory_space<vmem>>, vector<16xf32>,
        %mul3A_1191 = arith.mulf %broadcast_in_dim3A_1180, %get3A_1190 : vector<16xf32>
        %add3A_1192 = arith.addf %add3A_1165, %mul3A_1191 : vector<16xf32>
        %get3A_1193 = arith.constant 40 : i32
        %get3A_1194 = arith.index_cast %get3A_1193 : i32 to index
        %get3A_1195 = arith.constant 32 : index
        %get3A_1196 = tpu.vector_load %arg10[%get3A_1194, %get3A_1195] {strides = array<i32>} : memref<100x64xf32, #tpu.memory_space<vmem>>, vector<16xf32>,
        %mul3A_1197 = arith.mulf %broadcast_in_dim3A_1180, %get3A_1196 : vector<16xf32>
        %add3A_1198 = arith.addf %add3A_1171, %mul3A_1197 : vector<16xf32>
        %get3A_1199 = arith.constant 40 : i32
        %get3A_1200 = arith.index_cast %get3A_1199 : i32 to index
        %get3A_1201 = arith.constant 48 : index
        %get3A_1202 = tpu.vector_load %arg10[%get3A_1200, %get3A_1201] {strides = array<i32>} : memref<100x64xf32, #tpu.memory_space<vmem>>, vector<16xf32>,
        %mul3A_1203 = arith.mulf %broadcast_in_dim3A_1180, %get3A_1202 : vector<16xf32>
        %add3A_1204 = arith.addf %add3A_1177, %mul3A_1203 : vector<16xf32>
        %slice3A_1205 = vector.extract_strided_slice %div3A_90 {offsets = [9], sizes = [1], strides = [1]} : vector<16xf32> to vector<1xf32>
        %squeeze3A_1206 = vector.extract %slice3A_1205[0] : f32 from vector<1xf32>
        %broadcast_in_dim3A_1207 = vector.broadcast %squeeze3A_1206 : f32 to vector<16xf32>
        %get3A_1208 = arith.constant 41 : i32
        %get3A_1209 = arith.index_cast %get3A_1208 : i32 to index
        %get3A_1210 = arith.constant 0 : index
        %get3A_1211 = tpu.vector_load %arg10[%get3A_1209, %get3A_1210] {strides = array<i32>} : memref<100x64xf32, #tpu.memory_space<vmem>>, vector<16xf32>,
        %mul3A_1212 = arith.mulf %broadcast_in_dim3A_1207, %get3A_1211 : vector<16xf32>
        %add3A_1213 = arith.addf %add3A_1186, %mul3A_1212 : vector<16xf32>
        %get3A_1214 = arith.constant 41 : i32
        %get3A_1215 = arith.index_cast %get3A_1214 : i32 to index
        %get3A_1216 = arith.constant 16 : index
        %get3A_1217 = tpu.vector_load %arg10[%get3A_1215, %get3A_1216] {strides = array<i32>} : memref<100x64xf32, #tpu.memory_space<vmem>>, vector<16xf32>,
        %mul3A_1218 = arith.mulf %broadcast_in_dim3A_1207, %get3A_1217 : vector<16xf32>
        %add3A_1219 = arith.addf %add3A_1192, %mul3A_1218 : vector<16xf32>
        %get3A_1220 = arith.constant 41 : i32
        %get3A_1221 = arith.index_cast %get3A_1220 : i32 to index
        %get3A_1222 = arith.constant 32 : index
        %get3A_1223 = tpu.vector_load %arg10[%get3A_1221, %get3A_1222] {strides = array<i32>} : memref<100x64xf32, #tpu.memory_space<vmem>>, vector<16xf32>,
        %mul3A_1224 = arith.mulf %broadcast_in_dim3A_1207, %get3A_1223 : vector<16xf32>
        %add3A_1225 = arith.addf %add3A_1198, %mul3A_1224 : vector<16xf32>
        %get3A_1226 = arith.constant 41 : i32
        %get3A_1227 = arith.index_cast %get3A_1226 : i32 to index
        %get3A_1228 = arith.constant 48 : index
        %get3A_1229 = tpu.vector_load %arg10[%get3A_1227, %get3A_1228] {strides = array<i32>} : memref<100x64xf32, #tpu.memory_space<vmem>>, vector<16xf32>,
        %mul3A_1230 = arith.mulf %broadcast_in_dim3A_1207, %get3A_1229 : vector<16xf32>
        %add3A_1231 = arith.addf %add3A_1204, %mul3A_1230 : vector<16xf32>
        %slice3A_1232 = vector.extract_strided_slice %div3A_90 {offsets = [10], sizes = [1], strides = [1]} : vector<16xf32> to vector<1xf32>
        %squeeze3A_1233 = vector.extract %slice3A_1232[0] : f32 from vector<1xf32>
        %broadcast_in_dim3A_1234 = vector.broadcast %squeeze3A_1233 : f32 to vector<16xf32>
        %get3A_1235 = arith.constant 42 : i32
        %get3A_1236 = arith.index_cast %get3A_1235 : i32 to index
        %get3A_1237 = arith.constant 0 : index
        %get3A_1238 = tpu.vector_load %arg10[%get3A_1236, %get3A_1237] {strides = array<i32>} : memref<100x64xf32, #tpu.memory_space<vmem>>, vector<16xf32>,
        %mul3A_1239 = arith.mulf %broadcast_in_dim3A_1234, %get3A_1238 : vector<16xf32>
        %add3A_1240 = arith.addf %add3A_1213, %mul3A_1239 : vector<16xf32>
        %get3A_1241 = arith.constant 42 : i32
        %get3A_1242 = arith.index_cast %get3A_1241 : i32 to index
        %get3A_1243 = arith.constant 16 : index
        %get3A_1244 = tpu.vector_load %arg10[%get3A_1242, %get3A_1243] {strides = array<i32>} : memref<100x64xf32, #tpu.memory_space<vmem>>, vector<16xf32>,
        %mul3A_1245 = arith.mulf %broadcast_in_dim3A_1234, %get3A_1244 : vector<16xf32>
        %add3A_1246 = arith.addf %add3A_1219, %mul3A_1245 : vector<16xf32>
        %get3A_1247 = arith.constant 42 : i32
        %get3A_1248 = arith.index_cast %get3A_1247 : i32 to index
        %get3A_1249 = arith.constant 32 : index
        %get3A_1250 = tpu.vector_load %arg10[%get3A_1248, %get3A_1249] {strides = array<i32>} : memref<100x64xf32, #tpu.memory_space<vmem>>, vector<16xf32>,
        %mul3A_1251 = arith.mulf %broadcast_in_dim3A_1234, %get3A_1250 : vector<16xf32>
        %add3A_1252 = arith.addf %add3A_1225, %mul3A_1251 : vector<16xf32>
        %get3A_1253 = arith.constant 42 : i32
        %get3A_1254 = arith.index_cast %get3A_1253 : i32 to index
        %get3A_1255 = arith.constant 48 : index
        %get3A_1256 = tpu.vector_load %arg10[%get3A_1254, %get3A_1255] {strides = array<i32>} : memref<100x64xf32, #tpu.memory_space<vmem>>, vector<16xf32>,
        %mul3A_1257 = arith.mulf %broadcast_in_dim3A_1234, %get3A_1256 : vector<16xf32>
        %add3A_1258 = arith.addf %add3A_1231, %mul3A_1257 : vector<16xf32>
        %slice3A_1259 = vector.extract_strided_slice %div3A_90 {offsets = [11], sizes = [1], strides = [1]} : vector<16xf32> to vector<1xf32>
        %squeeze3A_1260 = vector.extract %slice3A_1259[0] : f32 from vector<1xf32>
        %broadcast_in_dim3A_1261 = vector.broadcast %squeeze3A_1260 : f32 to vector<16xf32>
        %get3A_1262 = arith.constant 43 : i32
        %get3A_1263 = arith.index_cast %get3A_1262 : i32 to index
        %get3A_1264 = arith.constant 0 : index
        %get3A_1265 = tpu.vector_load %arg10[%get3A_1263, %get3A_1264] {strides = array<i32>} : memref<100x64xf32, #tpu.memory_space<vmem>>, vector<16xf32>,
        %mul3A_1266 = arith.mulf %broadcast_in_dim3A_1261, %get3A_1265 : vector<16xf32>
        %add3A_1267 = arith.addf %add3A_1240, %mul3A_1266 : vector<16xf32>
        %get3A_1268 = arith.constant 43 : i32
        %get3A_1269 = arith.index_cast %get3A_1268 : i32 to index
        %get3A_1270 = arith.constant 16 : index
        %get3A_1271 = tpu.vector_load %arg10[%get3A_1269, %get3A_1270] {strides = array<i32>} : memref<100x64xf32, #tpu.memory_space<vmem>>, vector<16xf32>,
        %mul3A_1272 = arith.mulf %broadcast_in_dim3A_1261, %get3A_1271 : vector<16xf32>
        %add3A_1273 = arith.addf %add3A_1246, %mul3A_1272 : vector<16xf32>
        %get3A_1274 = arith.constant 43 : i32
        %get3A_1275 = arith.index_cast %get3A_1274 : i32 to index
        %get3A_1276 = arith.constant 32 : index
        %get3A_1277 = tpu.vector_load %arg10[%get3A_1275, %get3A_1276] {strides = array<i32>} : memref<100x64xf32, #tpu.memory_space<vmem>>, vector<16xf32>,
        %mul3A_1278 = arith.mulf %broadcast_in_dim3A_1261, %get3A_1277 : vector<16xf32>
        %add3A_1279 = arith.addf %add3A_1252, %mul3A_1278 : vector<16xf32>
        %get3A_1280 = arith.constant 43 : i32
        %get3A_1281 = arith.index_cast %get3A_1280 : i32 to index
        %get3A_1282 = arith.constant 48 : index
        %get3A_1283 = tpu.vector_load %arg10[%get3A_1281, %get3A_1282] {strides = array<i32>} : memref<100x64xf32, #tpu.memory_space<vmem>>, vector<16xf32>,
        %mul3A_1284 = arith.mulf %broadcast_in_dim3A_1261, %get3A_1283 : vector<16xf32>
        %add3A_1285 = arith.addf %add3A_1258, %mul3A_1284 : vector<16xf32>
        %slice3A_1286 = vector.extract_strided_slice %div3A_90 {offsets = [12], sizes = [1], strides = [1]} : vector<16xf32> to vector<1xf32>
        %squeeze3A_1287 = vector.extract %slice3A_1286[0] : f32 from vector<1xf32>
        %broadcast_in_dim3A_1288 = vector.broadcast %squeeze3A_1287 : f32 to vector<16xf32>
        %get3A_1289 = arith.constant 44 : i32
        %get3A_1290 = arith.index_cast %get3A_1289 : i32 to index
        %get3A_1291 = arith.constant 0 : index
        %get3A_1292 = tpu.vector_load %arg10[%get3A_1290, %get3A_1291] {strides = array<i32>} : memref<100x64xf32, #tpu.memory_space<vmem>>, vector<16xf32>,
        %mul3A_1293 = arith.mulf %broadcast_in_dim3A_1288, %get3A_1292 : vector<16xf32>
        %add3A_1294 = arith.addf %add3A_1267, %mul3A_1293 : vector<16xf32>
        %get3A_1295 = arith.constant 44 : i32
        %get3A_1296 = arith.index_cast %get3A_1295 : i32 to index
        %get3A_1297 = arith.constant 16 : index
        %get3A_1298 = tpu.vector_load %arg10[%get3A_1296, %get3A_1297] {strides = array<i32>} : memref<100x64xf32, #tpu.memory_space<vmem>>, vector<16xf32>,
        %mul3A_1299 = arith.mulf %broadcast_in_dim3A_1288, %get3A_1298 : vector<16xf32>
        %add3A_1300 = arith.addf %add3A_1273, %mul3A_1299 : vector<16xf32>
        %get3A_1301 = arith.constant 44 : i32
        %get3A_1302 = arith.index_cast %get3A_1301 : i32 to index
        %get3A_1303 = arith.constant 32 : index
        %get3A_1304 = tpu.vector_load %arg10[%get3A_1302, %get3A_1303] {strides = array<i32>} : memref<100x64xf32, #tpu.memory_space<vmem>>, vector<16xf32>,
        %mul3A_1305 = arith.mulf %broadcast_in_dim3A_1288, %get3A_1304 : vector<16xf32>
        %add3A_1306 = arith.addf %add3A_1279, %mul3A_1305 : vector<16xf32>
        %get3A_1307 = arith.constant 44 : i32
        %get3A_1308 = arith.index_cast %get3A_1307 : i32 to index
        %get3A_1309 = arith.constant 48 : index
        %get3A_1310 = tpu.vector_load %arg10[%get3A_1308, %get3A_1309] {strides = array<i32>} : memref<100x64xf32, #tpu.memory_space<vmem>>, vector<16xf32>,
        %mul3A_1311 = arith.mulf %broadcast_in_dim3A_1288, %get3A_1310 : vector<16xf32>
        %add3A_1312 = arith.addf %add3A_1285, %mul3A_1311 : vector<16xf32>
        %slice3A_1313 = vector.extract_strided_slice %div3A_90 {offsets = [13], sizes = [1], strides = [1]} : vector<16xf32> to vector<1xf32>
        %squeeze3A_1314 = vector.extract %slice3A_1313[0] : f32 from vector<1xf32>
        %broadcast_in_dim3A_1315 = vector.broadcast %squeeze3A_1314 : f32 to vector<16xf32>
        %get3A_1316 = arith.constant 45 : i32
        %get3A_1317 = arith.index_cast %get3A_1316 : i32 to index
        %get3A_1318 = arith.constant 0 : index
        %get3A_1319 = tpu.vector_load %arg10[%get3A_1317, %get3A_1318] {strides = array<i32>} : memref<100x64xf32, #tpu.memory_space<vmem>>, vector<16xf32>,
        %mul3A_1320 = arith.mulf %broadcast_in_dim3A_1315, %get3A_1319 : vector<16xf32>
        %add3A_1321 = arith.addf %add3A_1294, %mul3A_1320 : vector<16xf32>
        %get3A_1322 = arith.constant 45 : i32
        %get3A_1323 = arith.index_cast %get3A_1322 : i32 to index
        %get3A_1324 = arith.constant 16 : index
        %get3A_1325 = tpu.vector_load %arg10[%get3A_1323, %get3A_1324] {strides = array<i32>} : memref<100x64xf32, #tpu.memory_space<vmem>>, vector<16xf32>,
        %mul3A_1326 = arith.mulf %broadcast_in_dim3A_1315, %get3A_1325 : vector<16xf32>
        %add3A_1327 = arith.addf %add3A_1300, %mul3A_1326 : vector<16xf32>
        %get3A_1328 = arith.constant 45 : i32
        %get3A_1329 = arith.index_cast %get3A_1328 : i32 to index
        %get3A_1330 = arith.constant 32 : index
        %get3A_1331 = tpu.vector_load %arg10[%get3A_1329, %get3A_1330] {strides = array<i32>} : memref<100x64xf32, #tpu.memory_space<vmem>>, vector<16xf32>,
        %mul3A_1332 = arith.mulf %broadcast_in_dim3A_1315, %get3A_1331 : vector<16xf32>
        %add3A_1333 = arith.addf %add3A_1306, %mul3A_1332 : vector<16xf32>
        %get3A_1334 = arith.constant 45 : i32
        %get3A_1335 = arith.index_cast %get3A_1334 : i32 to index
        %get3A_1336 = arith.constant 48 : index
        %get3A_1337 = tpu.vector_load %arg10[%get3A_1335, %get3A_1336] {strides = array<i32>} : memref<100x64xf32, #tpu.memory_space<vmem>>, vector<16xf32>,
        %mul3A_1338 = arith.mulf %broadcast_in_dim3A_1315, %get3A_1337 : vector<16xf32>
        %add3A_1339 = arith.addf %add3A_1312, %mul3A_1338 : vector<16xf32>
        %slice3A_1340 = vector.extract_strided_slice %div3A_90 {offsets = [14], sizes = [1], strides = [1]} : vector<16xf32> to vector<1xf32>
        %squeeze3A_1341 = vector.extract %slice3A_1340[0] : f32 from vector<1xf32>
        %broadcast_in_dim3A_1342 = vector.broadcast %squeeze3A_1341 : f32 to vector<16xf32>
        %get3A_1343 = arith.constant 46 : i32
        %get3A_1344 = arith.index_cast %get3A_1343 : i32 to index
        %get3A_1345 = arith.constant 0 : index
        %get3A_1346 = tpu.vector_load %arg10[%get3A_1344, %get3A_1345] {strides = array<i32>} : memref<100x64xf32, #tpu.memory_space<vmem>>, vector<16xf32>,
        %mul3A_1347 = arith.mulf %broadcast_in_dim3A_1342, %get3A_1346 : vector<16xf32>
        %add3A_1348 = arith.addf %add3A_1321, %mul3A_1347 : vector<16xf32>
        %get3A_1349 = arith.constant 46 : i32
        %get3A_1350 = arith.index_cast %get3A_1349 : i32 to index
        %get3A_1351 = arith.constant 16 : index
        %get3A_1352 = tpu.vector_load %arg10[%get3A_1350, %get3A_1351] {strides = array<i32>} : memref<100x64xf32, #tpu.memory_space<vmem>>, vector<16xf32>,
        %mul3A_1353 = arith.mulf %broadcast_in_dim3A_1342, %get3A_1352 : vector<16xf32>
        %add3A_1354 = arith.addf %add3A_1327, %mul3A_1353 : vector<16xf32>
        %get3A_1355 = arith.constant 46 : i32
        %get3A_1356 = arith.index_cast %get3A_1355 : i32 to index
        %get3A_1357 = arith.constant 32 : index
        %get3A_1358 = tpu.vector_load %arg10[%get3A_1356, %get3A_1357] {strides = array<i32>} : memref<100x64xf32, #tpu.memory_space<vmem>>, vector<16xf32>,
        %mul3A_1359 = arith.mulf %broadcast_in_dim3A_1342, %get3A_1358 : vector<16xf32>
        %add3A_1360 = arith.addf %add3A_1333, %mul3A_1359 : vector<16xf32>
        %get3A_1361 = arith.constant 46 : i32
        %get3A_1362 = arith.index_cast %get3A_1361 : i32 to index
        %get3A_1363 = arith.constant 48 : index
        %get3A_1364 = tpu.vector_load %arg10[%get3A_1362, %get3A_1363] {strides = array<i32>} : memref<100x64xf32, #tpu.memory_space<vmem>>, vector<16xf32>,
        %mul3A_1365 = arith.mulf %broadcast_in_dim3A_1342, %get3A_1364 : vector<16xf32>
        %add3A_1366 = arith.addf %add3A_1339, %mul3A_1365 : vector<16xf32>
        %slice3A_1367 = vector.extract_strided_slice %div3A_90 {offsets = [15], sizes = [1], strides = [1]} : vector<16xf32> to vector<1xf32>
        %squeeze3A_1368 = vector.extract %slice3A_1367[0] : f32 from vector<1xf32>
        %broadcast_in_dim3A_1369 = vector.broadcast %squeeze3A_1368 : f32 to vector<16xf32>
        %get3A_1370 = arith.constant 47 : i32
        %get3A_1371 = arith.index_cast %get3A_1370 : i32 to index
        %get3A_1372 = arith.constant 0 : index
        %get3A_1373 = tpu.vector_load %arg10[%get3A_1371, %get3A_1372] {strides = array<i32>} : memref<100x64xf32, #tpu.memory_space<vmem>>, vector<16xf32>,
        %mul3A_1374 = arith.mulf %broadcast_in_dim3A_1369, %get3A_1373 : vector<16xf32>
        %add3A_1375 = arith.addf %add3A_1348, %mul3A_1374 : vector<16xf32>
        %get3A_1376 = arith.constant 47 : i32
        %get3A_1377 = arith.index_cast %get3A_1376 : i32 to index
        %get3A_1378 = arith.constant 16 : index
        %get3A_1379 = tpu.vector_load %arg10[%get3A_1377, %get3A_1378] {strides = array<i32>} : memref<100x64xf32, #tpu.memory_space<vmem>>, vector<16xf32>,
        %mul3A_1380 = arith.mulf %broadcast_in_dim3A_1369, %get3A_1379 : vector<16xf32>
        %add3A_1381 = arith.addf %add3A_1354, %mul3A_1380 : vector<16xf32>
        %get3A_1382 = arith.constant 47 : i32
        %get3A_1383 = arith.index_cast %get3A_1382 : i32 to index
        %get3A_1384 = arith.constant 32 : index
        %get3A_1385 = tpu.vector_load %arg10[%get3A_1383, %get3A_1384] {strides = array<i32>} : memref<100x64xf32, #tpu.memory_space<vmem>>, vector<16xf32>,
        %mul3A_1386 = arith.mulf %broadcast_in_dim3A_1369, %get3A_1385 : vector<16xf32>
        %add3A_1387 = arith.addf %add3A_1360, %mul3A_1386 : vector<16xf32>
        %get3A_1388 = arith.constant 47 : i32
        %get3A_1389 = arith.index_cast %get3A_1388 : i32 to index
        %get3A_1390 = arith.constant 48 : index
        %get3A_1391 = tpu.vector_load %arg10[%get3A_1389, %get3A_1390] {strides = array<i32>} : memref<100x64xf32, #tpu.memory_space<vmem>>, vector<16xf32>,
        %mul3A_1392 = arith.mulf %broadcast_in_dim3A_1369, %get3A_1391 : vector<16xf32>
        %add3A_1393 = arith.addf %add3A_1366, %mul3A_1392 : vector<16xf32>
        %slice3A_1394 = vector.extract_strided_slice %div3A_91 {offsets = [0], sizes = [1], strides = [1]} : vector<16xf32> to vector<1xf32>
        %squeeze3A_1395 = vector.extract %slice3A_1394[0] : f32 from vector<1xf32>
        %broadcast_in_dim3A_1396 = vector.broadcast %squeeze3A_1395 : f32 to vector<16xf32>
        %get3A_1397 = arith.constant 48 : i32
        %get3A_1398 = arith.index_cast %get3A_1397 : i32 to index
        %get3A_1399 = arith.constant 0 : index
        %get3A_1400 = tpu.vector_load %arg10[%get3A_1398, %get3A_1399] {strides = array<i32>} : memref<100x64xf32, #tpu.memory_space<vmem>>, vector<16xf32>,
        %mul3A_1401 = arith.mulf %broadcast_in_dim3A_1396, %get3A_1400 : vector<16xf32>
        %add3A_1402 = arith.addf %add3A_1375, %mul3A_1401 : vector<16xf32>
        %get3A_1403 = arith.constant 48 : i32
        %get3A_1404 = arith.index_cast %get3A_1403 : i32 to index
        %get3A_1405 = arith.constant 16 : index
        %get3A_1406 = tpu.vector_load %arg10[%get3A_1404, %get3A_1405] {strides = array<i32>} : memref<100x64xf32, #tpu.memory_space<vmem>>, vector<16xf32>,
        %mul3A_1407 = arith.mulf %broadcast_in_dim3A_1396, %get3A_1406 : vector<16xf32>
        %add3A_1408 = arith.addf %add3A_1381, %mul3A_1407 : vector<16xf32>
        %get3A_1409 = arith.constant 48 : i32
        %get3A_1410 = arith.index_cast %get3A_1409 : i32 to index
        %get3A_1411 = arith.constant 32 : index
        %get3A_1412 = tpu.vector_load %arg10[%get3A_1410, %get3A_1411] {strides = array<i32>} : memref<100x64xf32, #tpu.memory_space<vmem>>, vector<16xf32>,
        %mul3A_1413 = arith.mulf %broadcast_in_dim3A_1396, %get3A_1412 : vector<16xf32>
        %add3A_1414 = arith.addf %add3A_1387, %mul3A_1413 : vector<16xf32>
        %get3A_1415 = arith.constant 48 : i32
        %get3A_1416 = arith.index_cast %get3A_1415 : i32 to index
        %get3A_1417 = arith.constant 48 : index
        %get3A_1418 = tpu.vector_load %arg10[%get3A_1416, %get3A_1417] {strides = array<i32>} : memref<100x64xf32, #tpu.memory_space<vmem>>, vector<16xf32>,
        %mul3A_1419 = arith.mulf %broadcast_in_dim3A_1396, %get3A_1418 : vector<16xf32>
        %add3A_1420 = arith.addf %add3A_1393, %mul3A_1419 : vector<16xf32>
        %slice3A_1421 = vector.extract_strided_slice %div3A_91 {offsets = [1], sizes = [1], strides = [1]} : vector<16xf32> to vector<1xf32>
        %squeeze3A_1422 = vector.extract %slice3A_1421[0] : f32 from vector<1xf32>
        %broadcast_in_dim3A_1423 = vector.broadcast %squeeze3A_1422 : f32 to vector<16xf32>
        %get3A_1424 = arith.constant 49 : i32
        %get3A_1425 = arith.index_cast %get3A_1424 : i32 to index
        %get3A_1426 = arith.constant 0 : index
        %get3A_1427 = tpu.vector_load %arg10[%get3A_1425, %get3A_1426] {strides = array<i32>} : memref<100x64xf32, #tpu.memory_space<vmem>>, vector<16xf32>,
        %mul3A_1428 = arith.mulf %broadcast_in_dim3A_1423, %get3A_1427 : vector<16xf32>
        %add3A_1429 = arith.addf %add3A_1402, %mul3A_1428 : vector<16xf32>
        %get3A_1430 = arith.constant 49 : i32
        %get3A_1431 = arith.index_cast %get3A_1430 : i32 to index
        %get3A_1432 = arith.constant 16 : index
        %get3A_1433 = tpu.vector_load %arg10[%get3A_1431, %get3A_1432] {strides = array<i32>} : memref<100x64xf32, #tpu.memory_space<vmem>>, vector<16xf32>,
        %mul3A_1434 = arith.mulf %broadcast_in_dim3A_1423, %get3A_1433 : vector<16xf32>
        %add3A_1435 = arith.addf %add3A_1408, %mul3A_1434 : vector<16xf32>
        %get3A_1436 = arith.constant 49 : i32
        %get3A_1437 = arith.index_cast %get3A_1436 : i32 to index
        %get3A_1438 = arith.constant 32 : index
        %get3A_1439 = tpu.vector_load %arg10[%get3A_1437, %get3A_1438] {strides = array<i32>} : memref<100x64xf32, #tpu.memory_space<vmem>>, vector<16xf32>,
        %mul3A_1440 = arith.mulf %broadcast_in_dim3A_1423, %get3A_1439 : vector<16xf32>
        %add3A_1441 = arith.addf %add3A_1414, %mul3A_1440 : vector<16xf32>
        %get3A_1442 = arith.constant 49 : i32
        %get3A_1443 = arith.index_cast %get3A_1442 : i32 to index
        %get3A_1444 = arith.constant 48 : index
        %get3A_1445 = tpu.vector_load %arg10[%get3A_1443, %get3A_1444] {strides = array<i32>} : memref<100x64xf32, #tpu.memory_space<vmem>>, vector<16xf32>,
        %mul3A_1446 = arith.mulf %broadcast_in_dim3A_1423, %get3A_1445 : vector<16xf32>
        %add3A_1447 = arith.addf %add3A_1420, %mul3A_1446 : vector<16xf32>
        %mul3A_1448 = arith.constant 2 : i32
        %mul3A_1449 = arith.muli %mul3A_1448, %scan3A_35 : i32
        %add3A_1450 = arith.constant 0 : i32
        %add3A_1451 = arith.addi %mul3A_1449, %add3A_1450 : i32
        %swap3A = arith.index_cast %add3A_1451 : i32 to index
        %swap3A_1452 = arith.constant 0 : index
        %swap3A_1453 = tpu.vector_load %arg11[%swap3A, %swap3A_1452] {strides = array<i32>} : memref<64x64xf32, #tpu.memory_space<vmem>>, vector<16xf32>,
        tpu.vector_store %arg11[%swap3A, %swap3A_1452], %add3A_1429 {strides = array<i32>} : memref<64x64xf32, #tpu.memory_space<vmem>>, vector<16xf32>,
        %swap3A_1454 = arith.index_cast %add3A_1451 : i32 to index
        %swap3A_1455 = arith.constant 16 : index
        %swap3A_1456 = tpu.vector_load %arg11[%swap3A_1454, %swap3A_1455] {strides = array<i32>} : memref<64x64xf32, #tpu.memory_space<vmem>>, vector<16xf32>,
        tpu.vector_store %arg11[%swap3A_1454, %swap3A_1455], %add3A_1435 {strides = array<i32>} : memref<64x64xf32, #tpu.memory_space<vmem>>, vector<16xf32>,
        %swap3A_1457 = arith.index_cast %add3A_1451 : i32 to index
        %swap3A_1458 = arith.constant 32 : index
        %swap3A_1459 = tpu.vector_load %arg11[%swap3A_1457, %swap3A_1458] {strides = array<i32>} : memref<64x64xf32, #tpu.memory_space<vmem>>, vector<16xf32>,
        tpu.vector_store %arg11[%swap3A_1457, %swap3A_1458], %add3A_1441 {strides = array<i32>} : memref<64x64xf32, #tpu.memory_space<vmem>>, vector<16xf32>,
        %swap3A_1460 = arith.index_cast %add3A_1451 : i32 to index
        %swap3A_1461 = arith.constant 48 : index
        %swap3A_1462 = tpu.vector_load %arg11[%swap3A_1460, %swap3A_1461] {strides = array<i32>} : memref<64x64xf32, #tpu.memory_space<vmem>>, vector<16xf32>,
        tpu.vector_store %arg11[%swap3A_1460, %swap3A_1461], %add3A_1447 {strides = array<i32>} : memref<64x64xf32, #tpu.memory_space<vmem>>, vector<16xf32>,
        %get3A_1463 = arith.index_cast %scan3A_35 : i32 to index
        %get3A_1464 = arith.constant 50 : index
        %get3A_1465 = tpu.vector_load %arg9[%get3A_1463, %get3A_1464] {strides = array<i32>} : memref<32x128xi32, #tpu.memory_space<vmem>>, vector<16xi32>,
        %get3A_1466 = arith.index_cast %scan3A_35 : i32 to index
        %get3A_1467 = arith.constant 66 : index
        %get3A_1468 = tpu.vector_load %arg9[%get3A_1466, %get3A_1467] {strides = array<i32>} : memref<32x128xi32, #tpu.memory_space<vmem>>, vector<16xi32>,
        %get3A_1469 = arith.index_cast %scan3A_35 : i32 to index
        %get3A_1470 = arith.constant 82 : index
        %get3A_1471 = tpu.vector_load %arg9[%get3A_1469, %get3A_1470] {strides = array<i32>} : memref<32x128xi32, #tpu.memory_space<vmem>>, vector<16xi32>,
        %get3A_1472 = arith.index_cast %scan3A_35 : i32 to index
        %get3A_1473 = arith.constant 98 : index
        %get3A_1474 = tpu.vector_load %arg9[%get3A_1472, %get3A_1473] {strides = array<i32>} : memref<32x128xi32, #tpu.memory_space<vmem>>, vector<16xi32>,
        %gather3A_1475 = tpu.vector_load_idx %arg7[%get3A_1465] : memref<18176xf32, #tpu.memory_space<vmem>>[vector<16xi32>], vector<16xf32>,
        %gather3A_1476 = tpu.vector_load_idx %arg7[%get3A_1468] : memref<18176xf32, #tpu.memory_space<vmem>>[vector<16xi32>], vector<16xf32>,
        %gather3A_1477 = tpu.vector_load_idx %arg7[%get3A_1471] : memref<18176xf32, #tpu.memory_space<vmem>>[vector<16xi32>], vector<16xf32>,
        %gather3A_1478 = tpu.vector_load_idx %arg7[%get3A_1474] : memref<18176xf32, #tpu.memory_space<vmem>>[vector<16xi32>], vector<16xf32>,
        %broadcast_in_dim3A_1479 = arith.constant 0.000000e+00 : f32
        %broadcast_in_dim3A_1480 = vector.broadcast %broadcast_in_dim3A_1479 : f32 to vector<16xf32>
        %eq3A_1481 = arith.constant 0 : i32
        %eq3A_1482 = vector.broadcast %eq3A_1481 : i32 to vector<16xi32>
        %eq3A_1483 = arith.cmpi eq, %get3A_1465, %eq3A_1482 : vector<16xi32>
        %select_n3A_1484 = arith.select %eq3A_1483, %broadcast_in_dim3A_1480, %gather3A_1475 : vector<16xi1>, vector<16xf32>
        %eq3A_1485 = arith.constant 0 : i32
        %eq3A_1486 = vector.broadcast %eq3A_1485 : i32 to vector<16xi32>
        %eq3A_1487 = arith.cmpi eq, %get3A_1468, %eq3A_1486 : vector<16xi32>
        %select_n3A_1488 = arith.select %eq3A_1487, %broadcast_in_dim3A_1480, %gather3A_1476 : vector<16xi1>, vector<16xf32>
        %eq3A_1489 = arith.constant 0 : i32
        %eq3A_1490 = vector.broadcast %eq3A_1489 : i32 to vector<16xi32>
        %eq3A_1491 = arith.cmpi eq, %get3A_1471, %eq3A_1490 : vector<16xi32>
        %select_n3A_1492 = arith.select %eq3A_1491, %broadcast_in_dim3A_1480, %gather3A_1477 : vector<16xi1>, vector<16xf32>
        %eq3A_1493 = arith.constant 0 : i32
        %eq3A_1494 = vector.broadcast %eq3A_1493 : i32 to vector<16xi32>
        %eq3A_1495 = arith.cmpi eq, %get3A_1474, %eq3A_1494 : vector<16xi32>
        %select_n3A_1496 = arith.select %eq3A_1495, %broadcast_in_dim3A_1480, %gather3A_1478 : vector<16xi1>, vector<16xf32>
        %iota3A_1497 = tpu.iota {dimensions = array<i32: 0>} : vector<16xi32>
        %lt3A_1498 = arith.constant 2 : i32
        %lt3A_1499 = vector.broadcast %lt3A_1498 : i32 to vector<16xi32>
        %lt3A_1500 = arith.cmpi slt, %iota3A_1497, %lt3A_1499 : vector<16xi32>
        %select_n3A_1501 = arith.select %lt3A_1500, %select_n3A_1496, %broadcast_in_dim3A_1480 : vector<16xi1>, vector<16xf32>
        %add3A_1502 = arith.addf %select_n3A_1484, %select_n3A_1488 : vector<16xf32>
        %add3A_1503 = arith.addf %add3A_1502, %select_n3A_1492 : vector<16xf32>
        %add3A_1504 = arith.addf %add3A_1503, %select_n3A_1501 : vector<16xf32>
        %reduce_sum3A_1505 = arith.constant true
        %reduce_sum3A_1506 = vector.broadcast %reduce_sum3A_1505 : i1 to vector<16xi1>
        %reduce_sum3A_1507 = tpu.scan <sum>, %add3A_1504 masked %reduce_sum3A_1506 : vector<16xf32>, vector<16xi1> -> vector<16xf32>
        %reduce_sum3A_1508 = vector.extract %reduce_sum3A_1507[15] : f32 from vector<16xf32>
        %add3A_1509 = arith.constant 9.99999993E-9 : f32
        %add3A_1510 = arith.addf %reduce_sum3A_1508, %add3A_1509 : f32
        %broadcast_in_dim3A_1511 = vector.broadcast %add3A_1510 : f32 to vector<16xf32>
        %div3A_1512 = arith.divf %select_n3A_1484, %broadcast_in_dim3A_1511 : vector<16xf32>
        %div3A_1513 = arith.divf %select_n3A_1488, %broadcast_in_dim3A_1511 : vector<16xf32>
        %div3A_1514 = arith.divf %select_n3A_1492, %broadcast_in_dim3A_1511 : vector<16xf32>
        %div3A_1515 = arith.divf %select_n3A_1501, %broadcast_in_dim3A_1511 : vector<16xf32>
        %broadcast_in_dim3A_1516 = arith.constant 0.000000e+00 : f32
        %broadcast_in_dim3A_1517 = vector.broadcast %broadcast_in_dim3A_1516 : f32 to vector<16xf32>
        %broadcast_in_dim3A_1518 = arith.constant 0.000000e+00 : f32
        %broadcast_in_dim3A_1519 = vector.broadcast %broadcast_in_dim3A_1518 : f32 to vector<16xf32>
        %broadcast_in_dim3A_1520 = arith.constant 0.000000e+00 : f32
        %broadcast_in_dim3A_1521 = vector.broadcast %broadcast_in_dim3A_1520 : f32 to vector<16xf32>
        %broadcast_in_dim3A_1522 = arith.constant 0.000000e+00 : f32
        %broadcast_in_dim3A_1523 = vector.broadcast %broadcast_in_dim3A_1522 : f32 to vector<16xf32>
        %slice3A_1524 = vector.extract_strided_slice %div3A_1512 {offsets = [0], sizes = [1], strides = [1]} : vector<16xf32> to vector<1xf32>
        %squeeze3A_1525 = vector.extract %slice3A_1524[0] : f32 from vector<1xf32>
        %broadcast_in_dim3A_1526 = vector.broadcast %squeeze3A_1525 : f32 to vector<16xf32>
        %get3A_1527 = arith.constant 50 : i32
        %get3A_1528 = arith.index_cast %get3A_1527 : i32 to index
        %get3A_1529 = arith.constant 0 : index
        %get3A_1530 = tpu.vector_load %arg10[%get3A_1528, %get3A_1529] {strides = array<i32>} : memref<100x64xf32, #tpu.memory_space<vmem>>, vector<16xf32>,
        %mul3A_1531 = arith.mulf %broadcast_in_dim3A_1526, %get3A_1530 : vector<16xf32>
        %add3A_1532 = arith.addf %broadcast_in_dim3A_1517, %mul3A_1531 : vector<16xf32>
        %get3A_1533 = arith.constant 50 : i32
        %get3A_1534 = arith.index_cast %get3A_1533 : i32 to index
        %get3A_1535 = arith.constant 16 : index
        %get3A_1536 = tpu.vector_load %arg10[%get3A_1534, %get3A_1535] {strides = array<i32>} : memref<100x64xf32, #tpu.memory_space<vmem>>, vector<16xf32>,
        %mul3A_1537 = arith.mulf %broadcast_in_dim3A_1526, %get3A_1536 : vector<16xf32>
        %add3A_1538 = arith.addf %broadcast_in_dim3A_1519, %mul3A_1537 : vector<16xf32>
        %get3A_1539 = arith.constant 50 : i32
        %get3A_1540 = arith.index_cast %get3A_1539 : i32 to index
        %get3A_1541 = arith.constant 32 : index
        %get3A_1542 = tpu.vector_load %arg10[%get3A_1540, %get3A_1541] {strides = array<i32>} : memref<100x64xf32, #tpu.memory_space<vmem>>, vector<16xf32>,
        %mul3A_1543 = arith.mulf %broadcast_in_dim3A_1526, %get3A_1542 : vector<16xf32>
        %add3A_1544 = arith.addf %broadcast_in_dim3A_1521, %mul3A_1543 : vector<16xf32>
        %get3A_1545 = arith.constant 50 : i32
        %get3A_1546 = arith.index_cast %get3A_1545 : i32 to index
        %get3A_1547 = arith.constant 48 : index
        %get3A_1548 = tpu.vector_load %arg10[%get3A_1546, %get3A_1547] {strides = array<i32>} : memref<100x64xf32, #tpu.memory_space<vmem>>, vector<16xf32>,
        %mul3A_1549 = arith.mulf %broadcast_in_dim3A_1526, %get3A_1548 : vector<16xf32>
        %add3A_1550 = arith.addf %broadcast_in_dim3A_1523, %mul3A_1549 : vector<16xf32>
        %slice3A_1551 = vector.extract_strided_slice %div3A_1512 {offsets = [1], sizes = [1], strides = [1]} : vector<16xf32> to vector<1xf32>
        %squeeze3A_1552 = vector.extract %slice3A_1551[0] : f32 from vector<1xf32>
        %broadcast_in_dim3A_1553 = vector.broadcast %squeeze3A_1552 : f32 to vector<16xf32>
        %get3A_1554 = arith.constant 51 : i32
        %get3A_1555 = arith.index_cast %get3A_1554 : i32 to index
        %get3A_1556 = arith.constant 0 : index
        %get3A_1557 = tpu.vector_load %arg10[%get3A_1555, %get3A_1556] {strides = array<i32>} : memref<100x64xf32, #tpu.memory_space<vmem>>, vector<16xf32>,
        %mul3A_1558 = arith.mulf %broadcast_in_dim3A_1553, %get3A_1557 : vector<16xf32>
        %add3A_1559 = arith.addf %add3A_1532, %mul3A_1558 : vector<16xf32>
        %get3A_1560 = arith.constant 51 : i32
        %get3A_1561 = arith.index_cast %get3A_1560 : i32 to index
        %get3A_1562 = arith.constant 16 : index
        %get3A_1563 = tpu.vector_load %arg10[%get3A_1561, %get3A_1562] {strides = array<i32>} : memref<100x64xf32, #tpu.memory_space<vmem>>, vector<16xf32>,
        %mul3A_1564 = arith.mulf %broadcast_in_dim3A_1553, %get3A_1563 : vector<16xf32>
        %add3A_1565 = arith.addf %add3A_1538, %mul3A_1564 : vector<16xf32>
        %get3A_1566 = arith.constant 51 : i32
        %get3A_1567 = arith.index_cast %get3A_1566 : i32 to index
        %get3A_1568 = arith.constant 32 : index
        %get3A_1569 = tpu.vector_load %arg10[%get3A_1567, %get3A_1568] {strides = array<i32>} : memref<100x64xf32, #tpu.memory_space<vmem>>, vector<16xf32>,
        %mul3A_1570 = arith.mulf %broadcast_in_dim3A_1553, %get3A_1569 : vector<16xf32>
        %add3A_1571 = arith.addf %add3A_1544, %mul3A_1570 : vector<16xf32>
        %get3A_1572 = arith.constant 51 : i32
        %get3A_1573 = arith.index_cast %get3A_1572 : i32 to index
        %get3A_1574 = arith.constant 48 : index
        %get3A_1575 = tpu.vector_load %arg10[%get3A_1573, %get3A_1574] {strides = array<i32>} : memref<100x64xf32, #tpu.memory_space<vmem>>, vector<16xf32>,
        %mul3A_1576 = arith.mulf %broadcast_in_dim3A_1553, %get3A_1575 : vector<16xf32>
        %add3A_1577 = arith.addf %add3A_1550, %mul3A_1576 : vector<16xf32>
        %slice3A_1578 = vector.extract_strided_slice %div3A_1512 {offsets = [2], sizes = [1], strides = [1]} : vector<16xf32> to vector<1xf32>
        %squeeze3A_1579 = vector.extract %slice3A_1578[0] : f32 from vector<1xf32>
        %broadcast_in_dim3A_1580 = vector.broadcast %squeeze3A_1579 : f32 to vector<16xf32>
        %get3A_1581 = arith.constant 52 : i32
        %get3A_1582 = arith.index_cast %get3A_1581 : i32 to index
        %get3A_1583 = arith.constant 0 : index
        %get3A_1584 = tpu.vector_load %arg10[%get3A_1582, %get3A_1583] {strides = array<i32>} : memref<100x64xf32, #tpu.memory_space<vmem>>, vector<16xf32>,
        %mul3A_1585 = arith.mulf %broadcast_in_dim3A_1580, %get3A_1584 : vector<16xf32>
        %add3A_1586 = arith.addf %add3A_1559, %mul3A_1585 : vector<16xf32>
        %get3A_1587 = arith.constant 52 : i32
        %get3A_1588 = arith.index_cast %get3A_1587 : i32 to index
        %get3A_1589 = arith.constant 16 : index
        %get3A_1590 = tpu.vector_load %arg10[%get3A_1588, %get3A_1589] {strides = array<i32>} : memref<100x64xf32, #tpu.memory_space<vmem>>, vector<16xf32>,
        %mul3A_1591 = arith.mulf %broadcast_in_dim3A_1580, %get3A_1590 : vector<16xf32>
        %add3A_1592 = arith.addf %add3A_1565, %mul3A_1591 : vector<16xf32>
        %get3A_1593 = arith.constant 52 : i32
        %get3A_1594 = arith.index_cast %get3A_1593 : i32 to index
        %get3A_1595 = arith.constant 32 : index
        %get3A_1596 = tpu.vector_load %arg10[%get3A_1594, %get3A_1595] {strides = array<i32>} : memref<100x64xf32, #tpu.memory_space<vmem>>, vector<16xf32>,
        %mul3A_1597 = arith.mulf %broadcast_in_dim3A_1580, %get3A_1596 : vector<16xf32>
        %add3A_1598 = arith.addf %add3A_1571, %mul3A_1597 : vector<16xf32>
        %get3A_1599 = arith.constant 52 : i32
        %get3A_1600 = arith.index_cast %get3A_1599 : i32 to index
        %get3A_1601 = arith.constant 48 : index
        %get3A_1602 = tpu.vector_load %arg10[%get3A_1600, %get3A_1601] {strides = array<i32>} : memref<100x64xf32, #tpu.memory_space<vmem>>, vector<16xf32>,
        %mul3A_1603 = arith.mulf %broadcast_in_dim3A_1580, %get3A_1602 : vector<16xf32>
        %add3A_1604 = arith.addf %add3A_1577, %mul3A_1603 : vector<16xf32>
        %slice3A_1605 = vector.extract_strided_slice %div3A_1512 {offsets = [3], sizes = [1], strides = [1]} : vector<16xf32> to vector<1xf32>
        %squeeze3A_1606 = vector.extract %slice3A_1605[0] : f32 from vector<1xf32>
        %broadcast_in_dim3A_1607 = vector.broadcast %squeeze3A_1606 : f32 to vector<16xf32>
        %get3A_1608 = arith.constant 53 : i32
        %get3A_1609 = arith.index_cast %get3A_1608 : i32 to index
        %get3A_1610 = arith.constant 0 : index
        %get3A_1611 = tpu.vector_load %arg10[%get3A_1609, %get3A_1610] {strides = array<i32>} : memref<100x64xf32, #tpu.memory_space<vmem>>, vector<16xf32>,
        %mul3A_1612 = arith.mulf %broadcast_in_dim3A_1607, %get3A_1611 : vector<16xf32>
        %add3A_1613 = arith.addf %add3A_1586, %mul3A_1612 : vector<16xf32>
        %get3A_1614 = arith.constant 53 : i32
        %get3A_1615 = arith.index_cast %get3A_1614 : i32 to index
        %get3A_1616 = arith.constant 16 : index
        %get3A_1617 = tpu.vector_load %arg10[%get3A_1615, %get3A_1616] {strides = array<i32>} : memref<100x64xf32, #tpu.memory_space<vmem>>, vector<16xf32>,
        %mul3A_1618 = arith.mulf %broadcast_in_dim3A_1607, %get3A_1617 : vector<16xf32>
        %add3A_1619 = arith.addf %add3A_1592, %mul3A_1618 : vector<16xf32>
        %get3A_1620 = arith.constant 53 : i32
        %get3A_1621 = arith.index_cast %get3A_1620 : i32 to index
        %get3A_1622 = arith.constant 32 : index
        %get3A_1623 = tpu.vector_load %arg10[%get3A_1621, %get3A_1622] {strides = array<i32>} : memref<100x64xf32, #tpu.memory_space<vmem>>, vector<16xf32>,
        %mul3A_1624 = arith.mulf %broadcast_in_dim3A_1607, %get3A_1623 : vector<16xf32>
        %add3A_1625 = arith.addf %add3A_1598, %mul3A_1624 : vector<16xf32>
        %get3A_1626 = arith.constant 53 : i32
        %get3A_1627 = arith.index_cast %get3A_1626 : i32 to index
        %get3A_1628 = arith.constant 48 : index
        %get3A_1629 = tpu.vector_load %arg10[%get3A_1627, %get3A_1628] {strides = array<i32>} : memref<100x64xf32, #tpu.memory_space<vmem>>, vector<16xf32>,
        %mul3A_1630 = arith.mulf %broadcast_in_dim3A_1607, %get3A_1629 : vector<16xf32>
        %add3A_1631 = arith.addf %add3A_1604, %mul3A_1630 : vector<16xf32>
        %slice3A_1632 = vector.extract_strided_slice %div3A_1512 {offsets = [4], sizes = [1], strides = [1]} : vector<16xf32> to vector<1xf32>
        %squeeze3A_1633 = vector.extract %slice3A_1632[0] : f32 from vector<1xf32>
        %broadcast_in_dim3A_1634 = vector.broadcast %squeeze3A_1633 : f32 to vector<16xf32>
        %get3A_1635 = arith.constant 54 : i32
        %get3A_1636 = arith.index_cast %get3A_1635 : i32 to index
        %get3A_1637 = arith.constant 0 : index
        %get3A_1638 = tpu.vector_load %arg10[%get3A_1636, %get3A_1637] {strides = array<i32>} : memref<100x64xf32, #tpu.memory_space<vmem>>, vector<16xf32>,
        %mul3A_1639 = arith.mulf %broadcast_in_dim3A_1634, %get3A_1638 : vector<16xf32>
        %add3A_1640 = arith.addf %add3A_1613, %mul3A_1639 : vector<16xf32>
        %get3A_1641 = arith.constant 54 : i32
        %get3A_1642 = arith.index_cast %get3A_1641 : i32 to index
        %get3A_1643 = arith.constant 16 : index
        %get3A_1644 = tpu.vector_load %arg10[%get3A_1642, %get3A_1643] {strides = array<i32>} : memref<100x64xf32, #tpu.memory_space<vmem>>, vector<16xf32>,
        %mul3A_1645 = arith.mulf %broadcast_in_dim3A_1634, %get3A_1644 : vector<16xf32>
        %add3A_1646 = arith.addf %add3A_1619, %mul3A_1645 : vector<16xf32>
        %get3A_1647 = arith.constant 54 : i32
        %get3A_1648 = arith.index_cast %get3A_1647 : i32 to index
        %get3A_1649 = arith.constant 32 : index
        %get3A_1650 = tpu.vector_load %arg10[%get3A_1648, %get3A_1649] {strides = array<i32>} : memref<100x64xf32, #tpu.memory_space<vmem>>, vector<16xf32>,
        %mul3A_1651 = arith.mulf %broadcast_in_dim3A_1634, %get3A_1650 : vector<16xf32>
        %add3A_1652 = arith.addf %add3A_1625, %mul3A_1651 : vector<16xf32>
        %get3A_1653 = arith.constant 54 : i32
        %get3A_1654 = arith.index_cast %get3A_1653 : i32 to index
        %get3A_1655 = arith.constant 48 : index
        %get3A_1656 = tpu.vector_load %arg10[%get3A_1654, %get3A_1655] {strides = array<i32>} : memref<100x64xf32, #tpu.memory_space<vmem>>, vector<16xf32>,
        %mul3A_1657 = arith.mulf %broadcast_in_dim3A_1634, %get3A_1656 : vector<16xf32>
        %add3A_1658 = arith.addf %add3A_1631, %mul3A_1657 : vector<16xf32>
        %slice3A_1659 = vector.extract_strided_slice %div3A_1512 {offsets = [5], sizes = [1], strides = [1]} : vector<16xf32> to vector<1xf32>
        %squeeze3A_1660 = vector.extract %slice3A_1659[0] : f32 from vector<1xf32>
        %broadcast_in_dim3A_1661 = vector.broadcast %squeeze3A_1660 : f32 to vector<16xf32>
        %get3A_1662 = arith.constant 55 : i32
        %get3A_1663 = arith.index_cast %get3A_1662 : i32 to index
        %get3A_1664 = arith.constant 0 : index
        %get3A_1665 = tpu.vector_load %arg10[%get3A_1663, %get3A_1664] {strides = array<i32>} : memref<100x64xf32, #tpu.memory_space<vmem>>, vector<16xf32>,
        %mul3A_1666 = arith.mulf %broadcast_in_dim3A_1661, %get3A_1665 : vector<16xf32>
        %add3A_1667 = arith.addf %add3A_1640, %mul3A_1666 : vector<16xf32>
        %get3A_1668 = arith.constant 55 : i32
        %get3A_1669 = arith.index_cast %get3A_1668 : i32 to index
        %get3A_1670 = arith.constant 16 : index
        %get3A_1671 = tpu.vector_load %arg10[%get3A_1669, %get3A_1670] {strides = array<i32>} : memref<100x64xf32, #tpu.memory_space<vmem>>, vector<16xf32>,
        %mul3A_1672 = arith.mulf %broadcast_in_dim3A_1661, %get3A_1671 : vector<16xf32>
        %add3A_1673 = arith.addf %add3A_1646, %mul3A_1672 : vector<16xf32>
        %get3A_1674 = arith.constant 55 : i32
        %get3A_1675 = arith.index_cast %get3A_1674 : i32 to index
        %get3A_1676 = arith.constant 32 : index
        %get3A_1677 = tpu.vector_load %arg10[%get3A_1675, %get3A_1676] {strides = array<i32>} : memref<100x64xf32, #tpu.memory_space<vmem>>, vector<16xf32>,
        %mul3A_1678 = arith.mulf %broadcast_in_dim3A_1661, %get3A_1677 : vector<16xf32>
        %add3A_1679 = arith.addf %add3A_1652, %mul3A_1678 : vector<16xf32>
        %get3A_1680 = arith.constant 55 : i32
        %get3A_1681 = arith.index_cast %get3A_1680 : i32 to index
        %get3A_1682 = arith.constant 48 : index
        %get3A_1683 = tpu.vector_load %arg10[%get3A_1681, %get3A_1682] {strides = array<i32>} : memref<100x64xf32, #tpu.memory_space<vmem>>, vector<16xf32>,
        %mul3A_1684 = arith.mulf %broadcast_in_dim3A_1661, %get3A_1683 : vector<16xf32>
        %add3A_1685 = arith.addf %add3A_1658, %mul3A_1684 : vector<16xf32>
        %slice3A_1686 = vector.extract_strided_slice %div3A_1512 {offsets = [6], sizes = [1], strides = [1]} : vector<16xf32> to vector<1xf32>
        %squeeze3A_1687 = vector.extract %slice3A_1686[0] : f32 from vector<1xf32>
        %broadcast_in_dim3A_1688 = vector.broadcast %squeeze3A_1687 : f32 to vector<16xf32>
        %get3A_1689 = arith.constant 56 : i32
        %get3A_1690 = arith.index_cast %get3A_1689 : i32 to index
        %get3A_1691 = arith.constant 0 : index
        %get3A_1692 = tpu.vector_load %arg10[%get3A_1690, %get3A_1691] {strides = array<i32>} : memref<100x64xf32, #tpu.memory_space<vmem>>, vector<16xf32>,
        %mul3A_1693 = arith.mulf %broadcast_in_dim3A_1688, %get3A_1692 : vector<16xf32>
        %add3A_1694 = arith.addf %add3A_1667, %mul3A_1693 : vector<16xf32>
        %get3A_1695 = arith.constant 56 : i32
        %get3A_1696 = arith.index_cast %get3A_1695 : i32 to index
        %get3A_1697 = arith.constant 16 : index
        %get3A_1698 = tpu.vector_load %arg10[%get3A_1696, %get3A_1697] {strides = array<i32>} : memref<100x64xf32, #tpu.memory_space<vmem>>, vector<16xf32>,
        %mul3A_1699 = arith.mulf %broadcast_in_dim3A_1688, %get3A_1698 : vector<16xf32>
        %add3A_1700 = arith.addf %add3A_1673, %mul3A_1699 : vector<16xf32>
        %get3A_1701 = arith.constant 56 : i32
        %get3A_1702 = arith.index_cast %get3A_1701 : i32 to index
        %get3A_1703 = arith.constant 32 : index
        %get3A_1704 = tpu.vector_load %arg10[%get3A_1702, %get3A_1703] {strides = array<i32>} : memref<100x64xf32, #tpu.memory_space<vmem>>, vector<16xf32>,
        %mul3A_1705 = arith.mulf %broadcast_in_dim3A_1688, %get3A_1704 : vector<16xf32>
        %add3A_1706 = arith.addf %add3A_1679, %mul3A_1705 : vector<16xf32>
        %get3A_1707 = arith.constant 56 : i32
        %get3A_1708 = arith.index_cast %get3A_1707 : i32 to index
        %get3A_1709 = arith.constant 48 : index
        %get3A_1710 = tpu.vector_load %arg10[%get3A_1708, %get3A_1709] {strides = array<i32>} : memref<100x64xf32, #tpu.memory_space<vmem>>, vector<16xf32>,
        %mul3A_1711 = arith.mulf %broadcast_in_dim3A_1688, %get3A_1710 : vector<16xf32>
        %add3A_1712 = arith.addf %add3A_1685, %mul3A_1711 : vector<16xf32>
        %slice3A_1713 = vector.extract_strided_slice %div3A_1512 {offsets = [7], sizes = [1], strides = [1]} : vector<16xf32> to vector<1xf32>
        %squeeze3A_1714 = vector.extract %slice3A_1713[0] : f32 from vector<1xf32>
        %broadcast_in_dim3A_1715 = vector.broadcast %squeeze3A_1714 : f32 to vector<16xf32>
        %get3A_1716 = arith.constant 57 : i32
        %get3A_1717 = arith.index_cast %get3A_1716 : i32 to index
        %get3A_1718 = arith.constant 0 : index
        %get3A_1719 = tpu.vector_load %arg10[%get3A_1717, %get3A_1718] {strides = array<i32>} : memref<100x64xf32, #tpu.memory_space<vmem>>, vector<16xf32>,
        %mul3A_1720 = arith.mulf %broadcast_in_dim3A_1715, %get3A_1719 : vector<16xf32>
        %add3A_1721 = arith.addf %add3A_1694, %mul3A_1720 : vector<16xf32>
        %get3A_1722 = arith.constant 57 : i32
        %get3A_1723 = arith.index_cast %get3A_1722 : i32 to index
        %get3A_1724 = arith.constant 16 : index
        %get3A_1725 = tpu.vector_load %arg10[%get3A_1723, %get3A_1724] {strides = array<i32>} : memref<100x64xf32, #tpu.memory_space<vmem>>, vector<16xf32>,
        %mul3A_1726 = arith.mulf %broadcast_in_dim3A_1715, %get3A_1725 : vector<16xf32>
        %add3A_1727 = arith.addf %add3A_1700, %mul3A_1726 : vector<16xf32>
        %get3A_1728 = arith.constant 57 : i32
        %get3A_1729 = arith.index_cast %get3A_1728 : i32 to index
        %get3A_1730 = arith.constant 32 : index
        %get3A_1731 = tpu.vector_load %arg10[%get3A_1729, %get3A_1730] {strides = array<i32>} : memref<100x64xf32, #tpu.memory_space<vmem>>, vector<16xf32>,
        %mul3A_1732 = arith.mulf %broadcast_in_dim3A_1715, %get3A_1731 : vector<16xf32>
        %add3A_1733 = arith.addf %add3A_1706, %mul3A_1732 : vector<16xf32>
        %get3A_1734 = arith.constant 57 : i32
        %get3A_1735 = arith.index_cast %get3A_1734 : i32 to index
        %get3A_1736 = arith.constant 48 : index
        %get3A_1737 = tpu.vector_load %arg10[%get3A_1735, %get3A_1736] {strides = array<i32>} : memref<100x64xf32, #tpu.memory_space<vmem>>, vector<16xf32>,
        %mul3A_1738 = arith.mulf %broadcast_in_dim3A_1715, %get3A_1737 : vector<16xf32>
        %add3A_1739 = arith.addf %add3A_1712, %mul3A_1738 : vector<16xf32>
        %slice3A_1740 = vector.extract_strided_slice %div3A_1512 {offsets = [8], sizes = [1], strides = [1]} : vector<16xf32> to vector<1xf32>
        %squeeze3A_1741 = vector.extract %slice3A_1740[0] : f32 from vector<1xf32>
        %broadcast_in_dim3A_1742 = vector.broadcast %squeeze3A_1741 : f32 to vector<16xf32>
        %get3A_1743 = arith.constant 58 : i32
        %get3A_1744 = arith.index_cast %get3A_1743 : i32 to index
        %get3A_1745 = arith.constant 0 : index
        %get3A_1746 = tpu.vector_load %arg10[%get3A_1744, %get3A_1745] {strides = array<i32>} : memref<100x64xf32, #tpu.memory_space<vmem>>, vector<16xf32>,
        %mul3A_1747 = arith.mulf %broadcast_in_dim3A_1742, %get3A_1746 : vector<16xf32>
        %add3A_1748 = arith.addf %add3A_1721, %mul3A_1747 : vector<16xf32>
        %get3A_1749 = arith.constant 58 : i32
        %get3A_1750 = arith.index_cast %get3A_1749 : i32 to index
        %get3A_1751 = arith.constant 16 : index
        %get3A_1752 = tpu.vector_load %arg10[%get3A_1750, %get3A_1751] {strides = array<i32>} : memref<100x64xf32, #tpu.memory_space<vmem>>, vector<16xf32>,
        %mul3A_1753 = arith.mulf %broadcast_in_dim3A_1742, %get3A_1752 : vector<16xf32>
        %add3A_1754 = arith.addf %add3A_1727, %mul3A_1753 : vector<16xf32>
        %get3A_1755 = arith.constant 58 : i32
        %get3A_1756 = arith.index_cast %get3A_1755 : i32 to index
        %get3A_1757 = arith.constant 32 : index
        %get3A_1758 = tpu.vector_load %arg10[%get3A_1756, %get3A_1757] {strides = array<i32>} : memref<100x64xf32, #tpu.memory_space<vmem>>, vector<16xf32>,
        %mul3A_1759 = arith.mulf %broadcast_in_dim3A_1742, %get3A_1758 : vector<16xf32>
        %add3A_1760 = arith.addf %add3A_1733, %mul3A_1759 : vector<16xf32>
        %get3A_1761 = arith.constant 58 : i32
        %get3A_1762 = arith.index_cast %get3A_1761 : i32 to index
        %get3A_1763 = arith.constant 48 : index
        %get3A_1764 = tpu.vector_load %arg10[%get3A_1762, %get3A_1763] {strides = array<i32>} : memref<100x64xf32, #tpu.memory_space<vmem>>, vector<16xf32>,
        %mul3A_1765 = arith.mulf %broadcast_in_dim3A_1742, %get3A_1764 : vector<16xf32>
        %add3A_1766 = arith.addf %add3A_1739, %mul3A_1765 : vector<16xf32>
        %slice3A_1767 = vector.extract_strided_slice %div3A_1512 {offsets = [9], sizes = [1], strides = [1]} : vector<16xf32> to vector<1xf32>
        %squeeze3A_1768 = vector.extract %slice3A_1767[0] : f32 from vector<1xf32>
        %broadcast_in_dim3A_1769 = vector.broadcast %squeeze3A_1768 : f32 to vector<16xf32>
        %get3A_1770 = arith.constant 59 : i32
        %get3A_1771 = arith.index_cast %get3A_1770 : i32 to index
        %get3A_1772 = arith.constant 0 : index
        %get3A_1773 = tpu.vector_load %arg10[%get3A_1771, %get3A_1772] {strides = array<i32>} : memref<100x64xf32, #tpu.memory_space<vmem>>, vector<16xf32>,
        %mul3A_1774 = arith.mulf %broadcast_in_dim3A_1769, %get3A_1773 : vector<16xf32>
        %add3A_1775 = arith.addf %add3A_1748, %mul3A_1774 : vector<16xf32>
        %get3A_1776 = arith.constant 59 : i32
        %get3A_1777 = arith.index_cast %get3A_1776 : i32 to index
        %get3A_1778 = arith.constant 16 : index
        %get3A_1779 = tpu.vector_load %arg10[%get3A_1777, %get3A_1778] {strides = array<i32>} : memref<100x64xf32, #tpu.memory_space<vmem>>, vector<16xf32>,
        %mul3A_1780 = arith.mulf %broadcast_in_dim3A_1769, %get3A_1779 : vector<16xf32>
        %add3A_1781 = arith.addf %add3A_1754, %mul3A_1780 : vector<16xf32>
        %get3A_1782 = arith.constant 59 : i32
        %get3A_1783 = arith.index_cast %get3A_1782 : i32 to index
        %get3A_1784 = arith.constant 32 : index
        %get3A_1785 = tpu.vector_load %arg10[%get3A_1783, %get3A_1784] {strides = array<i32>} : memref<100x64xf32, #tpu.memory_space<vmem>>, vector<16xf32>,
        %mul3A_1786 = arith.mulf %broadcast_in_dim3A_1769, %get3A_1785 : vector<16xf32>
        %add3A_1787 = arith.addf %add3A_1760, %mul3A_1786 : vector<16xf32>
        %get3A_1788 = arith.constant 59 : i32
        %get3A_1789 = arith.index_cast %get3A_1788 : i32 to index
        %get3A_1790 = arith.constant 48 : index
        %get3A_1791 = tpu.vector_load %arg10[%get3A_1789, %get3A_1790] {strides = array<i32>} : memref<100x64xf32, #tpu.memory_space<vmem>>, vector<16xf32>,
        %mul3A_1792 = arith.mulf %broadcast_in_dim3A_1769, %get3A_1791 : vector<16xf32>
        %add3A_1793 = arith.addf %add3A_1766, %mul3A_1792 : vector<16xf32>
        %slice3A_1794 = vector.extract_strided_slice %div3A_1512 {offsets = [10], sizes = [1], strides = [1]} : vector<16xf32> to vector<1xf32>
        %squeeze3A_1795 = vector.extract %slice3A_1794[0] : f32 from vector<1xf32>
        %broadcast_in_dim3A_1796 = vector.broadcast %squeeze3A_1795 : f32 to vector<16xf32>
        %get3A_1797 = arith.constant 60 : i32
        %get3A_1798 = arith.index_cast %get3A_1797 : i32 to index
        %get3A_1799 = arith.constant 0 : index
        %get3A_1800 = tpu.vector_load %arg10[%get3A_1798, %get3A_1799] {strides = array<i32>} : memref<100x64xf32, #tpu.memory_space<vmem>>, vector<16xf32>,
        %mul3A_1801 = arith.mulf %broadcast_in_dim3A_1796, %get3A_1800 : vector<16xf32>
        %add3A_1802 = arith.addf %add3A_1775, %mul3A_1801 : vector<16xf32>
        %get3A_1803 = arith.constant 60 : i32
        %get3A_1804 = arith.index_cast %get3A_1803 : i32 to index
        %get3A_1805 = arith.constant 16 : index
        %get3A_1806 = tpu.vector_load %arg10[%get3A_1804, %get3A_1805] {strides = array<i32>} : memref<100x64xf32, #tpu.memory_space<vmem>>, vector<16xf32>,
        %mul3A_1807 = arith.mulf %broadcast_in_dim3A_1796, %get3A_1806 : vector<16xf32>
        %add3A_1808 = arith.addf %add3A_1781, %mul3A_1807 : vector<16xf32>
        %get3A_1809 = arith.constant 60 : i32
        %get3A_1810 = arith.index_cast %get3A_1809 : i32 to index
        %get3A_1811 = arith.constant 32 : index
        %get3A_1812 = tpu.vector_load %arg10[%get3A_1810, %get3A_1811] {strides = array<i32>} : memref<100x64xf32, #tpu.memory_space<vmem>>, vector<16xf32>,
        %mul3A_1813 = arith.mulf %broadcast_in_dim3A_1796, %get3A_1812 : vector<16xf32>
        %add3A_1814 = arith.addf %add3A_1787, %mul3A_1813 : vector<16xf32>
        %get3A_1815 = arith.constant 60 : i32
        %get3A_1816 = arith.index_cast %get3A_1815 : i32 to index
        %get3A_1817 = arith.constant 48 : index
        %get3A_1818 = tpu.vector_load %arg10[%get3A_1816, %get3A_1817] {strides = array<i32>} : memref<100x64xf32, #tpu.memory_space<vmem>>, vector<16xf32>,
        %mul3A_1819 = arith.mulf %broadcast_in_dim3A_1796, %get3A_1818 : vector<16xf32>
        %add3A_1820 = arith.addf %add3A_1793, %mul3A_1819 : vector<16xf32>
        %slice3A_1821 = vector.extract_strided_slice %div3A_1512 {offsets = [11], sizes = [1], strides = [1]} : vector<16xf32> to vector<1xf32>
        %squeeze3A_1822 = vector.extract %slice3A_1821[0] : f32 from vector<1xf32>
        %broadcast_in_dim3A_1823 = vector.broadcast %squeeze3A_1822 : f32 to vector<16xf32>
        %get3A_1824 = arith.constant 61 : i32
        %get3A_1825 = arith.index_cast %get3A_1824 : i32 to index
        %get3A_1826 = arith.constant 0 : index
        %get3A_1827 = tpu.vector_load %arg10[%get3A_1825, %get3A_1826] {strides = array<i32>} : memref<100x64xf32, #tpu.memory_space<vmem>>, vector<16xf32>,
        %mul3A_1828 = arith.mulf %broadcast_in_dim3A_1823, %get3A_1827 : vector<16xf32>
        %add3A_1829 = arith.addf %add3A_1802, %mul3A_1828 : vector<16xf32>
        %get3A_1830 = arith.constant 61 : i32
        %get3A_1831 = arith.index_cast %get3A_1830 : i32 to index
        %get3A_1832 = arith.constant 16 : index
        %get3A_1833 = tpu.vector_load %arg10[%get3A_1831, %get3A_1832] {strides = array<i32>} : memref<100x64xf32, #tpu.memory_space<vmem>>, vector<16xf32>,
        %mul3A_1834 = arith.mulf %broadcast_in_dim3A_1823, %get3A_1833 : vector<16xf32>
        %add3A_1835 = arith.addf %add3A_1808, %mul3A_1834 : vector<16xf32>
        %get3A_1836 = arith.constant 61 : i32
        %get3A_1837 = arith.index_cast %get3A_1836 : i32 to index
        %get3A_1838 = arith.constant 32 : index
        %get3A_1839 = tpu.vector_load %arg10[%get3A_1837, %get3A_1838] {strides = array<i32>} : memref<100x64xf32, #tpu.memory_space<vmem>>, vector<16xf32>,
        %mul3A_1840 = arith.mulf %broadcast_in_dim3A_1823, %get3A_1839 : vector<16xf32>
        %add3A_1841 = arith.addf %add3A_1814, %mul3A_1840 : vector<16xf32>
        %get3A_1842 = arith.constant 61 : i32
        %get3A_1843 = arith.index_cast %get3A_1842 : i32 to index
        %get3A_1844 = arith.constant 48 : index
        %get3A_1845 = tpu.vector_load %arg10[%get3A_1843, %get3A_1844] {strides = array<i32>} : memref<100x64xf32, #tpu.memory_space<vmem>>, vector<16xf32>,
        %mul3A_1846 = arith.mulf %broadcast_in_dim3A_1823, %get3A_1845 : vector<16xf32>
        %add3A_1847 = arith.addf %add3A_1820, %mul3A_1846 : vector<16xf32>
        %slice3A_1848 = vector.extract_strided_slice %div3A_1512 {offsets = [12], sizes = [1], strides = [1]} : vector<16xf32> to vector<1xf32>
        %squeeze3A_1849 = vector.extract %slice3A_1848[0] : f32 from vector<1xf32>
        %broadcast_in_dim3A_1850 = vector.broadcast %squeeze3A_1849 : f32 to vector<16xf32>
        %get3A_1851 = arith.constant 62 : i32
        %get3A_1852 = arith.index_cast %get3A_1851 : i32 to index
        %get3A_1853 = arith.constant 0 : index
        %get3A_1854 = tpu.vector_load %arg10[%get3A_1852, %get3A_1853] {strides = array<i32>} : memref<100x64xf32, #tpu.memory_space<vmem>>, vector<16xf32>,
        %mul3A_1855 = arith.mulf %broadcast_in_dim3A_1850, %get3A_1854 : vector<16xf32>
        %add3A_1856 = arith.addf %add3A_1829, %mul3A_1855 : vector<16xf32>
        %get3A_1857 = arith.constant 62 : i32
        %get3A_1858 = arith.index_cast %get3A_1857 : i32 to index
        %get3A_1859 = arith.constant 16 : index
        %get3A_1860 = tpu.vector_load %arg10[%get3A_1858, %get3A_1859] {strides = array<i32>} : memref<100x64xf32, #tpu.memory_space<vmem>>, vector<16xf32>,
        %mul3A_1861 = arith.mulf %broadcast_in_dim3A_1850, %get3A_1860 : vector<16xf32>
        %add3A_1862 = arith.addf %add3A_1835, %mul3A_1861 : vector<16xf32>
        %get3A_1863 = arith.constant 62 : i32
        %get3A_1864 = arith.index_cast %get3A_1863 : i32 to index
        %get3A_1865 = arith.constant 32 : index
        %get3A_1866 = tpu.vector_load %arg10[%get3A_1864, %get3A_1865] {strides = array<i32>} : memref<100x64xf32, #tpu.memory_space<vmem>>, vector<16xf32>,
        %mul3A_1867 = arith.mulf %broadcast_in_dim3A_1850, %get3A_1866 : vector<16xf32>
        %add3A_1868 = arith.addf %add3A_1841, %mul3A_1867 : vector<16xf32>
        %get3A_1869 = arith.constant 62 : i32
        %get3A_1870 = arith.index_cast %get3A_1869 : i32 to index
        %get3A_1871 = arith.constant 48 : index
        %get3A_1872 = tpu.vector_load %arg10[%get3A_1870, %get3A_1871] {strides = array<i32>} : memref<100x64xf32, #tpu.memory_space<vmem>>, vector<16xf32>,
        %mul3A_1873 = arith.mulf %broadcast_in_dim3A_1850, %get3A_1872 : vector<16xf32>
        %add3A_1874 = arith.addf %add3A_1847, %mul3A_1873 : vector<16xf32>
        %slice3A_1875 = vector.extract_strided_slice %div3A_1512 {offsets = [13], sizes = [1], strides = [1]} : vector<16xf32> to vector<1xf32>
        %squeeze3A_1876 = vector.extract %slice3A_1875[0] : f32 from vector<1xf32>
        %broadcast_in_dim3A_1877 = vector.broadcast %squeeze3A_1876 : f32 to vector<16xf32>
        %get3A_1878 = arith.constant 63 : i32
        %get3A_1879 = arith.index_cast %get3A_1878 : i32 to index
        %get3A_1880 = arith.constant 0 : index
        %get3A_1881 = tpu.vector_load %arg10[%get3A_1879, %get3A_1880] {strides = array<i32>} : memref<100x64xf32, #tpu.memory_space<vmem>>, vector<16xf32>,
        %mul3A_1882 = arith.mulf %broadcast_in_dim3A_1877, %get3A_1881 : vector<16xf32>
        %add3A_1883 = arith.addf %add3A_1856, %mul3A_1882 : vector<16xf32>
        %get3A_1884 = arith.constant 63 : i32
        %get3A_1885 = arith.index_cast %get3A_1884 : i32 to index
        %get3A_1886 = arith.constant 16 : index
        %get3A_1887 = tpu.vector_load %arg10[%get3A_1885, %get3A_1886] {strides = array<i32>} : memref<100x64xf32, #tpu.memory_space<vmem>>, vector<16xf32>,
        %mul3A_1888 = arith.mulf %broadcast_in_dim3A_1877, %get3A_1887 : vector<16xf32>
        %add3A_1889 = arith.addf %add3A_1862, %mul3A_1888 : vector<16xf32>
        %get3A_1890 = arith.constant 63 : i32
        %get3A_1891 = arith.index_cast %get3A_1890 : i32 to index
        %get3A_1892 = arith.constant 32 : index
        %get3A_1893 = tpu.vector_load %arg10[%get3A_1891, %get3A_1892] {strides = array<i32>} : memref<100x64xf32, #tpu.memory_space<vmem>>, vector<16xf32>,
        %mul3A_1894 = arith.mulf %broadcast_in_dim3A_1877, %get3A_1893 : vector<16xf32>
        %add3A_1895 = arith.addf %add3A_1868, %mul3A_1894 : vector<16xf32>
        %get3A_1896 = arith.constant 63 : i32
        %get3A_1897 = arith.index_cast %get3A_1896 : i32 to index
        %get3A_1898 = arith.constant 48 : index
        %get3A_1899 = tpu.vector_load %arg10[%get3A_1897, %get3A_1898] {strides = array<i32>} : memref<100x64xf32, #tpu.memory_space<vmem>>, vector<16xf32>,
        %mul3A_1900 = arith.mulf %broadcast_in_dim3A_1877, %get3A_1899 : vector<16xf32>
        %add3A_1901 = arith.addf %add3A_1874, %mul3A_1900 : vector<16xf32>
        %slice3A_1902 = vector.extract_strided_slice %div3A_1512 {offsets = [14], sizes = [1], strides = [1]} : vector<16xf32> to vector<1xf32>
        %squeeze3A_1903 = vector.extract %slice3A_1902[0] : f32 from vector<1xf32>
        %broadcast_in_dim3A_1904 = vector.broadcast %squeeze3A_1903 : f32 to vector<16xf32>
        %get3A_1905 = arith.constant 64 : i32
        %get3A_1906 = arith.index_cast %get3A_1905 : i32 to index
        %get3A_1907 = arith.constant 0 : index
        %get3A_1908 = tpu.vector_load %arg10[%get3A_1906, %get3A_1907] {strides = array<i32>} : memref<100x64xf32, #tpu.memory_space<vmem>>, vector<16xf32>,
        %mul3A_1909 = arith.mulf %broadcast_in_dim3A_1904, %get3A_1908 : vector<16xf32>
        %add3A_1910 = arith.addf %add3A_1883, %mul3A_1909 : vector<16xf32>
        %get3A_1911 = arith.constant 64 : i32
        %get3A_1912 = arith.index_cast %get3A_1911 : i32 to index
        %get3A_1913 = arith.constant 16 : index
        %get3A_1914 = tpu.vector_load %arg10[%get3A_1912, %get3A_1913] {strides = array<i32>} : memref<100x64xf32, #tpu.memory_space<vmem>>, vector<16xf32>,
        %mul3A_1915 = arith.mulf %broadcast_in_dim3A_1904, %get3A_1914 : vector<16xf32>
        %add3A_1916 = arith.addf %add3A_1889, %mul3A_1915 : vector<16xf32>
        %get3A_1917 = arith.constant 64 : i32
        %get3A_1918 = arith.index_cast %get3A_1917 : i32 to index
        %get3A_1919 = arith.constant 32 : index
        %get3A_1920 = tpu.vector_load %arg10[%get3A_1918, %get3A_1919] {strides = array<i32>} : memref<100x64xf32, #tpu.memory_space<vmem>>, vector<16xf32>,
        %mul3A_1921 = arith.mulf %broadcast_in_dim3A_1904, %get3A_1920 : vector<16xf32>
        %add3A_1922 = arith.addf %add3A_1895, %mul3A_1921 : vector<16xf32>
        %get3A_1923 = arith.constant 64 : i32
        %get3A_1924 = arith.index_cast %get3A_1923 : i32 to index
        %get3A_1925 = arith.constant 48 : index
        %get3A_1926 = tpu.vector_load %arg10[%get3A_1924, %get3A_1925] {strides = array<i32>} : memref<100x64xf32, #tpu.memory_space<vmem>>, vector<16xf32>,
        %mul3A_1927 = arith.mulf %broadcast_in_dim3A_1904, %get3A_1926 : vector<16xf32>
        %add3A_1928 = arith.addf %add3A_1901, %mul3A_1927 : vector<16xf32>
        %slice3A_1929 = vector.extract_strided_slice %div3A_1512 {offsets = [15], sizes = [1], strides = [1]} : vector<16xf32> to vector<1xf32>
        %squeeze3A_1930 = vector.extract %slice3A_1929[0] : f32 from vector<1xf32>
        %broadcast_in_dim3A_1931 = vector.broadcast %squeeze3A_1930 : f32 to vector<16xf32>
        %get3A_1932 = arith.constant 65 : i32
        %get3A_1933 = arith.index_cast %get3A_1932 : i32 to index
        %get3A_1934 = arith.constant 0 : index
        %get3A_1935 = tpu.vector_load %arg10[%get3A_1933, %get3A_1934] {strides = array<i32>} : memref<100x64xf32, #tpu.memory_space<vmem>>, vector<16xf32>,
        %mul3A_1936 = arith.mulf %broadcast_in_dim3A_1931, %get3A_1935 : vector<16xf32>
        %add3A_1937 = arith.addf %add3A_1910, %mul3A_1936 : vector<16xf32>
        %get3A_1938 = arith.constant 65 : i32
        %get3A_1939 = arith.index_cast %get3A_1938 : i32 to index
        %get3A_1940 = arith.constant 16 : index
        %get3A_1941 = tpu.vector_load %arg10[%get3A_1939, %get3A_1940] {strides = array<i32>} : memref<100x64xf32, #tpu.memory_space<vmem>>, vector<16xf32>,
        %mul3A_1942 = arith.mulf %broadcast_in_dim3A_1931, %get3A_1941 : vector<16xf32>
        %add3A_1943 = arith.addf %add3A_1916, %mul3A_1942 : vector<16xf32>
        %get3A_1944 = arith.constant 65 : i32
        %get3A_1945 = arith.index_cast %get3A_1944 : i32 to index
        %get3A_1946 = arith.constant 32 : index
        %get3A_1947 = tpu.vector_load %arg10[%get3A_1945, %get3A_1946] {strides = array<i32>} : memref<100x64xf32, #tpu.memory_space<vmem>>, vector<16xf32>,
        %mul3A_1948 = arith.mulf %broadcast_in_dim3A_1931, %get3A_1947 : vector<16xf32>
        %add3A_1949 = arith.addf %add3A_1922, %mul3A_1948 : vector<16xf32>
        %get3A_1950 = arith.constant 65 : i32
        %get3A_1951 = arith.index_cast %get3A_1950 : i32 to index
        %get3A_1952 = arith.constant 48 : index
        %get3A_1953 = tpu.vector_load %arg10[%get3A_1951, %get3A_1952] {strides = array<i32>} : memref<100x64xf32, #tpu.memory_space<vmem>>, vector<16xf32>,
        %mul3A_1954 = arith.mulf %broadcast_in_dim3A_1931, %get3A_1953 : vector<16xf32>
        %add3A_1955 = arith.addf %add3A_1928, %mul3A_1954 : vector<16xf32>
        %slice3A_1956 = vector.extract_strided_slice %div3A_1513 {offsets = [0], sizes = [1], strides = [1]} : vector<16xf32> to vector<1xf32>
        %squeeze3A_1957 = vector.extract %slice3A_1956[0] : f32 from vector<1xf32>
        %broadcast_in_dim3A_1958 = vector.broadcast %squeeze3A_1957 : f32 to vector<16xf32>
        %get3A_1959 = arith.constant 66 : i32
        %get3A_1960 = arith.index_cast %get3A_1959 : i32 to index
        %get3A_1961 = arith.constant 0 : index
        %get3A_1962 = tpu.vector_load %arg10[%get3A_1960, %get3A_1961] {strides = array<i32>} : memref<100x64xf32, #tpu.memory_space<vmem>>, vector<16xf32>,
        %mul3A_1963 = arith.mulf %broadcast_in_dim3A_1958, %get3A_1962 : vector<16xf32>
        %add3A_1964 = arith.addf %add3A_1937, %mul3A_1963 : vector<16xf32>
        %get3A_1965 = arith.constant 66 : i32
        %get3A_1966 = arith.index_cast %get3A_1965 : i32 to index
        %get3A_1967 = arith.constant 16 : index
        %get3A_1968 = tpu.vector_load %arg10[%get3A_1966, %get3A_1967] {strides = array<i32>} : memref<100x64xf32, #tpu.memory_space<vmem>>, vector<16xf32>,
        %mul3A_1969 = arith.mulf %broadcast_in_dim3A_1958, %get3A_1968 : vector<16xf32>
        %add3A_1970 = arith.addf %add3A_1943, %mul3A_1969 : vector<16xf32>
        %get3A_1971 = arith.constant 66 : i32
        %get3A_1972 = arith.index_cast %get3A_1971 : i32 to index
        %get3A_1973 = arith.constant 32 : index
        %get3A_1974 = tpu.vector_load %arg10[%get3A_1972, %get3A_1973] {strides = array<i32>} : memref<100x64xf32, #tpu.memory_space<vmem>>, vector<16xf32>,
        %mul3A_1975 = arith.mulf %broadcast_in_dim3A_1958, %get3A_1974 : vector<16xf32>
        %add3A_1976 = arith.addf %add3A_1949, %mul3A_1975 : vector<16xf32>
        %get3A_1977 = arith.constant 66 : i32
        %get3A_1978 = arith.index_cast %get3A_1977 : i32 to index
        %get3A_1979 = arith.constant 48 : index
        %get3A_1980 = tpu.vector_load %arg10[%get3A_1978, %get3A_1979] {strides = array<i32>} : memref<100x64xf32, #tpu.memory_space<vmem>>, vector<16xf32>,
        %mul3A_1981 = arith.mulf %broadcast_in_dim3A_1958, %get3A_1980 : vector<16xf32>
        %add3A_1982 = arith.addf %add3A_1955, %mul3A_1981 : vector<16xf32>
        %slice3A_1983 = vector.extract_strided_slice %div3A_1513 {offsets = [1], sizes = [1], strides = [1]} : vector<16xf32> to vector<1xf32>
        %squeeze3A_1984 = vector.extract %slice3A_1983[0] : f32 from vector<1xf32>
        %broadcast_in_dim3A_1985 = vector.broadcast %squeeze3A_1984 : f32 to vector<16xf32>
        %get3A_1986 = arith.constant 67 : i32
        %get3A_1987 = arith.index_cast %get3A_1986 : i32 to index
        %get3A_1988 = arith.constant 0 : index
        %get3A_1989 = tpu.vector_load %arg10[%get3A_1987, %get3A_1988] {strides = array<i32>} : memref<100x64xf32, #tpu.memory_space<vmem>>, vector<16xf32>,
        %mul3A_1990 = arith.mulf %broadcast_in_dim3A_1985, %get3A_1989 : vector<16xf32>
        %add3A_1991 = arith.addf %add3A_1964, %mul3A_1990 : vector<16xf32>
        %get3A_1992 = arith.constant 67 : i32
        %get3A_1993 = arith.index_cast %get3A_1992 : i32 to index
        %get3A_1994 = arith.constant 16 : index
        %get3A_1995 = tpu.vector_load %arg10[%get3A_1993, %get3A_1994] {strides = array<i32>} : memref<100x64xf32, #tpu.memory_space<vmem>>, vector<16xf32>,
        %mul3A_1996 = arith.mulf %broadcast_in_dim3A_1985, %get3A_1995 : vector<16xf32>
        %add3A_1997 = arith.addf %add3A_1970, %mul3A_1996 : vector<16xf32>
        %get3A_1998 = arith.constant 67 : i32
        %get3A_1999 = arith.index_cast %get3A_1998 : i32 to index
        %get3A_2000 = arith.constant 32 : index
        %get3A_2001 = tpu.vector_load %arg10[%get3A_1999, %get3A_2000] {strides = array<i32>} : memref<100x64xf32, #tpu.memory_space<vmem>>, vector<16xf32>,
        %mul3A_2002 = arith.mulf %broadcast_in_dim3A_1985, %get3A_2001 : vector<16xf32>
        %add3A_2003 = arith.addf %add3A_1976, %mul3A_2002 : vector<16xf32>
        %get3A_2004 = arith.constant 67 : i32
        %get3A_2005 = arith.index_cast %get3A_2004 : i32 to index
        %get3A_2006 = arith.constant 48 : index
        %get3A_2007 = tpu.vector_load %arg10[%get3A_2005, %get3A_2006] {strides = array<i32>} : memref<100x64xf32, #tpu.memory_space<vmem>>, vector<16xf32>,
        %mul3A_2008 = arith.mulf %broadcast_in_dim3A_1985, %get3A_2007 : vector<16xf32>
        %add3A_2009 = arith.addf %add3A_1982, %mul3A_2008 : vector<16xf32>
        %slice3A_2010 = vector.extract_strided_slice %div3A_1513 {offsets = [2], sizes = [1], strides = [1]} : vector<16xf32> to vector<1xf32>
        %squeeze3A_2011 = vector.extract %slice3A_2010[0] : f32 from vector<1xf32>
        %broadcast_in_dim3A_2012 = vector.broadcast %squeeze3A_2011 : f32 to vector<16xf32>
        %get3A_2013 = arith.constant 68 : i32
        %get3A_2014 = arith.index_cast %get3A_2013 : i32 to index
        %get3A_2015 = arith.constant 0 : index
        %get3A_2016 = tpu.vector_load %arg10[%get3A_2014, %get3A_2015] {strides = array<i32>} : memref<100x64xf32, #tpu.memory_space<vmem>>, vector<16xf32>,
        %mul3A_2017 = arith.mulf %broadcast_in_dim3A_2012, %get3A_2016 : vector<16xf32>
        %add3A_2018 = arith.addf %add3A_1991, %mul3A_2017 : vector<16xf32>
        %get3A_2019 = arith.constant 68 : i32
        %get3A_2020 = arith.index_cast %get3A_2019 : i32 to index
        %get3A_2021 = arith.constant 16 : index
        %get3A_2022 = tpu.vector_load %arg10[%get3A_2020, %get3A_2021] {strides = array<i32>} : memref<100x64xf32, #tpu.memory_space<vmem>>, vector<16xf32>,
        %mul3A_2023 = arith.mulf %broadcast_in_dim3A_2012, %get3A_2022 : vector<16xf32>
        %add3A_2024 = arith.addf %add3A_1997, %mul3A_2023 : vector<16xf32>
        %get3A_2025 = arith.constant 68 : i32
        %get3A_2026 = arith.index_cast %get3A_2025 : i32 to index
        %get3A_2027 = arith.constant 32 : index
        %get3A_2028 = tpu.vector_load %arg10[%get3A_2026, %get3A_2027] {strides = array<i32>} : memref<100x64xf32, #tpu.memory_space<vmem>>, vector<16xf32>,
        %mul3A_2029 = arith.mulf %broadcast_in_dim3A_2012, %get3A_2028 : vector<16xf32>
        %add3A_2030 = arith.addf %add3A_2003, %mul3A_2029 : vector<16xf32>
        %get3A_2031 = arith.constant 68 : i32
        %get3A_2032 = arith.index_cast %get3A_2031 : i32 to index
        %get3A_2033 = arith.constant 48 : index
        %get3A_2034 = tpu.vector_load %arg10[%get3A_2032, %get3A_2033] {strides = array<i32>} : memref<100x64xf32, #tpu.memory_space<vmem>>, vector<16xf32>,
        %mul3A_2035 = arith.mulf %broadcast_in_dim3A_2012, %get3A_2034 : vector<16xf32>
        %add3A_2036 = arith.addf %add3A_2009, %mul3A_2035 : vector<16xf32>
        %slice3A_2037 = vector.extract_strided_slice %div3A_1513 {offsets = [3], sizes = [1], strides = [1]} : vector<16xf32> to vector<1xf32>
        %squeeze3A_2038 = vector.extract %slice3A_2037[0] : f32 from vector<1xf32>
        %broadcast_in_dim3A_2039 = vector.broadcast %squeeze3A_2038 : f32 to vector<16xf32>
        %get3A_2040 = arith.constant 69 : i32
        %get3A_2041 = arith.index_cast %get3A_2040 : i32 to index
        %get3A_2042 = arith.constant 0 : index
        %get3A_2043 = tpu.vector_load %arg10[%get3A_2041, %get3A_2042] {strides = array<i32>} : memref<100x64xf32, #tpu.memory_space<vmem>>, vector<16xf32>,
        %mul3A_2044 = arith.mulf %broadcast_in_dim3A_2039, %get3A_2043 : vector<16xf32>
        %add3A_2045 = arith.addf %add3A_2018, %mul3A_2044 : vector<16xf32>
        %get3A_2046 = arith.constant 69 : i32
        %get3A_2047 = arith.index_cast %get3A_2046 : i32 to index
        %get3A_2048 = arith.constant 16 : index
        %get3A_2049 = tpu.vector_load %arg10[%get3A_2047, %get3A_2048] {strides = array<i32>} : memref<100x64xf32, #tpu.memory_space<vmem>>, vector<16xf32>,
        %mul3A_2050 = arith.mulf %broadcast_in_dim3A_2039, %get3A_2049 : vector<16xf32>
        %add3A_2051 = arith.addf %add3A_2024, %mul3A_2050 : vector<16xf32>
        %get3A_2052 = arith.constant 69 : i32
        %get3A_2053 = arith.index_cast %get3A_2052 : i32 to index
        %get3A_2054 = arith.constant 32 : index
        %get3A_2055 = tpu.vector_load %arg10[%get3A_2053, %get3A_2054] {strides = array<i32>} : memref<100x64xf32, #tpu.memory_space<vmem>>, vector<16xf32>,
        %mul3A_2056 = arith.mulf %broadcast_in_dim3A_2039, %get3A_2055 : vector<16xf32>
        %add3A_2057 = arith.addf %add3A_2030, %mul3A_2056 : vector<16xf32>
        %get3A_2058 = arith.constant 69 : i32
        %get3A_2059 = arith.index_cast %get3A_2058 : i32 to index
        %get3A_2060 = arith.constant 48 : index
        %get3A_2061 = tpu.vector_load %arg10[%get3A_2059, %get3A_2060] {strides = array<i32>} : memref<100x64xf32, #tpu.memory_space<vmem>>, vector<16xf32>,
        %mul3A_2062 = arith.mulf %broadcast_in_dim3A_2039, %get3A_2061 : vector<16xf32>
        %add3A_2063 = arith.addf %add3A_2036, %mul3A_2062 : vector<16xf32>
        %slice3A_2064 = vector.extract_strided_slice %div3A_1513 {offsets = [4], sizes = [1], strides = [1]} : vector<16xf32> to vector<1xf32>
        %squeeze3A_2065 = vector.extract %slice3A_2064[0] : f32 from vector<1xf32>
        %broadcast_in_dim3A_2066 = vector.broadcast %squeeze3A_2065 : f32 to vector<16xf32>
        %get3A_2067 = arith.constant 70 : i32
        %get3A_2068 = arith.index_cast %get3A_2067 : i32 to index
        %get3A_2069 = arith.constant 0 : index
        %get3A_2070 = tpu.vector_load %arg10[%get3A_2068, %get3A_2069] {strides = array<i32>} : memref<100x64xf32, #tpu.memory_space<vmem>>, vector<16xf32>,
        %mul3A_2071 = arith.mulf %broadcast_in_dim3A_2066, %get3A_2070 : vector<16xf32>
        %add3A_2072 = arith.addf %add3A_2045, %mul3A_2071 : vector<16xf32>
        %get3A_2073 = arith.constant 70 : i32
        %get3A_2074 = arith.index_cast %get3A_2073 : i32 to index
        %get3A_2075 = arith.constant 16 : index
        %get3A_2076 = tpu.vector_load %arg10[%get3A_2074, %get3A_2075] {strides = array<i32>} : memref<100x64xf32, #tpu.memory_space<vmem>>, vector<16xf32>,
        %mul3A_2077 = arith.mulf %broadcast_in_dim3A_2066, %get3A_2076 : vector<16xf32>
        %add3A_2078 = arith.addf %add3A_2051, %mul3A_2077 : vector<16xf32>
        %get3A_2079 = arith.constant 70 : i32
        %get3A_2080 = arith.index_cast %get3A_2079 : i32 to index
        %get3A_2081 = arith.constant 32 : index
        %get3A_2082 = tpu.vector_load %arg10[%get3A_2080, %get3A_2081] {strides = array<i32>} : memref<100x64xf32, #tpu.memory_space<vmem>>, vector<16xf32>,
        %mul3A_2083 = arith.mulf %broadcast_in_dim3A_2066, %get3A_2082 : vector<16xf32>
        %add3A_2084 = arith.addf %add3A_2057, %mul3A_2083 : vector<16xf32>
        %get3A_2085 = arith.constant 70 : i32
        %get3A_2086 = arith.index_cast %get3A_2085 : i32 to index
        %get3A_2087 = arith.constant 48 : index
        %get3A_2088 = tpu.vector_load %arg10[%get3A_2086, %get3A_2087] {strides = array<i32>} : memref<100x64xf32, #tpu.memory_space<vmem>>, vector<16xf32>,
        %mul3A_2089 = arith.mulf %broadcast_in_dim3A_2066, %get3A_2088 : vector<16xf32>
        %add3A_2090 = arith.addf %add3A_2063, %mul3A_2089 : vector<16xf32>
        %slice3A_2091 = vector.extract_strided_slice %div3A_1513 {offsets = [5], sizes = [1], strides = [1]} : vector<16xf32> to vector<1xf32>
        %squeeze3A_2092 = vector.extract %slice3A_2091[0] : f32 from vector<1xf32>
        %broadcast_in_dim3A_2093 = vector.broadcast %squeeze3A_2092 : f32 to vector<16xf32>
        %get3A_2094 = arith.constant 71 : i32
        %get3A_2095 = arith.index_cast %get3A_2094 : i32 to index
        %get3A_2096 = arith.constant 0 : index
        %get3A_2097 = tpu.vector_load %arg10[%get3A_2095, %get3A_2096] {strides = array<i32>} : memref<100x64xf32, #tpu.memory_space<vmem>>, vector<16xf32>,
        %mul3A_2098 = arith.mulf %broadcast_in_dim3A_2093, %get3A_2097 : vector<16xf32>
        %add3A_2099 = arith.addf %add3A_2072, %mul3A_2098 : vector<16xf32>
        %get3A_2100 = arith.constant 71 : i32
        %get3A_2101 = arith.index_cast %get3A_2100 : i32 to index
        %get3A_2102 = arith.constant 16 : index
        %get3A_2103 = tpu.vector_load %arg10[%get3A_2101, %get3A_2102] {strides = array<i32>} : memref<100x64xf32, #tpu.memory_space<vmem>>, vector<16xf32>,
        %mul3A_2104 = arith.mulf %broadcast_in_dim3A_2093, %get3A_2103 : vector<16xf32>
        %add3A_2105 = arith.addf %add3A_2078, %mul3A_2104 : vector<16xf32>
        %get3A_2106 = arith.constant 71 : i32
        %get3A_2107 = arith.index_cast %get3A_2106 : i32 to index
        %get3A_2108 = arith.constant 32 : index
        %get3A_2109 = tpu.vector_load %arg10[%get3A_2107, %get3A_2108] {strides = array<i32>} : memref<100x64xf32, #tpu.memory_space<vmem>>, vector<16xf32>,
        %mul3A_2110 = arith.mulf %broadcast_in_dim3A_2093, %get3A_2109 : vector<16xf32>
        %add3A_2111 = arith.addf %add3A_2084, %mul3A_2110 : vector<16xf32>
        %get3A_2112 = arith.constant 71 : i32
        %get3A_2113 = arith.index_cast %get3A_2112 : i32 to index
        %get3A_2114 = arith.constant 48 : index
        %get3A_2115 = tpu.vector_load %arg10[%get3A_2113, %get3A_2114] {strides = array<i32>} : memref<100x64xf32, #tpu.memory_space<vmem>>, vector<16xf32>,
        %mul3A_2116 = arith.mulf %broadcast_in_dim3A_2093, %get3A_2115 : vector<16xf32>
        %add3A_2117 = arith.addf %add3A_2090, %mul3A_2116 : vector<16xf32>
        %slice3A_2118 = vector.extract_strided_slice %div3A_1513 {offsets = [6], sizes = [1], strides = [1]} : vector<16xf32> to vector<1xf32>
        %squeeze3A_2119 = vector.extract %slice3A_2118[0] : f32 from vector<1xf32>
        %broadcast_in_dim3A_2120 = vector.broadcast %squeeze3A_2119 : f32 to vector<16xf32>
        %get3A_2121 = arith.constant 72 : i32
        %get3A_2122 = arith.index_cast %get3A_2121 : i32 to index
        %get3A_2123 = arith.constant 0 : index
        %get3A_2124 = tpu.vector_load %arg10[%get3A_2122, %get3A_2123] {strides = array<i32>} : memref<100x64xf32, #tpu.memory_space<vmem>>, vector<16xf32>,
        %mul3A_2125 = arith.mulf %broadcast_in_dim3A_2120, %get3A_2124 : vector<16xf32>
        %add3A_2126 = arith.addf %add3A_2099, %mul3A_2125 : vector<16xf32>
        %get3A_2127 = arith.constant 72 : i32
        %get3A_2128 = arith.index_cast %get3A_2127 : i32 to index
        %get3A_2129 = arith.constant 16 : index
        %get3A_2130 = tpu.vector_load %arg10[%get3A_2128, %get3A_2129] {strides = array<i32>} : memref<100x64xf32, #tpu.memory_space<vmem>>, vector<16xf32>,
        %mul3A_2131 = arith.mulf %broadcast_in_dim3A_2120, %get3A_2130 : vector<16xf32>
        %add3A_2132 = arith.addf %add3A_2105, %mul3A_2131 : vector<16xf32>
        %get3A_2133 = arith.constant 72 : i32
        %get3A_2134 = arith.index_cast %get3A_2133 : i32 to index
        %get3A_2135 = arith.constant 32 : index
        %get3A_2136 = tpu.vector_load %arg10[%get3A_2134, %get3A_2135] {strides = array<i32>} : memref<100x64xf32, #tpu.memory_space<vmem>>, vector<16xf32>,
        %mul3A_2137 = arith.mulf %broadcast_in_dim3A_2120, %get3A_2136 : vector<16xf32>
        %add3A_2138 = arith.addf %add3A_2111, %mul3A_2137 : vector<16xf32>
        %get3A_2139 = arith.constant 72 : i32
        %get3A_2140 = arith.index_cast %get3A_2139 : i32 to index
        %get3A_2141 = arith.constant 48 : index
        %get3A_2142 = tpu.vector_load %arg10[%get3A_2140, %get3A_2141] {strides = array<i32>} : memref<100x64xf32, #tpu.memory_space<vmem>>, vector<16xf32>,
        %mul3A_2143 = arith.mulf %broadcast_in_dim3A_2120, %get3A_2142 : vector<16xf32>
        %add3A_2144 = arith.addf %add3A_2117, %mul3A_2143 : vector<16xf32>
        %slice3A_2145 = vector.extract_strided_slice %div3A_1513 {offsets = [7], sizes = [1], strides = [1]} : vector<16xf32> to vector<1xf32>
        %squeeze3A_2146 = vector.extract %slice3A_2145[0] : f32 from vector<1xf32>
        %broadcast_in_dim3A_2147 = vector.broadcast %squeeze3A_2146 : f32 to vector<16xf32>
        %get3A_2148 = arith.constant 73 : i32
        %get3A_2149 = arith.index_cast %get3A_2148 : i32 to index
        %get3A_2150 = arith.constant 0 : index
        %get3A_2151 = tpu.vector_load %arg10[%get3A_2149, %get3A_2150] {strides = array<i32>} : memref<100x64xf32, #tpu.memory_space<vmem>>, vector<16xf32>,
        %mul3A_2152 = arith.mulf %broadcast_in_dim3A_2147, %get3A_2151 : vector<16xf32>
        %add3A_2153 = arith.addf %add3A_2126, %mul3A_2152 : vector<16xf32>
        %get3A_2154 = arith.constant 73 : i32
        %get3A_2155 = arith.index_cast %get3A_2154 : i32 to index
        %get3A_2156 = arith.constant 16 : index
        %get3A_2157 = tpu.vector_load %arg10[%get3A_2155, %get3A_2156] {strides = array<i32>} : memref<100x64xf32, #tpu.memory_space<vmem>>, vector<16xf32>,
        %mul3A_2158 = arith.mulf %broadcast_in_dim3A_2147, %get3A_2157 : vector<16xf32>
        %add3A_2159 = arith.addf %add3A_2132, %mul3A_2158 : vector<16xf32>
        %get3A_2160 = arith.constant 73 : i32
        %get3A_2161 = arith.index_cast %get3A_2160 : i32 to index
        %get3A_2162 = arith.constant 32 : index
        %get3A_2163 = tpu.vector_load %arg10[%get3A_2161, %get3A_2162] {strides = array<i32>} : memref<100x64xf32, #tpu.memory_space<vmem>>, vector<16xf32>,
        %mul3A_2164 = arith.mulf %broadcast_in_dim3A_2147, %get3A_2163 : vector<16xf32>
        %add3A_2165 = arith.addf %add3A_2138, %mul3A_2164 : vector<16xf32>
        %get3A_2166 = arith.constant 73 : i32
        %get3A_2167 = arith.index_cast %get3A_2166 : i32 to index
        %get3A_2168 = arith.constant 48 : index
        %get3A_2169 = tpu.vector_load %arg10[%get3A_2167, %get3A_2168] {strides = array<i32>} : memref<100x64xf32, #tpu.memory_space<vmem>>, vector<16xf32>,
        %mul3A_2170 = arith.mulf %broadcast_in_dim3A_2147, %get3A_2169 : vector<16xf32>
        %add3A_2171 = arith.addf %add3A_2144, %mul3A_2170 : vector<16xf32>
        %slice3A_2172 = vector.extract_strided_slice %div3A_1513 {offsets = [8], sizes = [1], strides = [1]} : vector<16xf32> to vector<1xf32>
        %squeeze3A_2173 = vector.extract %slice3A_2172[0] : f32 from vector<1xf32>
        %broadcast_in_dim3A_2174 = vector.broadcast %squeeze3A_2173 : f32 to vector<16xf32>
        %get3A_2175 = arith.constant 74 : i32
        %get3A_2176 = arith.index_cast %get3A_2175 : i32 to index
        %get3A_2177 = arith.constant 0 : index
        %get3A_2178 = tpu.vector_load %arg10[%get3A_2176, %get3A_2177] {strides = array<i32>} : memref<100x64xf32, #tpu.memory_space<vmem>>, vector<16xf32>,
        %mul3A_2179 = arith.mulf %broadcast_in_dim3A_2174, %get3A_2178 : vector<16xf32>
        %add3A_2180 = arith.addf %add3A_2153, %mul3A_2179 : vector<16xf32>
        %get3A_2181 = arith.constant 74 : i32
        %get3A_2182 = arith.index_cast %get3A_2181 : i32 to index
        %get3A_2183 = arith.constant 16 : index
        %get3A_2184 = tpu.vector_load %arg10[%get3A_2182, %get3A_2183] {strides = array<i32>} : memref<100x64xf32, #tpu.memory_space<vmem>>, vector<16xf32>,
        %mul3A_2185 = arith.mulf %broadcast_in_dim3A_2174, %get3A_2184 : vector<16xf32>
        %add3A_2186 = arith.addf %add3A_2159, %mul3A_2185 : vector<16xf32>
        %get3A_2187 = arith.constant 74 : i32
        %get3A_2188 = arith.index_cast %get3A_2187 : i32 to index
        %get3A_2189 = arith.constant 32 : index
        %get3A_2190 = tpu.vector_load %arg10[%get3A_2188, %get3A_2189] {strides = array<i32>} : memref<100x64xf32, #tpu.memory_space<vmem>>, vector<16xf32>,
        %mul3A_2191 = arith.mulf %broadcast_in_dim3A_2174, %get3A_2190 : vector<16xf32>
        %add3A_2192 = arith.addf %add3A_2165, %mul3A_2191 : vector<16xf32>
        %get3A_2193 = arith.constant 74 : i32
        %get3A_2194 = arith.index_cast %get3A_2193 : i32 to index
        %get3A_2195 = arith.constant 48 : index
        %get3A_2196 = tpu.vector_load %arg10[%get3A_2194, %get3A_2195] {strides = array<i32>} : memref<100x64xf32, #tpu.memory_space<vmem>>, vector<16xf32>,
        %mul3A_2197 = arith.mulf %broadcast_in_dim3A_2174, %get3A_2196 : vector<16xf32>
        %add3A_2198 = arith.addf %add3A_2171, %mul3A_2197 : vector<16xf32>
        %slice3A_2199 = vector.extract_strided_slice %div3A_1513 {offsets = [9], sizes = [1], strides = [1]} : vector<16xf32> to vector<1xf32>
        %squeeze3A_2200 = vector.extract %slice3A_2199[0] : f32 from vector<1xf32>
        %broadcast_in_dim3A_2201 = vector.broadcast %squeeze3A_2200 : f32 to vector<16xf32>
        %get3A_2202 = arith.constant 75 : i32
        %get3A_2203 = arith.index_cast %get3A_2202 : i32 to index
        %get3A_2204 = arith.constant 0 : index
        %get3A_2205 = tpu.vector_load %arg10[%get3A_2203, %get3A_2204] {strides = array<i32>} : memref<100x64xf32, #tpu.memory_space<vmem>>, vector<16xf32>,
        %mul3A_2206 = arith.mulf %broadcast_in_dim3A_2201, %get3A_2205 : vector<16xf32>
        %add3A_2207 = arith.addf %add3A_2180, %mul3A_2206 : vector<16xf32>
        %get3A_2208 = arith.constant 75 : i32
        %get3A_2209 = arith.index_cast %get3A_2208 : i32 to index
        %get3A_2210 = arith.constant 16 : index
        %get3A_2211 = tpu.vector_load %arg10[%get3A_2209, %get3A_2210] {strides = array<i32>} : memref<100x64xf32, #tpu.memory_space<vmem>>, vector<16xf32>,
        %mul3A_2212 = arith.mulf %broadcast_in_dim3A_2201, %get3A_2211 : vector<16xf32>
        %add3A_2213 = arith.addf %add3A_2186, %mul3A_2212 : vector<16xf32>
        %get3A_2214 = arith.constant 75 : i32
        %get3A_2215 = arith.index_cast %get3A_2214 : i32 to index
        %get3A_2216 = arith.constant 32 : index
        %get3A_2217 = tpu.vector_load %arg10[%get3A_2215, %get3A_2216] {strides = array<i32>} : memref<100x64xf32, #tpu.memory_space<vmem>>, vector<16xf32>,
        %mul3A_2218 = arith.mulf %broadcast_in_dim3A_2201, %get3A_2217 : vector<16xf32>
        %add3A_2219 = arith.addf %add3A_2192, %mul3A_2218 : vector<16xf32>
        %get3A_2220 = arith.constant 75 : i32
        %get3A_2221 = arith.index_cast %get3A_2220 : i32 to index
        %get3A_2222 = arith.constant 48 : index
        %get3A_2223 = tpu.vector_load %arg10[%get3A_2221, %get3A_2222] {strides = array<i32>} : memref<100x64xf32, #tpu.memory_space<vmem>>, vector<16xf32>,
        %mul3A_2224 = arith.mulf %broadcast_in_dim3A_2201, %get3A_2223 : vector<16xf32>
        %add3A_2225 = arith.addf %add3A_2198, %mul3A_2224 : vector<16xf32>
        %slice3A_2226 = vector.extract_strided_slice %div3A_1513 {offsets = [10], sizes = [1], strides = [1]} : vector<16xf32> to vector<1xf32>
        %squeeze3A_2227 = vector.extract %slice3A_2226[0] : f32 from vector<1xf32>
        %broadcast_in_dim3A_2228 = vector.broadcast %squeeze3A_2227 : f32 to vector<16xf32>
        %get3A_2229 = arith.constant 76 : i32
        %get3A_2230 = arith.index_cast %get3A_2229 : i32 to index
        %get3A_2231 = arith.constant 0 : index
        %get3A_2232 = tpu.vector_load %arg10[%get3A_2230, %get3A_2231] {strides = array<i32>} : memref<100x64xf32, #tpu.memory_space<vmem>>, vector<16xf32>,
        %mul3A_2233 = arith.mulf %broadcast_in_dim3A_2228, %get3A_2232 : vector<16xf32>
        %add3A_2234 = arith.addf %add3A_2207, %mul3A_2233 : vector<16xf32>
        %get3A_2235 = arith.constant 76 : i32
        %get3A_2236 = arith.index_cast %get3A_2235 : i32 to index
        %get3A_2237 = arith.constant 16 : index
        %get3A_2238 = tpu.vector_load %arg10[%get3A_2236, %get3A_2237] {strides = array<i32>} : memref<100x64xf32, #tpu.memory_space<vmem>>, vector<16xf32>,
        %mul3A_2239 = arith.mulf %broadcast_in_dim3A_2228, %get3A_2238 : vector<16xf32>
        %add3A_2240 = arith.addf %add3A_2213, %mul3A_2239 : vector<16xf32>
        %get3A_2241 = arith.constant 76 : i32
        %get3A_2242 = arith.index_cast %get3A_2241 : i32 to index
        %get3A_2243 = arith.constant 32 : index
        %get3A_2244 = tpu.vector_load %arg10[%get3A_2242, %get3A_2243] {strides = array<i32>} : memref<100x64xf32, #tpu.memory_space<vmem>>, vector<16xf32>,
        %mul3A_2245 = arith.mulf %broadcast_in_dim3A_2228, %get3A_2244 : vector<16xf32>
        %add3A_2246 = arith.addf %add3A_2219, %mul3A_2245 : vector<16xf32>
        %get3A_2247 = arith.constant 76 : i32
        %get3A_2248 = arith.index_cast %get3A_2247 : i32 to index
        %get3A_2249 = arith.constant 48 : index
        %get3A_2250 = tpu.vector_load %arg10[%get3A_2248, %get3A_2249] {strides = array<i32>} : memref<100x64xf32, #tpu.memory_space<vmem>>, vector<16xf32>,
        %mul3A_2251 = arith.mulf %broadcast_in_dim3A_2228, %get3A_2250 : vector<16xf32>
        %add3A_2252 = arith.addf %add3A_2225, %mul3A_2251 : vector<16xf32>
        %slice3A_2253 = vector.extract_strided_slice %div3A_1513 {offsets = [11], sizes = [1], strides = [1]} : vector<16xf32> to vector<1xf32>
        %squeeze3A_2254 = vector.extract %slice3A_2253[0] : f32 from vector<1xf32>
        %broadcast_in_dim3A_2255 = vector.broadcast %squeeze3A_2254 : f32 to vector<16xf32>
        %get3A_2256 = arith.constant 77 : i32
        %get3A_2257 = arith.index_cast %get3A_2256 : i32 to index
        %get3A_2258 = arith.constant 0 : index
        %get3A_2259 = tpu.vector_load %arg10[%get3A_2257, %get3A_2258] {strides = array<i32>} : memref<100x64xf32, #tpu.memory_space<vmem>>, vector<16xf32>,
        %mul3A_2260 = arith.mulf %broadcast_in_dim3A_2255, %get3A_2259 : vector<16xf32>
        %add3A_2261 = arith.addf %add3A_2234, %mul3A_2260 : vector<16xf32>
        %get3A_2262 = arith.constant 77 : i32
        %get3A_2263 = arith.index_cast %get3A_2262 : i32 to index
        %get3A_2264 = arith.constant 16 : index
        %get3A_2265 = tpu.vector_load %arg10[%get3A_2263, %get3A_2264] {strides = array<i32>} : memref<100x64xf32, #tpu.memory_space<vmem>>, vector<16xf32>,
        %mul3A_2266 = arith.mulf %broadcast_in_dim3A_2255, %get3A_2265 : vector<16xf32>
        %add3A_2267 = arith.addf %add3A_2240, %mul3A_2266 : vector<16xf32>
        %get3A_2268 = arith.constant 77 : i32
        %get3A_2269 = arith.index_cast %get3A_2268 : i32 to index
        %get3A_2270 = arith.constant 32 : index
        %get3A_2271 = tpu.vector_load %arg10[%get3A_2269, %get3A_2270] {strides = array<i32>} : memref<100x64xf32, #tpu.memory_space<vmem>>, vector<16xf32>,
        %mul3A_2272 = arith.mulf %broadcast_in_dim3A_2255, %get3A_2271 : vector<16xf32>
        %add3A_2273 = arith.addf %add3A_2246, %mul3A_2272 : vector<16xf32>
        %get3A_2274 = arith.constant 77 : i32
        %get3A_2275 = arith.index_cast %get3A_2274 : i32 to index
        %get3A_2276 = arith.constant 48 : index
        %get3A_2277 = tpu.vector_load %arg10[%get3A_2275, %get3A_2276] {strides = array<i32>} : memref<100x64xf32, #tpu.memory_space<vmem>>, vector<16xf32>,
        %mul3A_2278 = arith.mulf %broadcast_in_dim3A_2255, %get3A_2277 : vector<16xf32>
        %add3A_2279 = arith.addf %add3A_2252, %mul3A_2278 : vector<16xf32>
        %slice3A_2280 = vector.extract_strided_slice %div3A_1513 {offsets = [12], sizes = [1], strides = [1]} : vector<16xf32> to vector<1xf32>
        %squeeze3A_2281 = vector.extract %slice3A_2280[0] : f32 from vector<1xf32>
        %broadcast_in_dim3A_2282 = vector.broadcast %squeeze3A_2281 : f32 to vector<16xf32>
        %get3A_2283 = arith.constant 78 : i32
        %get3A_2284 = arith.index_cast %get3A_2283 : i32 to index
        %get3A_2285 = arith.constant 0 : index
        %get3A_2286 = tpu.vector_load %arg10[%get3A_2284, %get3A_2285] {strides = array<i32>} : memref<100x64xf32, #tpu.memory_space<vmem>>, vector<16xf32>,
        %mul3A_2287 = arith.mulf %broadcast_in_dim3A_2282, %get3A_2286 : vector<16xf32>
        %add3A_2288 = arith.addf %add3A_2261, %mul3A_2287 : vector<16xf32>
        %get3A_2289 = arith.constant 78 : i32
        %get3A_2290 = arith.index_cast %get3A_2289 : i32 to index
        %get3A_2291 = arith.constant 16 : index
        %get3A_2292 = tpu.vector_load %arg10[%get3A_2290, %get3A_2291] {strides = array<i32>} : memref<100x64xf32, #tpu.memory_space<vmem>>, vector<16xf32>,
        %mul3A_2293 = arith.mulf %broadcast_in_dim3A_2282, %get3A_2292 : vector<16xf32>
        %add3A_2294 = arith.addf %add3A_2267, %mul3A_2293 : vector<16xf32>
        %get3A_2295 = arith.constant 78 : i32
        %get3A_2296 = arith.index_cast %get3A_2295 : i32 to index
        %get3A_2297 = arith.constant 32 : index
        %get3A_2298 = tpu.vector_load %arg10[%get3A_2296, %get3A_2297] {strides = array<i32>} : memref<100x64xf32, #tpu.memory_space<vmem>>, vector<16xf32>,
        %mul3A_2299 = arith.mulf %broadcast_in_dim3A_2282, %get3A_2298 : vector<16xf32>
        %add3A_2300 = arith.addf %add3A_2273, %mul3A_2299 : vector<16xf32>
        %get3A_2301 = arith.constant 78 : i32
        %get3A_2302 = arith.index_cast %get3A_2301 : i32 to index
        %get3A_2303 = arith.constant 48 : index
        %get3A_2304 = tpu.vector_load %arg10[%get3A_2302, %get3A_2303] {strides = array<i32>} : memref<100x64xf32, #tpu.memory_space<vmem>>, vector<16xf32>,
        %mul3A_2305 = arith.mulf %broadcast_in_dim3A_2282, %get3A_2304 : vector<16xf32>
        %add3A_2306 = arith.addf %add3A_2279, %mul3A_2305 : vector<16xf32>
        %slice3A_2307 = vector.extract_strided_slice %div3A_1513 {offsets = [13], sizes = [1], strides = [1]} : vector<16xf32> to vector<1xf32>
        %squeeze3A_2308 = vector.extract %slice3A_2307[0] : f32 from vector<1xf32>
        %broadcast_in_dim3A_2309 = vector.broadcast %squeeze3A_2308 : f32 to vector<16xf32>
        %get3A_2310 = arith.constant 79 : i32
        %get3A_2311 = arith.index_cast %get3A_2310 : i32 to index
        %get3A_2312 = arith.constant 0 : index
        %get3A_2313 = tpu.vector_load %arg10[%get3A_2311, %get3A_2312] {strides = array<i32>} : memref<100x64xf32, #tpu.memory_space<vmem>>, vector<16xf32>,
        %mul3A_2314 = arith.mulf %broadcast_in_dim3A_2309, %get3A_2313 : vector<16xf32>
        %add3A_2315 = arith.addf %add3A_2288, %mul3A_2314 : vector<16xf32>
        %get3A_2316 = arith.constant 79 : i32
        %get3A_2317 = arith.index_cast %get3A_2316 : i32 to index
        %get3A_2318 = arith.constant 16 : index
        %get3A_2319 = tpu.vector_load %arg10[%get3A_2317, %get3A_2318] {strides = array<i32>} : memref<100x64xf32, #tpu.memory_space<vmem>>, vector<16xf32>,
        %mul3A_2320 = arith.mulf %broadcast_in_dim3A_2309, %get3A_2319 : vector<16xf32>
        %add3A_2321 = arith.addf %add3A_2294, %mul3A_2320 : vector<16xf32>
        %get3A_2322 = arith.constant 79 : i32
        %get3A_2323 = arith.index_cast %get3A_2322 : i32 to index
        %get3A_2324 = arith.constant 32 : index
        %get3A_2325 = tpu.vector_load %arg10[%get3A_2323, %get3A_2324] {strides = array<i32>} : memref<100x64xf32, #tpu.memory_space<vmem>>, vector<16xf32>,
        %mul3A_2326 = arith.mulf %broadcast_in_dim3A_2309, %get3A_2325 : vector<16xf32>
        %add3A_2327 = arith.addf %add3A_2300, %mul3A_2326 : vector<16xf32>
        %get3A_2328 = arith.constant 79 : i32
        %get3A_2329 = arith.index_cast %get3A_2328 : i32 to index
        %get3A_2330 = arith.constant 48 : index
        %get3A_2331 = tpu.vector_load %arg10[%get3A_2329, %get3A_2330] {strides = array<i32>} : memref<100x64xf32, #tpu.memory_space<vmem>>, vector<16xf32>,
        %mul3A_2332 = arith.mulf %broadcast_in_dim3A_2309, %get3A_2331 : vector<16xf32>
        %add3A_2333 = arith.addf %add3A_2306, %mul3A_2332 : vector<16xf32>
        %slice3A_2334 = vector.extract_strided_slice %div3A_1513 {offsets = [14], sizes = [1], strides = [1]} : vector<16xf32> to vector<1xf32>
        %squeeze3A_2335 = vector.extract %slice3A_2334[0] : f32 from vector<1xf32>
        %broadcast_in_dim3A_2336 = vector.broadcast %squeeze3A_2335 : f32 to vector<16xf32>
        %get3A_2337 = arith.constant 80 : i32
        %get3A_2338 = arith.index_cast %get3A_2337 : i32 to index
        %get3A_2339 = arith.constant 0 : index
        %get3A_2340 = tpu.vector_load %arg10[%get3A_2338, %get3A_2339] {strides = array<i32>} : memref<100x64xf32, #tpu.memory_space<vmem>>, vector<16xf32>,
        %mul3A_2341 = arith.mulf %broadcast_in_dim3A_2336, %get3A_2340 : vector<16xf32>
        %add3A_2342 = arith.addf %add3A_2315, %mul3A_2341 : vector<16xf32>
        %get3A_2343 = arith.constant 80 : i32
        %get3A_2344 = arith.index_cast %get3A_2343 : i32 to index
        %get3A_2345 = arith.constant 16 : index
        %get3A_2346 = tpu.vector_load %arg10[%get3A_2344, %get3A_2345] {strides = array<i32>} : memref<100x64xf32, #tpu.memory_space<vmem>>, vector<16xf32>,
        %mul3A_2347 = arith.mulf %broadcast_in_dim3A_2336, %get3A_2346 : vector<16xf32>
        %add3A_2348 = arith.addf %add3A_2321, %mul3A_2347 : vector<16xf32>
        %get3A_2349 = arith.constant 80 : i32
        %get3A_2350 = arith.index_cast %get3A_2349 : i32 to index
        %get3A_2351 = arith.constant 32 : index
        %get3A_2352 = tpu.vector_load %arg10[%get3A_2350, %get3A_2351] {strides = array<i32>} : memref<100x64xf32, #tpu.memory_space<vmem>>, vector<16xf32>,
        %mul3A_2353 = arith.mulf %broadcast_in_dim3A_2336, %get3A_2352 : vector<16xf32>
        %add3A_2354 = arith.addf %add3A_2327, %mul3A_2353 : vector<16xf32>
        %get3A_2355 = arith.constant 80 : i32
        %get3A_2356 = arith.index_cast %get3A_2355 : i32 to index
        %get3A_2357 = arith.constant 48 : index
        %get3A_2358 = tpu.vector_load %arg10[%get3A_2356, %get3A_2357] {strides = array<i32>} : memref<100x64xf32, #tpu.memory_space<vmem>>, vector<16xf32>,
        %mul3A_2359 = arith.mulf %broadcast_in_dim3A_2336, %get3A_2358 : vector<16xf32>
        %add3A_2360 = arith.addf %add3A_2333, %mul3A_2359 : vector<16xf32>
        %slice3A_2361 = vector.extract_strided_slice %div3A_1513 {offsets = [15], sizes = [1], strides = [1]} : vector<16xf32> to vector<1xf32>
        %squeeze3A_2362 = vector.extract %slice3A_2361[0] : f32 from vector<1xf32>
        %broadcast_in_dim3A_2363 = vector.broadcast %squeeze3A_2362 : f32 to vector<16xf32>
        %get3A_2364 = arith.constant 81 : i32
        %get3A_2365 = arith.index_cast %get3A_2364 : i32 to index
        %get3A_2366 = arith.constant 0 : index
        %get3A_2367 = tpu.vector_load %arg10[%get3A_2365, %get3A_2366] {strides = array<i32>} : memref<100x64xf32, #tpu.memory_space<vmem>>, vector<16xf32>,
        %mul3A_2368 = arith.mulf %broadcast_in_dim3A_2363, %get3A_2367 : vector<16xf32>
        %add3A_2369 = arith.addf %add3A_2342, %mul3A_2368 : vector<16xf32>
        %get3A_2370 = arith.constant 81 : i32
        %get3A_2371 = arith.index_cast %get3A_2370 : i32 to index
        %get3A_2372 = arith.constant 16 : index
        %get3A_2373 = tpu.vector_load %arg10[%get3A_2371, %get3A_2372] {strides = array<i32>} : memref<100x64xf32, #tpu.memory_space<vmem>>, vector<16xf32>,
        %mul3A_2374 = arith.mulf %broadcast_in_dim3A_2363, %get3A_2373 : vector<16xf32>
        %add3A_2375 = arith.addf %add3A_2348, %mul3A_2374 : vector<16xf32>
        %get3A_2376 = arith.constant 81 : i32
        %get3A_2377 = arith.index_cast %get3A_2376 : i32 to index
        %get3A_2378 = arith.constant 32 : index
        %get3A_2379 = tpu.vector_load %arg10[%get3A_2377, %get3A_2378] {strides = array<i32>} : memref<100x64xf32, #tpu.memory_space<vmem>>, vector<16xf32>,
        %mul3A_2380 = arith.mulf %broadcast_in_dim3A_2363, %get3A_2379 : vector<16xf32>
        %add3A_2381 = arith.addf %add3A_2354, %mul3A_2380 : vector<16xf32>
        %get3A_2382 = arith.constant 81 : i32
        %get3A_2383 = arith.index_cast %get3A_2382 : i32 to index
        %get3A_2384 = arith.constant 48 : index
        %get3A_2385 = tpu.vector_load %arg10[%get3A_2383, %get3A_2384] {strides = array<i32>} : memref<100x64xf32, #tpu.memory_space<vmem>>, vector<16xf32>,
        %mul3A_2386 = arith.mulf %broadcast_in_dim3A_2363, %get3A_2385 : vector<16xf32>
        %add3A_2387 = arith.addf %add3A_2360, %mul3A_2386 : vector<16xf32>
        %slice3A_2388 = vector.extract_strided_slice %div3A_1514 {offsets = [0], sizes = [1], strides = [1]} : vector<16xf32> to vector<1xf32>
        %squeeze3A_2389 = vector.extract %slice3A_2388[0] : f32 from vector<1xf32>
        %broadcast_in_dim3A_2390 = vector.broadcast %squeeze3A_2389 : f32 to vector<16xf32>
        %get3A_2391 = arith.constant 82 : i32
        %get3A_2392 = arith.index_cast %get3A_2391 : i32 to index
        %get3A_2393 = arith.constant 0 : index
        %get3A_2394 = tpu.vector_load %arg10[%get3A_2392, %get3A_2393] {strides = array<i32>} : memref<100x64xf32, #tpu.memory_space<vmem>>, vector<16xf32>,
        %mul3A_2395 = arith.mulf %broadcast_in_dim3A_2390, %get3A_2394 : vector<16xf32>
        %add3A_2396 = arith.addf %add3A_2369, %mul3A_2395 : vector<16xf32>
        %get3A_2397 = arith.constant 82 : i32
        %get3A_2398 = arith.index_cast %get3A_2397 : i32 to index
        %get3A_2399 = arith.constant 16 : index
        %get3A_2400 = tpu.vector_load %arg10[%get3A_2398, %get3A_2399] {strides = array<i32>} : memref<100x64xf32, #tpu.memory_space<vmem>>, vector<16xf32>,
        %mul3A_2401 = arith.mulf %broadcast_in_dim3A_2390, %get3A_2400 : vector<16xf32>
        %add3A_2402 = arith.addf %add3A_2375, %mul3A_2401 : vector<16xf32>
        %get3A_2403 = arith.constant 82 : i32
        %get3A_2404 = arith.index_cast %get3A_2403 : i32 to index
        %get3A_2405 = arith.constant 32 : index
        %get3A_2406 = tpu.vector_load %arg10[%get3A_2404, %get3A_2405] {strides = array<i32>} : memref<100x64xf32, #tpu.memory_space<vmem>>, vector<16xf32>,
        %mul3A_2407 = arith.mulf %broadcast_in_dim3A_2390, %get3A_2406 : vector<16xf32>
        %add3A_2408 = arith.addf %add3A_2381, %mul3A_2407 : vector<16xf32>
        %get3A_2409 = arith.constant 82 : i32
        %get3A_2410 = arith.index_cast %get3A_2409 : i32 to index
        %get3A_2411 = arith.constant 48 : index
        %get3A_2412 = tpu.vector_load %arg10[%get3A_2410, %get3A_2411] {strides = array<i32>} : memref<100x64xf32, #tpu.memory_space<vmem>>, vector<16xf32>,
        %mul3A_2413 = arith.mulf %broadcast_in_dim3A_2390, %get3A_2412 : vector<16xf32>
        %add3A_2414 = arith.addf %add3A_2387, %mul3A_2413 : vector<16xf32>
        %slice3A_2415 = vector.extract_strided_slice %div3A_1514 {offsets = [1], sizes = [1], strides = [1]} : vector<16xf32> to vector<1xf32>
        %squeeze3A_2416 = vector.extract %slice3A_2415[0] : f32 from vector<1xf32>
        %broadcast_in_dim3A_2417 = vector.broadcast %squeeze3A_2416 : f32 to vector<16xf32>
        %get3A_2418 = arith.constant 83 : i32
        %get3A_2419 = arith.index_cast %get3A_2418 : i32 to index
        %get3A_2420 = arith.constant 0 : index
        %get3A_2421 = tpu.vector_load %arg10[%get3A_2419, %get3A_2420] {strides = array<i32>} : memref<100x64xf32, #tpu.memory_space<vmem>>, vector<16xf32>,
        %mul3A_2422 = arith.mulf %broadcast_in_dim3A_2417, %get3A_2421 : vector<16xf32>
        %add3A_2423 = arith.addf %add3A_2396, %mul3A_2422 : vector<16xf32>
        %get3A_2424 = arith.constant 83 : i32
        %get3A_2425 = arith.index_cast %get3A_2424 : i32 to index
        %get3A_2426 = arith.constant 16 : index
        %get3A_2427 = tpu.vector_load %arg10[%get3A_2425, %get3A_2426] {strides = array<i32>} : memref<100x64xf32, #tpu.memory_space<vmem>>, vector<16xf32>,
        %mul3A_2428 = arith.mulf %broadcast_in_dim3A_2417, %get3A_2427 : vector<16xf32>
        %add3A_2429 = arith.addf %add3A_2402, %mul3A_2428 : vector<16xf32>
        %get3A_2430 = arith.constant 83 : i32
        %get3A_2431 = arith.index_cast %get3A_2430 : i32 to index
        %get3A_2432 = arith.constant 32 : index
        %get3A_2433 = tpu.vector_load %arg10[%get3A_2431, %get3A_2432] {strides = array<i32>} : memref<100x64xf32, #tpu.memory_space<vmem>>, vector<16xf32>,
        %mul3A_2434 = arith.mulf %broadcast_in_dim3A_2417, %get3A_2433 : vector<16xf32>
        %add3A_2435 = arith.addf %add3A_2408, %mul3A_2434 : vector<16xf32>
        %get3A_2436 = arith.constant 83 : i32
        %get3A_2437 = arith.index_cast %get3A_2436 : i32 to index
        %get3A_2438 = arith.constant 48 : index
        %get3A_2439 = tpu.vector_load %arg10[%get3A_2437, %get3A_2438] {strides = array<i32>} : memref<100x64xf32, #tpu.memory_space<vmem>>, vector<16xf32>,
        %mul3A_2440 = arith.mulf %broadcast_in_dim3A_2417, %get3A_2439 : vector<16xf32>
        %add3A_2441 = arith.addf %add3A_2414, %mul3A_2440 : vector<16xf32>
        %slice3A_2442 = vector.extract_strided_slice %div3A_1514 {offsets = [2], sizes = [1], strides = [1]} : vector<16xf32> to vector<1xf32>
        %squeeze3A_2443 = vector.extract %slice3A_2442[0] : f32 from vector<1xf32>
        %broadcast_in_dim3A_2444 = vector.broadcast %squeeze3A_2443 : f32 to vector<16xf32>
        %get3A_2445 = arith.constant 84 : i32
        %get3A_2446 = arith.index_cast %get3A_2445 : i32 to index
        %get3A_2447 = arith.constant 0 : index
        %get3A_2448 = tpu.vector_load %arg10[%get3A_2446, %get3A_2447] {strides = array<i32>} : memref<100x64xf32, #tpu.memory_space<vmem>>, vector<16xf32>,
        %mul3A_2449 = arith.mulf %broadcast_in_dim3A_2444, %get3A_2448 : vector<16xf32>
        %add3A_2450 = arith.addf %add3A_2423, %mul3A_2449 : vector<16xf32>
        %get3A_2451 = arith.constant 84 : i32
        %get3A_2452 = arith.index_cast %get3A_2451 : i32 to index
        %get3A_2453 = arith.constant 16 : index
        %get3A_2454 = tpu.vector_load %arg10[%get3A_2452, %get3A_2453] {strides = array<i32>} : memref<100x64xf32, #tpu.memory_space<vmem>>, vector<16xf32>,
        %mul3A_2455 = arith.mulf %broadcast_in_dim3A_2444, %get3A_2454 : vector<16xf32>
        %add3A_2456 = arith.addf %add3A_2429, %mul3A_2455 : vector<16xf32>
        %get3A_2457 = arith.constant 84 : i32
        %get3A_2458 = arith.index_cast %get3A_2457 : i32 to index
        %get3A_2459 = arith.constant 32 : index
        %get3A_2460 = tpu.vector_load %arg10[%get3A_2458, %get3A_2459] {strides = array<i32>} : memref<100x64xf32, #tpu.memory_space<vmem>>, vector<16xf32>,
        %mul3A_2461 = arith.mulf %broadcast_in_dim3A_2444, %get3A_2460 : vector<16xf32>
        %add3A_2462 = arith.addf %add3A_2435, %mul3A_2461 : vector<16xf32>
        %get3A_2463 = arith.constant 84 : i32
        %get3A_2464 = arith.index_cast %get3A_2463 : i32 to index
        %get3A_2465 = arith.constant 48 : index
        %get3A_2466 = tpu.vector_load %arg10[%get3A_2464, %get3A_2465] {strides = array<i32>} : memref<100x64xf32, #tpu.memory_space<vmem>>, vector<16xf32>,
        %mul3A_2467 = arith.mulf %broadcast_in_dim3A_2444, %get3A_2466 : vector<16xf32>
        %add3A_2468 = arith.addf %add3A_2441, %mul3A_2467 : vector<16xf32>
        %slice3A_2469 = vector.extract_strided_slice %div3A_1514 {offsets = [3], sizes = [1], strides = [1]} : vector<16xf32> to vector<1xf32>
        %squeeze3A_2470 = vector.extract %slice3A_2469[0] : f32 from vector<1xf32>
        %broadcast_in_dim3A_2471 = vector.broadcast %squeeze3A_2470 : f32 to vector<16xf32>
        %get3A_2472 = arith.constant 85 : i32
        %get3A_2473 = arith.index_cast %get3A_2472 : i32 to index
        %get3A_2474 = arith.constant 0 : index
        %get3A_2475 = tpu.vector_load %arg10[%get3A_2473, %get3A_2474] {strides = array<i32>} : memref<100x64xf32, #tpu.memory_space<vmem>>, vector<16xf32>,
        %mul3A_2476 = arith.mulf %broadcast_in_dim3A_2471, %get3A_2475 : vector<16xf32>
        %add3A_2477 = arith.addf %add3A_2450, %mul3A_2476 : vector<16xf32>
        %get3A_2478 = arith.constant 85 : i32
        %get3A_2479 = arith.index_cast %get3A_2478 : i32 to index
        %get3A_2480 = arith.constant 16 : index
        %get3A_2481 = tpu.vector_load %arg10[%get3A_2479, %get3A_2480] {strides = array<i32>} : memref<100x64xf32, #tpu.memory_space<vmem>>, vector<16xf32>,
        %mul3A_2482 = arith.mulf %broadcast_in_dim3A_2471, %get3A_2481 : vector<16xf32>
        %add3A_2483 = arith.addf %add3A_2456, %mul3A_2482 : vector<16xf32>
        %get3A_2484 = arith.constant 85 : i32
        %get3A_2485 = arith.index_cast %get3A_2484 : i32 to index
        %get3A_2486 = arith.constant 32 : index
        %get3A_2487 = tpu.vector_load %arg10[%get3A_2485, %get3A_2486] {strides = array<i32>} : memref<100x64xf32, #tpu.memory_space<vmem>>, vector<16xf32>,
        %mul3A_2488 = arith.mulf %broadcast_in_dim3A_2471, %get3A_2487 : vector<16xf32>
        %add3A_2489 = arith.addf %add3A_2462, %mul3A_2488 : vector<16xf32>
        %get3A_2490 = arith.constant 85 : i32
        %get3A_2491 = arith.index_cast %get3A_2490 : i32 to index
        %get3A_2492 = arith.constant 48 : index
        %get3A_2493 = tpu.vector_load %arg10[%get3A_2491, %get3A_2492] {strides = array<i32>} : memref<100x64xf32, #tpu.memory_space<vmem>>, vector<16xf32>,
        %mul3A_2494 = arith.mulf %broadcast_in_dim3A_2471, %get3A_2493 : vector<16xf32>
        %add3A_2495 = arith.addf %add3A_2468, %mul3A_2494 : vector<16xf32>
        %slice3A_2496 = vector.extract_strided_slice %div3A_1514 {offsets = [4], sizes = [1], strides = [1]} : vector<16xf32> to vector<1xf32>
        %squeeze3A_2497 = vector.extract %slice3A_2496[0] : f32 from vector<1xf32>
        %broadcast_in_dim3A_2498 = vector.broadcast %squeeze3A_2497 : f32 to vector<16xf32>
        %get3A_2499 = arith.constant 86 : i32
        %get3A_2500 = arith.index_cast %get3A_2499 : i32 to index
        %get3A_2501 = arith.constant 0 : index
        %get3A_2502 = tpu.vector_load %arg10[%get3A_2500, %get3A_2501] {strides = array<i32>} : memref<100x64xf32, #tpu.memory_space<vmem>>, vector<16xf32>,
        %mul3A_2503 = arith.mulf %broadcast_in_dim3A_2498, %get3A_2502 : vector<16xf32>
        %add3A_2504 = arith.addf %add3A_2477, %mul3A_2503 : vector<16xf32>
        %get3A_2505 = arith.constant 86 : i32
        %get3A_2506 = arith.index_cast %get3A_2505 : i32 to index
        %get3A_2507 = arith.constant 16 : index
        %get3A_2508 = tpu.vector_load %arg10[%get3A_2506, %get3A_2507] {strides = array<i32>} : memref<100x64xf32, #tpu.memory_space<vmem>>, vector<16xf32>,
        %mul3A_2509 = arith.mulf %broadcast_in_dim3A_2498, %get3A_2508 : vector<16xf32>
        %add3A_2510 = arith.addf %add3A_2483, %mul3A_2509 : vector<16xf32>
        %get3A_2511 = arith.constant 86 : i32
        %get3A_2512 = arith.index_cast %get3A_2511 : i32 to index
        %get3A_2513 = arith.constant 32 : index
        %get3A_2514 = tpu.vector_load %arg10[%get3A_2512, %get3A_2513] {strides = array<i32>} : memref<100x64xf32, #tpu.memory_space<vmem>>, vector<16xf32>,
        %mul3A_2515 = arith.mulf %broadcast_in_dim3A_2498, %get3A_2514 : vector<16xf32>
        %add3A_2516 = arith.addf %add3A_2489, %mul3A_2515 : vector<16xf32>
        %get3A_2517 = arith.constant 86 : i32
        %get3A_2518 = arith.index_cast %get3A_2517 : i32 to index
        %get3A_2519 = arith.constant 48 : index
        %get3A_2520 = tpu.vector_load %arg10[%get3A_2518, %get3A_2519] {strides = array<i32>} : memref<100x64xf32, #tpu.memory_space<vmem>>, vector<16xf32>,
        %mul3A_2521 = arith.mulf %broadcast_in_dim3A_2498, %get3A_2520 : vector<16xf32>
        %add3A_2522 = arith.addf %add3A_2495, %mul3A_2521 : vector<16xf32>
        %slice3A_2523 = vector.extract_strided_slice %div3A_1514 {offsets = [5], sizes = [1], strides = [1]} : vector<16xf32> to vector<1xf32>
        %squeeze3A_2524 = vector.extract %slice3A_2523[0] : f32 from vector<1xf32>
        %broadcast_in_dim3A_2525 = vector.broadcast %squeeze3A_2524 : f32 to vector<16xf32>
        %get3A_2526 = arith.constant 87 : i32
        %get3A_2527 = arith.index_cast %get3A_2526 : i32 to index
        %get3A_2528 = arith.constant 0 : index
        %get3A_2529 = tpu.vector_load %arg10[%get3A_2527, %get3A_2528] {strides = array<i32>} : memref<100x64xf32, #tpu.memory_space<vmem>>, vector<16xf32>,
        %mul3A_2530 = arith.mulf %broadcast_in_dim3A_2525, %get3A_2529 : vector<16xf32>
        %add3A_2531 = arith.addf %add3A_2504, %mul3A_2530 : vector<16xf32>
        %get3A_2532 = arith.constant 87 : i32
        %get3A_2533 = arith.index_cast %get3A_2532 : i32 to index
        %get3A_2534 = arith.constant 16 : index
        %get3A_2535 = tpu.vector_load %arg10[%get3A_2533, %get3A_2534] {strides = array<i32>} : memref<100x64xf32, #tpu.memory_space<vmem>>, vector<16xf32>,
        %mul3A_2536 = arith.mulf %broadcast_in_dim3A_2525, %get3A_2535 : vector<16xf32>
        %add3A_2537 = arith.addf %add3A_2510, %mul3A_2536 : vector<16xf32>
        %get3A_2538 = arith.constant 87 : i32
        %get3A_2539 = arith.index_cast %get3A_2538 : i32 to index
        %get3A_2540 = arith.constant 32 : index
        %get3A_2541 = tpu.vector_load %arg10[%get3A_2539, %get3A_2540] {strides = array<i32>} : memref<100x64xf32, #tpu.memory_space<vmem>>, vector<16xf32>,
        %mul3A_2542 = arith.mulf %broadcast_in_dim3A_2525, %get3A_2541 : vector<16xf32>
        %add3A_2543 = arith.addf %add3A_2516, %mul3A_2542 : vector<16xf32>
        %get3A_2544 = arith.constant 87 : i32
        %get3A_2545 = arith.index_cast %get3A_2544 : i32 to index
        %get3A_2546 = arith.constant 48 : index
        %get3A_2547 = tpu.vector_load %arg10[%get3A_2545, %get3A_2546] {strides = array<i32>} : memref<100x64xf32, #tpu.memory_space<vmem>>, vector<16xf32>,
        %mul3A_2548 = arith.mulf %broadcast_in_dim3A_2525, %get3A_2547 : vector<16xf32>
        %add3A_2549 = arith.addf %add3A_2522, %mul3A_2548 : vector<16xf32>
        %slice3A_2550 = vector.extract_strided_slice %div3A_1514 {offsets = [6], sizes = [1], strides = [1]} : vector<16xf32> to vector<1xf32>
        %squeeze3A_2551 = vector.extract %slice3A_2550[0] : f32 from vector<1xf32>
        %broadcast_in_dim3A_2552 = vector.broadcast %squeeze3A_2551 : f32 to vector<16xf32>
        %get3A_2553 = arith.constant 88 : i32
        %get3A_2554 = arith.index_cast %get3A_2553 : i32 to index
        %get3A_2555 = arith.constant 0 : index
        %get3A_2556 = tpu.vector_load %arg10[%get3A_2554, %get3A_2555] {strides = array<i32>} : memref<100x64xf32, #tpu.memory_space<vmem>>, vector<16xf32>,
        %mul3A_2557 = arith.mulf %broadcast_in_dim3A_2552, %get3A_2556 : vector<16xf32>
        %add3A_2558 = arith.addf %add3A_2531, %mul3A_2557 : vector<16xf32>
        %get3A_2559 = arith.constant 88 : i32
        %get3A_2560 = arith.index_cast %get3A_2559 : i32 to index
        %get3A_2561 = arith.constant 16 : index
        %get3A_2562 = tpu.vector_load %arg10[%get3A_2560, %get3A_2561] {strides = array<i32>} : memref<100x64xf32, #tpu.memory_space<vmem>>, vector<16xf32>,
        %mul3A_2563 = arith.mulf %broadcast_in_dim3A_2552, %get3A_2562 : vector<16xf32>
        %add3A_2564 = arith.addf %add3A_2537, %mul3A_2563 : vector<16xf32>
        %get3A_2565 = arith.constant 88 : i32
        %get3A_2566 = arith.index_cast %get3A_2565 : i32 to index
        %get3A_2567 = arith.constant 32 : index
        %get3A_2568 = tpu.vector_load %arg10[%get3A_2566, %get3A_2567] {strides = array<i32>} : memref<100x64xf32, #tpu.memory_space<vmem>>, vector<16xf32>,
        %mul3A_2569 = arith.mulf %broadcast_in_dim3A_2552, %get3A_2568 : vector<16xf32>
        %add3A_2570 = arith.addf %add3A_2543, %mul3A_2569 : vector<16xf32>
        %get3A_2571 = arith.constant 88 : i32
        %get3A_2572 = arith.index_cast %get3A_2571 : i32 to index
        %get3A_2573 = arith.constant 48 : index
        %get3A_2574 = tpu.vector_load %arg10[%get3A_2572, %get3A_2573] {strides = array<i32>} : memref<100x64xf32, #tpu.memory_space<vmem>>, vector<16xf32>,
        %mul3A_2575 = arith.mulf %broadcast_in_dim3A_2552, %get3A_2574 : vector<16xf32>
        %add3A_2576 = arith.addf %add3A_2549, %mul3A_2575 : vector<16xf32>
        %slice3A_2577 = vector.extract_strided_slice %div3A_1514 {offsets = [7], sizes = [1], strides = [1]} : vector<16xf32> to vector<1xf32>
        %squeeze3A_2578 = vector.extract %slice3A_2577[0] : f32 from vector<1xf32>
        %broadcast_in_dim3A_2579 = vector.broadcast %squeeze3A_2578 : f32 to vector<16xf32>
        %get3A_2580 = arith.constant 89 : i32
        %get3A_2581 = arith.index_cast %get3A_2580 : i32 to index
        %get3A_2582 = arith.constant 0 : index
        %get3A_2583 = tpu.vector_load %arg10[%get3A_2581, %get3A_2582] {strides = array<i32>} : memref<100x64xf32, #tpu.memory_space<vmem>>, vector<16xf32>,
        %mul3A_2584 = arith.mulf %broadcast_in_dim3A_2579, %get3A_2583 : vector<16xf32>
        %add3A_2585 = arith.addf %add3A_2558, %mul3A_2584 : vector<16xf32>
        %get3A_2586 = arith.constant 89 : i32
        %get3A_2587 = arith.index_cast %get3A_2586 : i32 to index
        %get3A_2588 = arith.constant 16 : index
        %get3A_2589 = tpu.vector_load %arg10[%get3A_2587, %get3A_2588] {strides = array<i32>} : memref<100x64xf32, #tpu.memory_space<vmem>>, vector<16xf32>,
        %mul3A_2590 = arith.mulf %broadcast_in_dim3A_2579, %get3A_2589 : vector<16xf32>
        %add3A_2591 = arith.addf %add3A_2564, %mul3A_2590 : vector<16xf32>
        %get3A_2592 = arith.constant 89 : i32
        %get3A_2593 = arith.index_cast %get3A_2592 : i32 to index
        %get3A_2594 = arith.constant 32 : index
        %get3A_2595 = tpu.vector_load %arg10[%get3A_2593, %get3A_2594] {strides = array<i32>} : memref<100x64xf32, #tpu.memory_space<vmem>>, vector<16xf32>,
        %mul3A_2596 = arith.mulf %broadcast_in_dim3A_2579, %get3A_2595 : vector<16xf32>
        %add3A_2597 = arith.addf %add3A_2570, %mul3A_2596 : vector<16xf32>
        %get3A_2598 = arith.constant 89 : i32
        %get3A_2599 = arith.index_cast %get3A_2598 : i32 to index
        %get3A_2600 = arith.constant 48 : index
        %get3A_2601 = tpu.vector_load %arg10[%get3A_2599, %get3A_2600] {strides = array<i32>} : memref<100x64xf32, #tpu.memory_space<vmem>>, vector<16xf32>,
        %mul3A_2602 = arith.mulf %broadcast_in_dim3A_2579, %get3A_2601 : vector<16xf32>
        %add3A_2603 = arith.addf %add3A_2576, %mul3A_2602 : vector<16xf32>
        %slice3A_2604 = vector.extract_strided_slice %div3A_1514 {offsets = [8], sizes = [1], strides = [1]} : vector<16xf32> to vector<1xf32>
        %squeeze3A_2605 = vector.extract %slice3A_2604[0] : f32 from vector<1xf32>
        %broadcast_in_dim3A_2606 = vector.broadcast %squeeze3A_2605 : f32 to vector<16xf32>
        %get3A_2607 = arith.constant 90 : i32
        %get3A_2608 = arith.index_cast %get3A_2607 : i32 to index
        %get3A_2609 = arith.constant 0 : index
        %get3A_2610 = tpu.vector_load %arg10[%get3A_2608, %get3A_2609] {strides = array<i32>} : memref<100x64xf32, #tpu.memory_space<vmem>>, vector<16xf32>,
        %mul3A_2611 = arith.mulf %broadcast_in_dim3A_2606, %get3A_2610 : vector<16xf32>
        %add3A_2612 = arith.addf %add3A_2585, %mul3A_2611 : vector<16xf32>
        %get3A_2613 = arith.constant 90 : i32
        %get3A_2614 = arith.index_cast %get3A_2613 : i32 to index
        %get3A_2615 = arith.constant 16 : index
        %get3A_2616 = tpu.vector_load %arg10[%get3A_2614, %get3A_2615] {strides = array<i32>} : memref<100x64xf32, #tpu.memory_space<vmem>>, vector<16xf32>,
        %mul3A_2617 = arith.mulf %broadcast_in_dim3A_2606, %get3A_2616 : vector<16xf32>
        %add3A_2618 = arith.addf %add3A_2591, %mul3A_2617 : vector<16xf32>
        %get3A_2619 = arith.constant 90 : i32
        %get3A_2620 = arith.index_cast %get3A_2619 : i32 to index
        %get3A_2621 = arith.constant 32 : index
        %get3A_2622 = tpu.vector_load %arg10[%get3A_2620, %get3A_2621] {strides = array<i32>} : memref<100x64xf32, #tpu.memory_space<vmem>>, vector<16xf32>,
        %mul3A_2623 = arith.mulf %broadcast_in_dim3A_2606, %get3A_2622 : vector<16xf32>
        %add3A_2624 = arith.addf %add3A_2597, %mul3A_2623 : vector<16xf32>
        %get3A_2625 = arith.constant 90 : i32
        %get3A_2626 = arith.index_cast %get3A_2625 : i32 to index
        %get3A_2627 = arith.constant 48 : index
        %get3A_2628 = tpu.vector_load %arg10[%get3A_2626, %get3A_2627] {strides = array<i32>} : memref<100x64xf32, #tpu.memory_space<vmem>>, vector<16xf32>,
        %mul3A_2629 = arith.mulf %broadcast_in_dim3A_2606, %get3A_2628 : vector<16xf32>
        %add3A_2630 = arith.addf %add3A_2603, %mul3A_2629 : vector<16xf32>
        %slice3A_2631 = vector.extract_strided_slice %div3A_1514 {offsets = [9], sizes = [1], strides = [1]} : vector<16xf32> to vector<1xf32>
        %squeeze3A_2632 = vector.extract %slice3A_2631[0] : f32 from vector<1xf32>
        %broadcast_in_dim3A_2633 = vector.broadcast %squeeze3A_2632 : f32 to vector<16xf32>
        %get3A_2634 = arith.constant 91 : i32
        %get3A_2635 = arith.index_cast %get3A_2634 : i32 to index
        %get3A_2636 = arith.constant 0 : index
        %get3A_2637 = tpu.vector_load %arg10[%get3A_2635, %get3A_2636] {strides = array<i32>} : memref<100x64xf32, #tpu.memory_space<vmem>>, vector<16xf32>,
        %mul3A_2638 = arith.mulf %broadcast_in_dim3A_2633, %get3A_2637 : vector<16xf32>
        %add3A_2639 = arith.addf %add3A_2612, %mul3A_2638 : vector<16xf32>
        %get3A_2640 = arith.constant 91 : i32
        %get3A_2641 = arith.index_cast %get3A_2640 : i32 to index
        %get3A_2642 = arith.constant 16 : index
        %get3A_2643 = tpu.vector_load %arg10[%get3A_2641, %get3A_2642] {strides = array<i32>} : memref<100x64xf32, #tpu.memory_space<vmem>>, vector<16xf32>,
        %mul3A_2644 = arith.mulf %broadcast_in_dim3A_2633, %get3A_2643 : vector<16xf32>
        %add3A_2645 = arith.addf %add3A_2618, %mul3A_2644 : vector<16xf32>
        %get3A_2646 = arith.constant 91 : i32
        %get3A_2647 = arith.index_cast %get3A_2646 : i32 to index
        %get3A_2648 = arith.constant 32 : index
        %get3A_2649 = tpu.vector_load %arg10[%get3A_2647, %get3A_2648] {strides = array<i32>} : memref<100x64xf32, #tpu.memory_space<vmem>>, vector<16xf32>,
        %mul3A_2650 = arith.mulf %broadcast_in_dim3A_2633, %get3A_2649 : vector<16xf32>
        %add3A_2651 = arith.addf %add3A_2624, %mul3A_2650 : vector<16xf32>
        %get3A_2652 = arith.constant 91 : i32
        %get3A_2653 = arith.index_cast %get3A_2652 : i32 to index
        %get3A_2654 = arith.constant 48 : index
        %get3A_2655 = tpu.vector_load %arg10[%get3A_2653, %get3A_2654] {strides = array<i32>} : memref<100x64xf32, #tpu.memory_space<vmem>>, vector<16xf32>,
        %mul3A_2656 = arith.mulf %broadcast_in_dim3A_2633, %get3A_2655 : vector<16xf32>
        %add3A_2657 = arith.addf %add3A_2630, %mul3A_2656 : vector<16xf32>
        %slice3A_2658 = vector.extract_strided_slice %div3A_1514 {offsets = [10], sizes = [1], strides = [1]} : vector<16xf32> to vector<1xf32>
        %squeeze3A_2659 = vector.extract %slice3A_2658[0] : f32 from vector<1xf32>
        %broadcast_in_dim3A_2660 = vector.broadcast %squeeze3A_2659 : f32 to vector<16xf32>
        %get3A_2661 = arith.constant 92 : i32
        %get3A_2662 = arith.index_cast %get3A_2661 : i32 to index
        %get3A_2663 = arith.constant 0 : index
        %get3A_2664 = tpu.vector_load %arg10[%get3A_2662, %get3A_2663] {strides = array<i32>} : memref<100x64xf32, #tpu.memory_space<vmem>>, vector<16xf32>,
        %mul3A_2665 = arith.mulf %broadcast_in_dim3A_2660, %get3A_2664 : vector<16xf32>
        %add3A_2666 = arith.addf %add3A_2639, %mul3A_2665 : vector<16xf32>
        %get3A_2667 = arith.constant 92 : i32
        %get3A_2668 = arith.index_cast %get3A_2667 : i32 to index
        %get3A_2669 = arith.constant 16 : index
        %get3A_2670 = tpu.vector_load %arg10[%get3A_2668, %get3A_2669] {strides = array<i32>} : memref<100x64xf32, #tpu.memory_space<vmem>>, vector<16xf32>,
        %mul3A_2671 = arith.mulf %broadcast_in_dim3A_2660, %get3A_2670 : vector<16xf32>
        %add3A_2672 = arith.addf %add3A_2645, %mul3A_2671 : vector<16xf32>
        %get3A_2673 = arith.constant 92 : i32
        %get3A_2674 = arith.index_cast %get3A_2673 : i32 to index
        %get3A_2675 = arith.constant 32 : index
        %get3A_2676 = tpu.vector_load %arg10[%get3A_2674, %get3A_2675] {strides = array<i32>} : memref<100x64xf32, #tpu.memory_space<vmem>>, vector<16xf32>,
        %mul3A_2677 = arith.mulf %broadcast_in_dim3A_2660, %get3A_2676 : vector<16xf32>
        %add3A_2678 = arith.addf %add3A_2651, %mul3A_2677 : vector<16xf32>
        %get3A_2679 = arith.constant 92 : i32
        %get3A_2680 = arith.index_cast %get3A_2679 : i32 to index
        %get3A_2681 = arith.constant 48 : index
        %get3A_2682 = tpu.vector_load %arg10[%get3A_2680, %get3A_2681] {strides = array<i32>} : memref<100x64xf32, #tpu.memory_space<vmem>>, vector<16xf32>,
        %mul3A_2683 = arith.mulf %broadcast_in_dim3A_2660, %get3A_2682 : vector<16xf32>
        %add3A_2684 = arith.addf %add3A_2657, %mul3A_2683 : vector<16xf32>
        %slice3A_2685 = vector.extract_strided_slice %div3A_1514 {offsets = [11], sizes = [1], strides = [1]} : vector<16xf32> to vector<1xf32>
        %squeeze3A_2686 = vector.extract %slice3A_2685[0] : f32 from vector<1xf32>
        %broadcast_in_dim3A_2687 = vector.broadcast %squeeze3A_2686 : f32 to vector<16xf32>
        %get3A_2688 = arith.constant 93 : i32
        %get3A_2689 = arith.index_cast %get3A_2688 : i32 to index
        %get3A_2690 = arith.constant 0 : index
        %get3A_2691 = tpu.vector_load %arg10[%get3A_2689, %get3A_2690] {strides = array<i32>} : memref<100x64xf32, #tpu.memory_space<vmem>>, vector<16xf32>,
        %mul3A_2692 = arith.mulf %broadcast_in_dim3A_2687, %get3A_2691 : vector<16xf32>
        %add3A_2693 = arith.addf %add3A_2666, %mul3A_2692 : vector<16xf32>
        %get3A_2694 = arith.constant 93 : i32
        %get3A_2695 = arith.index_cast %get3A_2694 : i32 to index
        %get3A_2696 = arith.constant 16 : index
        %get3A_2697 = tpu.vector_load %arg10[%get3A_2695, %get3A_2696] {strides = array<i32>} : memref<100x64xf32, #tpu.memory_space<vmem>>, vector<16xf32>,
        %mul3A_2698 = arith.mulf %broadcast_in_dim3A_2687, %get3A_2697 : vector<16xf32>
        %add3A_2699 = arith.addf %add3A_2672, %mul3A_2698 : vector<16xf32>
        %get3A_2700 = arith.constant 93 : i32
        %get3A_2701 = arith.index_cast %get3A_2700 : i32 to index
        %get3A_2702 = arith.constant 32 : index
        %get3A_2703 = tpu.vector_load %arg10[%get3A_2701, %get3A_2702] {strides = array<i32>} : memref<100x64xf32, #tpu.memory_space<vmem>>, vector<16xf32>,
        %mul3A_2704 = arith.mulf %broadcast_in_dim3A_2687, %get3A_2703 : vector<16xf32>
        %add3A_2705 = arith.addf %add3A_2678, %mul3A_2704 : vector<16xf32>
        %get3A_2706 = arith.constant 93 : i32
        %get3A_2707 = arith.index_cast %get3A_2706 : i32 to index
        %get3A_2708 = arith.constant 48 : index
        %get3A_2709 = tpu.vector_load %arg10[%get3A_2707, %get3A_2708] {strides = array<i32>} : memref<100x64xf32, #tpu.memory_space<vmem>>, vector<16xf32>,
        %mul3A_2710 = arith.mulf %broadcast_in_dim3A_2687, %get3A_2709 : vector<16xf32>
        %add3A_2711 = arith.addf %add3A_2684, %mul3A_2710 : vector<16xf32>
        %slice3A_2712 = vector.extract_strided_slice %div3A_1514 {offsets = [12], sizes = [1], strides = [1]} : vector<16xf32> to vector<1xf32>
        %squeeze3A_2713 = vector.extract %slice3A_2712[0] : f32 from vector<1xf32>
        %broadcast_in_dim3A_2714 = vector.broadcast %squeeze3A_2713 : f32 to vector<16xf32>
        %get3A_2715 = arith.constant 94 : i32
        %get3A_2716 = arith.index_cast %get3A_2715 : i32 to index
        %get3A_2717 = arith.constant 0 : index
        %get3A_2718 = tpu.vector_load %arg10[%get3A_2716, %get3A_2717] {strides = array<i32>} : memref<100x64xf32, #tpu.memory_space<vmem>>, vector<16xf32>,
        %mul3A_2719 = arith.mulf %broadcast_in_dim3A_2714, %get3A_2718 : vector<16xf32>
        %add3A_2720 = arith.addf %add3A_2693, %mul3A_2719 : vector<16xf32>
        %get3A_2721 = arith.constant 94 : i32
        %get3A_2722 = arith.index_cast %get3A_2721 : i32 to index
        %get3A_2723 = arith.constant 16 : index
        %get3A_2724 = tpu.vector_load %arg10[%get3A_2722, %get3A_2723] {strides = array<i32>} : memref<100x64xf32, #tpu.memory_space<vmem>>, vector<16xf32>,
        %mul3A_2725 = arith.mulf %broadcast_in_dim3A_2714, %get3A_2724 : vector<16xf32>
        %add3A_2726 = arith.addf %add3A_2699, %mul3A_2725 : vector<16xf32>
        %get3A_2727 = arith.constant 94 : i32
        %get3A_2728 = arith.index_cast %get3A_2727 : i32 to index
        %get3A_2729 = arith.constant 32 : index
        %get3A_2730 = tpu.vector_load %arg10[%get3A_2728, %get3A_2729] {strides = array<i32>} : memref<100x64xf32, #tpu.memory_space<vmem>>, vector<16xf32>,
        %mul3A_2731 = arith.mulf %broadcast_in_dim3A_2714, %get3A_2730 : vector<16xf32>
        %add3A_2732 = arith.addf %add3A_2705, %mul3A_2731 : vector<16xf32>
        %get3A_2733 = arith.constant 94 : i32
        %get3A_2734 = arith.index_cast %get3A_2733 : i32 to index
        %get3A_2735 = arith.constant 48 : index
        %get3A_2736 = tpu.vector_load %arg10[%get3A_2734, %get3A_2735] {strides = array<i32>} : memref<100x64xf32, #tpu.memory_space<vmem>>, vector<16xf32>,
        %mul3A_2737 = arith.mulf %broadcast_in_dim3A_2714, %get3A_2736 : vector<16xf32>
        %add3A_2738 = arith.addf %add3A_2711, %mul3A_2737 : vector<16xf32>
        %slice3A_2739 = vector.extract_strided_slice %div3A_1514 {offsets = [13], sizes = [1], strides = [1]} : vector<16xf32> to vector<1xf32>
        %squeeze3A_2740 = vector.extract %slice3A_2739[0] : f32 from vector<1xf32>
        %broadcast_in_dim3A_2741 = vector.broadcast %squeeze3A_2740 : f32 to vector<16xf32>
        %get3A_2742 = arith.constant 95 : i32
        %get3A_2743 = arith.index_cast %get3A_2742 : i32 to index
        %get3A_2744 = arith.constant 0 : index
        %get3A_2745 = tpu.vector_load %arg10[%get3A_2743, %get3A_2744] {strides = array<i32>} : memref<100x64xf32, #tpu.memory_space<vmem>>, vector<16xf32>,
        %mul3A_2746 = arith.mulf %broadcast_in_dim3A_2741, %get3A_2745 : vector<16xf32>
        %add3A_2747 = arith.addf %add3A_2720, %mul3A_2746 : vector<16xf32>
        %get3A_2748 = arith.constant 95 : i32
        %get3A_2749 = arith.index_cast %get3A_2748 : i32 to index
        %get3A_2750 = arith.constant 16 : index
        %get3A_2751 = tpu.vector_load %arg10[%get3A_2749, %get3A_2750] {strides = array<i32>} : memref<100x64xf32, #tpu.memory_space<vmem>>, vector<16xf32>,
        %mul3A_2752 = arith.mulf %broadcast_in_dim3A_2741, %get3A_2751 : vector<16xf32>
        %add3A_2753 = arith.addf %add3A_2726, %mul3A_2752 : vector<16xf32>
        %get3A_2754 = arith.constant 95 : i32
        %get3A_2755 = arith.index_cast %get3A_2754 : i32 to index
        %get3A_2756 = arith.constant 32 : index
        %get3A_2757 = tpu.vector_load %arg10[%get3A_2755, %get3A_2756] {strides = array<i32>} : memref<100x64xf32, #tpu.memory_space<vmem>>, vector<16xf32>,
        %mul3A_2758 = arith.mulf %broadcast_in_dim3A_2741, %get3A_2757 : vector<16xf32>
        %add3A_2759 = arith.addf %add3A_2732, %mul3A_2758 : vector<16xf32>
        %get3A_2760 = arith.constant 95 : i32
        %get3A_2761 = arith.index_cast %get3A_2760 : i32 to index
        %get3A_2762 = arith.constant 48 : index
        %get3A_2763 = tpu.vector_load %arg10[%get3A_2761, %get3A_2762] {strides = array<i32>} : memref<100x64xf32, #tpu.memory_space<vmem>>, vector<16xf32>,
        %mul3A_2764 = arith.mulf %broadcast_in_dim3A_2741, %get3A_2763 : vector<16xf32>
        %add3A_2765 = arith.addf %add3A_2738, %mul3A_2764 : vector<16xf32>
        %slice3A_2766 = vector.extract_strided_slice %div3A_1514 {offsets = [14], sizes = [1], strides = [1]} : vector<16xf32> to vector<1xf32>
        %squeeze3A_2767 = vector.extract %slice3A_2766[0] : f32 from vector<1xf32>
        %broadcast_in_dim3A_2768 = vector.broadcast %squeeze3A_2767 : f32 to vector<16xf32>
        %get3A_2769 = arith.constant 96 : i32
        %get3A_2770 = arith.index_cast %get3A_2769 : i32 to index
        %get3A_2771 = arith.constant 0 : index
        %get3A_2772 = tpu.vector_load %arg10[%get3A_2770, %get3A_2771] {strides = array<i32>} : memref<100x64xf32, #tpu.memory_space<vmem>>, vector<16xf32>,
        %mul3A_2773 = arith.mulf %broadcast_in_dim3A_2768, %get3A_2772 : vector<16xf32>
        %add3A_2774 = arith.addf %add3A_2747, %mul3A_2773 : vector<16xf32>
        %get3A_2775 = arith.constant 96 : i32
        %get3A_2776 = arith.index_cast %get3A_2775 : i32 to index
        %get3A_2777 = arith.constant 16 : index
        %get3A_2778 = tpu.vector_load %arg10[%get3A_2776, %get3A_2777] {strides = array<i32>} : memref<100x64xf32, #tpu.memory_space<vmem>>, vector<16xf32>,
        %mul3A_2779 = arith.mulf %broadcast_in_dim3A_2768, %get3A_2778 : vector<16xf32>
        %add3A_2780 = arith.addf %add3A_2753, %mul3A_2779 : vector<16xf32>
        %get3A_2781 = arith.constant 96 : i32
        %get3A_2782 = arith.index_cast %get3A_2781 : i32 to index
        %get3A_2783 = arith.constant 32 : index
        %get3A_2784 = tpu.vector_load %arg10[%get3A_2782, %get3A_2783] {strides = array<i32>} : memref<100x64xf32, #tpu.memory_space<vmem>>, vector<16xf32>,
        %mul3A_2785 = arith.mulf %broadcast_in_dim3A_2768, %get3A_2784 : vector<16xf32>
        %add3A_2786 = arith.addf %add3A_2759, %mul3A_2785 : vector<16xf32>
        %get3A_2787 = arith.constant 96 : i32
        %get3A_2788 = arith.index_cast %get3A_2787 : i32 to index
        %get3A_2789 = arith.constant 48 : index
        %get3A_2790 = tpu.vector_load %arg10[%get3A_2788, %get3A_2789] {strides = array<i32>} : memref<100x64xf32, #tpu.memory_space<vmem>>, vector<16xf32>,
        %mul3A_2791 = arith.mulf %broadcast_in_dim3A_2768, %get3A_2790 : vector<16xf32>
        %add3A_2792 = arith.addf %add3A_2765, %mul3A_2791 : vector<16xf32>
        %slice3A_2793 = vector.extract_strided_slice %div3A_1514 {offsets = [15], sizes = [1], strides = [1]} : vector<16xf32> to vector<1xf32>
        %squeeze3A_2794 = vector.extract %slice3A_2793[0] : f32 from vector<1xf32>
        %broadcast_in_dim3A_2795 = vector.broadcast %squeeze3A_2794 : f32 to vector<16xf32>
        %get3A_2796 = arith.constant 97 : i32
        %get3A_2797 = arith.index_cast %get3A_2796 : i32 to index
        %get3A_2798 = arith.constant 0 : index
        %get3A_2799 = tpu.vector_load %arg10[%get3A_2797, %get3A_2798] {strides = array<i32>} : memref<100x64xf32, #tpu.memory_space<vmem>>, vector<16xf32>,
        %mul3A_2800 = arith.mulf %broadcast_in_dim3A_2795, %get3A_2799 : vector<16xf32>
        %add3A_2801 = arith.addf %add3A_2774, %mul3A_2800 : vector<16xf32>
        %get3A_2802 = arith.constant 97 : i32
        %get3A_2803 = arith.index_cast %get3A_2802 : i32 to index
        %get3A_2804 = arith.constant 16 : index
        %get3A_2805 = tpu.vector_load %arg10[%get3A_2803, %get3A_2804] {strides = array<i32>} : memref<100x64xf32, #tpu.memory_space<vmem>>, vector<16xf32>,
        %mul3A_2806 = arith.mulf %broadcast_in_dim3A_2795, %get3A_2805 : vector<16xf32>
        %add3A_2807 = arith.addf %add3A_2780, %mul3A_2806 : vector<16xf32>
        %get3A_2808 = arith.constant 97 : i32
        %get3A_2809 = arith.index_cast %get3A_2808 : i32 to index
        %get3A_2810 = arith.constant 32 : index
        %get3A_2811 = tpu.vector_load %arg10[%get3A_2809, %get3A_2810] {strides = array<i32>} : memref<100x64xf32, #tpu.memory_space<vmem>>, vector<16xf32>,
        %mul3A_2812 = arith.mulf %broadcast_in_dim3A_2795, %get3A_2811 : vector<16xf32>
        %add3A_2813 = arith.addf %add3A_2786, %mul3A_2812 : vector<16xf32>
        %get3A_2814 = arith.constant 97 : i32
        %get3A_2815 = arith.index_cast %get3A_2814 : i32 to index
        %get3A_2816 = arith.constant 48 : index
        %get3A_2817 = tpu.vector_load %arg10[%get3A_2815, %get3A_2816] {strides = array<i32>} : memref<100x64xf32, #tpu.memory_space<vmem>>, vector<16xf32>,
        %mul3A_2818 = arith.mulf %broadcast_in_dim3A_2795, %get3A_2817 : vector<16xf32>
        %add3A_2819 = arith.addf %add3A_2792, %mul3A_2818 : vector<16xf32>
        %slice3A_2820 = vector.extract_strided_slice %div3A_1515 {offsets = [0], sizes = [1], strides = [1]} : vector<16xf32> to vector<1xf32>
        %squeeze3A_2821 = vector.extract %slice3A_2820[0] : f32 from vector<1xf32>
        %broadcast_in_dim3A_2822 = vector.broadcast %squeeze3A_2821 : f32 to vector<16xf32>
        %get3A_2823 = arith.constant 98 : i32
        %get3A_2824 = arith.index_cast %get3A_2823 : i32 to index
        %get3A_2825 = arith.constant 0 : index
        %get3A_2826 = tpu.vector_load %arg10[%get3A_2824, %get3A_2825] {strides = array<i32>} : memref<100x64xf32, #tpu.memory_space<vmem>>, vector<16xf32>,
        %mul3A_2827 = arith.mulf %broadcast_in_dim3A_2822, %get3A_2826 : vector<16xf32>
        %add3A_2828 = arith.addf %add3A_2801, %mul3A_2827 : vector<16xf32>
        %get3A_2829 = arith.constant 98 : i32
        %get3A_2830 = arith.index_cast %get3A_2829 : i32 to index
        %get3A_2831 = arith.constant 16 : index
        %get3A_2832 = tpu.vector_load %arg10[%get3A_2830, %get3A_2831] {strides = array<i32>} : memref<100x64xf32, #tpu.memory_space<vmem>>, vector<16xf32>,
        %mul3A_2833 = arith.mulf %broadcast_in_dim3A_2822, %get3A_2832 : vector<16xf32>
        %add3A_2834 = arith.addf %add3A_2807, %mul3A_2833 : vector<16xf32>
        %get3A_2835 = arith.constant 98 : i32
        %get3A_2836 = arith.index_cast %get3A_2835 : i32 to index
        %get3A_2837 = arith.constant 32 : index
        %get3A_2838 = tpu.vector_load %arg10[%get3A_2836, %get3A_2837] {strides = array<i32>} : memref<100x64xf32, #tpu.memory_space<vmem>>, vector<16xf32>,
        %mul3A_2839 = arith.mulf %broadcast_in_dim3A_2822, %get3A_2838 : vector<16xf32>
        %add3A_2840 = arith.addf %add3A_2813, %mul3A_2839 : vector<16xf32>
        %get3A_2841 = arith.constant 98 : i32
        %get3A_2842 = arith.index_cast %get3A_2841 : i32 to index
        %get3A_2843 = arith.constant 48 : index
        %get3A_2844 = tpu.vector_load %arg10[%get3A_2842, %get3A_2843] {strides = array<i32>} : memref<100x64xf32, #tpu.memory_space<vmem>>, vector<16xf32>,
        %mul3A_2845 = arith.mulf %broadcast_in_dim3A_2822, %get3A_2844 : vector<16xf32>
        %add3A_2846 = arith.addf %add3A_2819, %mul3A_2845 : vector<16xf32>
        %slice3A_2847 = vector.extract_strided_slice %div3A_1515 {offsets = [1], sizes = [1], strides = [1]} : vector<16xf32> to vector<1xf32>
        %squeeze3A_2848 = vector.extract %slice3A_2847[0] : f32 from vector<1xf32>
        %broadcast_in_dim3A_2849 = vector.broadcast %squeeze3A_2848 : f32 to vector<16xf32>
        %get3A_2850 = arith.constant 99 : i32
        %get3A_2851 = arith.index_cast %get3A_2850 : i32 to index
        %get3A_2852 = arith.constant 0 : index
        %get3A_2853 = tpu.vector_load %arg10[%get3A_2851, %get3A_2852] {strides = array<i32>} : memref<100x64xf32, #tpu.memory_space<vmem>>, vector<16xf32>,
        %mul3A_2854 = arith.mulf %broadcast_in_dim3A_2849, %get3A_2853 : vector<16xf32>
        %add3A_2855 = arith.addf %add3A_2828, %mul3A_2854 : vector<16xf32>
        %get3A_2856 = arith.constant 99 : i32
        %get3A_2857 = arith.index_cast %get3A_2856 : i32 to index
        %get3A_2858 = arith.constant 16 : index
        %get3A_2859 = tpu.vector_load %arg10[%get3A_2857, %get3A_2858] {strides = array<i32>} : memref<100x64xf32, #tpu.memory_space<vmem>>, vector<16xf32>,
        %mul3A_2860 = arith.mulf %broadcast_in_dim3A_2849, %get3A_2859 : vector<16xf32>
        %add3A_2861 = arith.addf %add3A_2834, %mul3A_2860 : vector<16xf32>
        %get3A_2862 = arith.constant 99 : i32
        %get3A_2863 = arith.index_cast %get3A_2862 : i32 to index
        %get3A_2864 = arith.constant 32 : index
        %get3A_2865 = tpu.vector_load %arg10[%get3A_2863, %get3A_2864] {strides = array<i32>} : memref<100x64xf32, #tpu.memory_space<vmem>>, vector<16xf32>,
        %mul3A_2866 = arith.mulf %broadcast_in_dim3A_2849, %get3A_2865 : vector<16xf32>
        %add3A_2867 = arith.addf %add3A_2840, %mul3A_2866 : vector<16xf32>
        %get3A_2868 = arith.constant 99 : i32
        %get3A_2869 = arith.index_cast %get3A_2868 : i32 to index
        %get3A_2870 = arith.constant 48 : index
        %get3A_2871 = tpu.vector_load %arg10[%get3A_2869, %get3A_2870] {strides = array<i32>} : memref<100x64xf32, #tpu.memory_space<vmem>>, vector<16xf32>,
        %mul3A_2872 = arith.mulf %broadcast_in_dim3A_2849, %get3A_2871 : vector<16xf32>
        %add3A_2873 = arith.addf %add3A_2846, %mul3A_2872 : vector<16xf32>
        %mul3A_2874 = arith.constant 2 : i32
        %mul3A_2875 = arith.muli %mul3A_2874, %scan3A_35 : i32
        %add3A_2876 = arith.constant 1 : i32
        %add3A_2877 = arith.addi %mul3A_2875, %add3A_2876 : i32
        %swap3A_2878 = arith.index_cast %add3A_2877 : i32 to index
        %swap3A_2879 = arith.constant 0 : index
        %swap3A_2880 = tpu.vector_load %arg11[%swap3A_2878, %swap3A_2879] {strides = array<i32>} : memref<64x64xf32, #tpu.memory_space<vmem>>, vector<16xf32>,
        tpu.vector_store %arg11[%swap3A_2878, %swap3A_2879], %add3A_2855 {strides = array<i32>} : memref<64x64xf32, #tpu.memory_space<vmem>>, vector<16xf32>,
        %swap3A_2881 = arith.index_cast %add3A_2877 : i32 to index
        %swap3A_2882 = arith.constant 16 : index
        %swap3A_2883 = tpu.vector_load %arg11[%swap3A_2881, %swap3A_2882] {strides = array<i32>} : memref<64x64xf32, #tpu.memory_space<vmem>>, vector<16xf32>,
        tpu.vector_store %arg11[%swap3A_2881, %swap3A_2882], %add3A_2861 {strides = array<i32>} : memref<64x64xf32, #tpu.memory_space<vmem>>, vector<16xf32>,
        %swap3A_2884 = arith.index_cast %add3A_2877 : i32 to index
        %swap3A_2885 = arith.constant 32 : index
        %swap3A_2886 = tpu.vector_load %arg11[%swap3A_2884, %swap3A_2885] {strides = array<i32>} : memref<64x64xf32, #tpu.memory_space<vmem>>, vector<16xf32>,
        tpu.vector_store %arg11[%swap3A_2884, %swap3A_2885], %add3A_2867 {strides = array<i32>} : memref<64x64xf32, #tpu.memory_space<vmem>>, vector<16xf32>,
        %swap3A_2887 = arith.index_cast %add3A_2877 : i32 to index
        %swap3A_2888 = arith.constant 48 : index
        %swap3A_2889 = tpu.vector_load %arg11[%swap3A_2887, %swap3A_2888] {strides = array<i32>} : memref<64x64xf32, #tpu.memory_space<vmem>>, vector<16xf32>,
        tpu.vector_store %arg11[%swap3A_2887, %swap3A_2888], %add3A_2873 {strides = array<i32>} : memref<64x64xf32, #tpu.memory_space<vmem>>, vector<16xf32>,
      }
      %scan3A_34 = arith.constant 32 : i32
      "tpu.region"() ({
        %run_scoped3A = tpu.sem_alloc : memref<!tpu.dma_semaphore, #tpu.memory_space<semaphore_mem>>
        %dma_start3A = arith.constant 0 : i32
        %dma_start3A_35 = tpu.memref_slice %arg6[%multiple_of3A, %dma_start3A] : memref<16384x64xf32, #tpu.memory_space<hbm>> -> memref<64x64xf32, #tpu.memory_space<hbm>>
        %dma_start3A_36 = arith.constant 0 : i32
        %dma_start3A_37 = tpu.memref_slice %arg6[%multiple_of3A, %dma_start3A_36] : memref<16384x64xf32, #tpu.memory_space<hbm>> -> memref<64x64xf32, #tpu.memory_space<hbm>>
        tpu.enqueue_dma source(%arg11 : memref<64x64xf32, #tpu.memory_space<vmem>>) target(%dma_start3A_37 : memref<64x64xf32, #tpu.memory_space<hbm>>) target_semaphore(%run_scoped3A : memref<!tpu.dma_semaphore, #tpu.memory_space<semaphore_mem>>)
        %dma_wait3A = arith.constant 0 : i32
        %dma_wait3A_38 = tpu.memref_slice %arg6[%multiple_of3A, %dma_wait3A] : memref<16384x64xf32, #tpu.memory_space<hbm>> -> memref<64x64xf32, #tpu.memory_space<hbm>>
        %dma_wait3A_39 = arith.constant 0 : i32
        %dma_wait3A_40 = tpu.memref_slice %arg6[%multiple_of3A, %dma_wait3A_39] : memref<16384x64xf32, #tpu.memory_space<hbm>> -> memref<64x64xf32, #tpu.memory_space<hbm>>
        tpu.wait_dma2 semaphore(%run_scoped3A : memref<!tpu.dma_semaphore, #tpu.memory_space<semaphore_mem>>) src(%arg11 : memref<64x64xf32, #tpu.memory_space<vmem>>) dst(%dma_wait3A_40 : memref<64x64xf32, #tpu.memory_space<hbm>>)
        tpu.yield
      }) : () -> ()
    }
    %scan3A_7 = arith.constant 8 : i32
    return
  }
}

module attributes {stable_mosaic.version = 14 : i64} {
  func.func @body(%arg0: memref<18176x64xf32, #tpu.memory_space<vmem>>, %arg1: memref<64x32xf32, #tpu.memory_space<vmem>>, %arg2: memref<32xf32, #tpu.memory_space<vmem>>, %arg3: memref<32xf32, #tpu.memory_space<vmem>>, %arg4: memref<1xf32, #tpu.memory_space<vmem>>, %arg5: memref<18176xf32, #tpu.memory_space<vmem>>) attributes {dimension_semantics = [], scalar_prefetch = 0 : i64, scratch_operands = 0 : i64, tpu.core_type = #tpu.core_type<tc>} {
    %get3A = arith.constant 0 : index
    %get3A_0 = arith.constant 0 : index
    %get3A_1 = vector.load %arg0[%get3A, %get3A_0] : memref<18176x64xf32, #tpu.memory_space<vmem>>, vector<18176x64xf32>
    %get3A_2 = arith.constant 0 : index
    %get3A_3 = arith.constant 0 : index
    %get3A_4 = vector.load %arg1[%get3A_2, %get3A_3] : memref<64x32xf32, #tpu.memory_space<vmem>>, vector<64x32xf32>
    %dot_general3A = arith.constant dense<0.000000e+00> : vector<18176x32xf32>
    %dot_general3A_5 = tpu.matmul %get3A_1, %get3A_4, %dot_general3A {dimension_numbers = #tpu.dot_dimension_numbers<[1], [0], [0], [1], [0, 0, 1, 1], [], []>, transpose_lhs_hint = false} : vector<18176x64xf32>, vector<64x32xf32>, vector<18176x32xf32> -> vector<18176x32xf32>
    %get3A_6 = arith.constant 0 : index
    %get3A_7 = vector.load %arg2[%get3A_6] : memref<32xf32, #tpu.memory_space<vmem>>, vector<32xf32>
    %broadcast_in_dim3A = vector.shape_cast %get3A_7 : vector<32xf32> to vector<1x32xf32>
    %add3A = vector.broadcast %broadcast_in_dim3A : vector<1x32xf32> to vector<18176x32xf32>
    %add3A_8 = arith.addf %dot_general3A_5, %add3A : vector<18176x32xf32>
    %tanh3A = math.tanh %add3A_8 : vector<18176x32xf32>
    %get3A_9 = arith.constant 0 : index
    %get3A_10 = vector.load %arg3[%get3A_9] : memref<32xf32, #tpu.memory_space<vmem>>, vector<32xf32>
    %broadcast_in_dim3A_11 = vector.shape_cast %get3A_10 : vector<32xf32> to vector<1x32xf32>
    %mul3A = vector.broadcast %broadcast_in_dim3A_11 : vector<1x32xf32> to vector<18176x32xf32>
    %mul3A_12 = arith.mulf %tanh3A, %mul3A : vector<18176x32xf32>
    %reduce_sum3A = arith.constant dense<0.000000e+00> : vector<18176xf32>
    %reduce_sum3A_13 = vector.multi_reduction <add>, %mul3A_12, %reduce_sum3A [1] : vector<18176x32xf32> to vector<18176xf32>
    %get3A_14 = arith.constant 0 : index
    %get3A_15 = vector.load %arg4[%get3A_14] : memref<1xf32, #tpu.memory_space<vmem>>, vector<1xf32>
    %get3A_16 = vector.extract %get3A_15[0] : f32 from vector<1xf32>
    %add3A_17 = vector.broadcast %get3A_16 : f32 to vector<18176xf32>
    %add3A_18 = arith.addf %reduce_sum3A_13, %add3A_17 : vector<18176xf32>
    %exp3A = math.exp %add3A_18 : vector<18176xf32>
    %swap3A = arith.constant 0 : index
    %swap3A_19 = vector.load %arg5[%swap3A] : memref<18176xf32, #tpu.memory_space<vmem>>, vector<18176xf32>
    tpu.vector_store %arg5[%swap3A], %exp3A {strides = array<i32>} : memref<18176xf32, #tpu.memory_space<vmem>>, vector<18176xf32>,
    return
  }
}

</mosaic_0001>

<sc_bundles>
// kernel: kernel.4.cloned.1.call-start
scs
__scs_entry_jumppad:
0x0: {  	(pc) =	sbr.rel $0x88, $3  }
0x1: {  	(tag) =	ssettag $0x0;
	lr =	simm.s32 $0x1  }
0x2: {  	[smem:$0x3F9B] =	sst lr;
	_ =	strace $0xD0000000  }
0x3: {  	_ = 	snop  }
0x4: {  	_ = 	snop  }
0x5: {  	_ = 	snop  }
0x6: {  	_ = 	snop  }
0x7: {  	_ = 	snop  }
__scs_overlays_trampoline_lowered:
0x8: {  	[smem:$0x3FAA] =	sst s0  }
0x9: {  	[smem:$0x3FAB] =	sst s1  }
0xa: {  	[smem:$0x3FAC] =	sst s2  }
0xb: {  	[smem:$0x3FAD] =	sst s3  }
0xc: {  	[smem:$0x3FAE] =	sst s4  }
0xd: {  	[smem:$0x3FAF] =	sst s5  }
0xe: {  	[smem:$0x3FB0] =	sst s6  }
0xf: {  	[smem:$0x3FB1] =	sst s7  }
0x10: {  	[smem:$0x3FB2] =	sst s8  }
0x11: {  	[smem:$0x3FB3] =	sst s9;
	s0 =	simm.s32 @!p0 $0x0  }
0x12: {  	s1 =	sld [smem:$0x3F99];
	s0 =	simm.s32 @p0 $0x1  }
0x13: {  	[smem:$0x3FB4] =	sst s0;
	s0 =	simm.s32 @!p1 $0x0  }
0x14: {  	s2 =	sld [smem:$0x3F98];
	s0 =	simm.s32 @p1 $0x1  }
0x15: {  	[smem:$0x3FB5] =	sst s0;
	s0 =	simm.s32 @!p2 $0x0  }
0x16: {  	s3 =	sld [smem:$0x3FDB];
	s0 =	simm.s32 @p2 $0x1  }
0x17: {  	s4 =	simm.s32 $0x1BF5;
	[smem:$0x3FB7] =	sst s0  }
0x18: {  	s0 =	sld [smem:$0x3F9A];
	_ =	swait.ge [sflag:s4], $0x0  }
0x19: {  	s7 =	sld [smem:$0x3F9B]  }
0x1a: {  	s8 =	sadd.s32 $0xFFFFE003, lr  }
0x1b: {  	s9 =	sadd.s32 $0xFFFFFEF7, lr;
	s5 =	simm.s32 $0xFFFFFFFF;
	p2 =	slt.u32 s8, $0xFFFFF086  }
0x1c: {  	p1 =	slt.u32 s9, $0xF7A;
	s5 =	simm.s32 @!p2 $0x0  }
0x1d: {  	s5 =	simm.s32 @p1 $0x1;
	p0 =	seq.s32 s7, s2  }
0x1e: {  	s7 =	smul.u32 @!p0 $0xF7A, s2;
	p2 =	seq.s32 @!p0 s5, $0x0  }
0x1f: {  	s9 =	smul.u32 $0xF7A, s1;
	s8 =	simm.s32 @!p0 $0x1BF5;
	p2 =	por !p2, p0  }
0x20: {  	[sflag:s8] =	ssyncset.s32 @!p0 $0xFFFFF086;
	s6 =	sadd.s32 @!p0 s3, s7;
	s7 =	simm.s32 @!p0 $0x108  }
0x21: {  	s3 =	sadd.s32 s3, s9;
	s6 =	sadd.s32 @!p0 $0x88, s6;
	s7 =	simm.s32 @p2 $0x1082  }
0x22: {  	[simem:s7], [sflag:s8] =	dma.local @!p0 [hbm:s6], $0xF7A  }
0x23: {  	s9 =	sor.u32 $0xD0000000, s2;
	s6 =	simm.s32 $0x108;
	_ =	swait.ge @!p0 [sflag:s8], $0x0  }
0x24: {  	s3 =	sadd.s32 $0x88, s3;
	s6 =	simm.s32 @!p1 $0x1082;
	[sflag:s4] =	ssyncset.s32 $0xFFFFF086  }
0x25: {  	[simem:s6], [sflag:s4] =	dma.local [hbm:s3], $0xF7A  }
0x26: {  	[smem:$0x3F9B] =	sst s1;
	(tag) =	ssettag s2;
	_ =	strace s9  }
0x27: {  	s1 =	sld [smem:$0x3FAB]  }
0x28: {  	s2 =	sld [smem:$0x3FAC]  }
0x29: {  	s4 =	sld [smem:$0x3FAE]  }
0x2a: {  	p0 =	seq.s32 s5, $0x0;
	s5 =	sld [smem:$0x3FAF]  }
0x2b: {  	s6 =	sld [smem:$0x3FB0]  }
0x2c: {  	s7 =	sld [smem:$0x3FB1]  }
0x2d: {  	s3 =	simm.s32 $0x108;
	s8 =	sld [smem:$0x3FB2]  }
0x2e: {  	s3 =	simm.s32 @!p0 $0x1082;
	s9 =	sld [smem:$0x3FB3]  }
0x2f: {  	lr =	sadd.s32 s0, s3;
	s0 =	sld [smem:$0x3FAA]  }
0x30: {  	s3 =	sld [smem:$0x3FAD]  }
0x31: {  	[smem:$0x3FB6] =	sst s10  }
0x32: {  	s10 =	sld [smem:$0x3FB4];
	_ =	sdelay $0x3  }
0x33: {  	p0 =	seq.s32 s10, $0x1;
	s10 =	sld [smem:$0x3FB6];
	_ =	sdelay $0x3  }
0x34: {  	[smem:$0x3FB6] =	sst s10  }
0x35: {  	s10 =	sld [smem:$0x3FB5];
	_ =	sdelay $0x3  }
0x36: {  	p1 =	seq.s32 s10, $0x1;
	s10 =	sld [smem:$0x3FB6];
	_ =	sdelay $0x3  }
0x37: {  	[smem:$0x3FB6] =	sst s10  }
0x38: {  	s10 =	sld [smem:$0x3FB7]  }
0x39: {  	_ = 	snop;
	(pc) =	sbr.ind lr, $3  }
0x3a: {  	_ = 	snop  }
0x3b: {  	_ = 	snop  }
0x3c: {  	p2 =	seq.s32 s10, $0x1;
	s10 =	sld [smem:$0x3FB6]  }
0x3d: {  	_ =	shalt  }
0x3e: {  	_ =	shalt  }
0x3f: {  	_ =	shalt  }
0x40: {  	_ =	shalt  }
0x41: {  	_ =	shalt  }
0x42: {  	_ =	shalt  }
0x43: {  	_ =	shalt  }
0x44: {  	_ =	shalt  }
0x45: {  	_ =	shalt  }
0x46: {  	_ =	shalt  }
0x47: {  	_ =	shalt  }
0x48: {  	_ =	shalt  }
0x49: {  	_ =	shalt  }
0x4a: {  	_ =	shalt  }
0x4b: {  	_ =	shalt  }
0x4c: {  	_ =	shalt  }
0x4d: {  	_ =	shalt  }
0x4e: {  	_ =	shalt  }
0x4f: {  	_ =	shalt  }
0x50: {  	_ =	shalt  }
0x51: {  	_ =	shalt  }
0x52: {  	_ =	shalt  }
0x53: {  	_ =	shalt  }
0x54: {  	_ =	shalt  }
0x55: {  	_ =	shalt  }
0x56: {  	_ =	shalt  }
0x57: {  	_ =	shalt  }
0x58: {  	_ =	shalt  }
0x59: {  	_ =	shalt  }
0x5a: {  	_ =	shalt  }
0x5b: {  	_ =	shalt  }
0x5c: {  	_ =	shalt  }
0x5d: {  	_ =	shalt  }
0x5e: {  	_ =	shalt  }
0x5f: {  	_ =	shalt  }
0x60: {  	_ =	shalt  }
0x61: {  	_ =	shalt  }
0x62: {  	_ =	shalt  }
0x63: {  	_ =	shalt  }
0x64: {  	_ =	shalt  }
0x65: {  	_ =	shalt  }
0x66: {  	_ =	shalt  }
0x67: {  	_ =	shalt  }
0x68: {  	_ =	shalt  }
0x69: {  	_ =	shalt  }
0x6a: {  	_ =	shalt  }
0x6b: {  	_ =	shalt  }
0x6c: {  	_ =	shalt  }
0x6d: {  	_ =	shalt  }
0x6e: {  	_ =	shalt  }
0x6f: {  	_ =	shalt  }
0x70: {  	_ =	shalt  }
0x71: {  	_ =	shalt  }
0x72: {  	_ =	shalt  }
0x73: {  	_ =	shalt  }
0x74: {  	_ =	shalt  }
0x75: {  	_ =	shalt  }
0x76: {  	_ =	shalt  }
0x77: {  	_ =	shalt  }
0x78: {  	_ =	shalt  }
0x79: {  	_ =	shalt  }
0x7a: {  	_ =	shalt  }
0x7b: {  	_ =	shalt  }
0x7c: {  	_ =	shalt  }
0x7d: {  	_ =	shalt  }
0x7e: {  	_ =	shalt  }
0x7f: {  	_ =	shalt  }
0x80: {  	_ =	shalt  }
0x81: {  	_ =	shalt  }
0x82: {  	_ =	shalt  }
0x83: {  	_ =	shalt  }
0x84: {  	_ =	shalt  }
0x85: {  	_ =	shalt  }
0x86: {  	_ =	shalt  }
0x87: {  	_ =	shalt  }
.Lfunc_end0:
.L_simem_size_0:
called_computation_lowered:
.L_overlay_start_0:
0x88: {  	s2 =	sld [smem:$0x3FD9]  }
0x89: {  	s3 =	sld [smem:$0x3FFE];
	_ =	sdelay $0x1  }
0x8a: {  	s1 =	srdreg.scid  }
0x8b: {  	s0 =	sand.u32 $0x1, s1  }
0x8c: {  	s17 =	sshll.u32 s0, $0xA;
	s2 =	sadd.s32 s3, s2  }
0x8d: {  	s2 =	sadd.s32 s2, s17  }
0x8e: {  	[smem:$0x3FC2] =	sst s2  }
0x8f: {  	_ = 	snop  }
0x90: {  	s2 =	sld [smem:$0x3FD0];
	(tm) =	ssettm $0x1  }
0x91: {  	s18 =	sld [smem:$0x3FFB];
	_ =	sdelay $0x3  }
0x92: {  	_ =	strace s18  }
0x93: {  	s3 =	sld [smem:$0x3FFC];
	_ =	sdelay $0x3  }
0x94: {  	_ =	strace s3  }
0x95: {  	s3 =	sld [smem:$0x3FFD];
	_ =	sdelay $0x3  }
0x96: {  	_ =	strace s3  }
0x97: {  	_ =	strace $0x8FFFFFFF  }
0x98: {  	s19 =	sld [smem:$0x3FDB];
	_ =	sdelay $0x1  }
0x99: {  	s4 =	simm.s32 $_scs_section_size  }
0x9a: {  	s5 =	simm.s32 $_size__tile_overlayer_lowered;
	s6 =	simm.s32 $_tile_overlayer_lowered  }
0x9b: {  	s22 =	simm.s32 $0x1BFF;
	s21 =	sshll.u32 s6, $0x1;
	s3 =	sadd.s32 s4, s19  }
0x9c: {  	s7 =	simm.s32 $0x0;
	s20 =	sshll.u32 s5, $0x1;
	s5 =	sadd.s32 s21, s3  }
0x9d: {  	[timem:s7], [sflag:s22] =	dma.local [hbm:s5], s20  }
0x9e: {  	_ =	swait.ge [sflag:s22], s20  }
0x9f: {  	s4 =	ssub.s32 $0x0, s20;
	[sflag:s22] =	ssyncset.done $0x0  }
0xa0: {  	[sflag:s22] =	ssyncadd.s32 s4;
	_ =	sdelay $0x1  }
0xa1: {  	s23 =	simm.s32 $0x1B8B  }
0xa2: {  	_ =	swait.ge [sflag:s23], $0x1  }
0xa3: {  	[sflag:s23] =	ssyncset.done $0x0  }
0xa4: {  	s25 =	simm.s32 $0x1B8E;
	s24 =	sld [smem:$0x3FFE];
	[sflag:s23] =	ssyncadd.s32 $0xFFFFFFFF  }
0xa5: {  	s26 =	simm.s32 $execute0_lowered;
	[smem:$0x3FD2] =	sst s25  }
0xa6: {  	s5 =	sshll.u32 s26, $0x1;
	_ =	strace $0x80000046;
	[dreg:$0x1] =	wrdreg $0xFFFFFFFF  }
0xa7: {  	s28 =	simm.s32 $_size_execute0_lowered;
	s3 =	sadd.s32 s3, s5;
	[dreg:$0x0] =	wrdreg $0x0  }
0xa8: {  	s5 =	sshll.u32 s28, $0x1;
	[dreg:$0x2] =	wrdreg s3  }
0xa9: {  	[dreg:$0x3] =	wrdreg s5  }
0xaa: {  	[dreg:$0x4] =	wrdreg $0xC0  }
0xab: {  	_ =	task [dreg:s7], $0x5FFFF  }
0xac: {  	[dreg:$0x1] =	wrdreg $0xFFFFFFFF  }
0xad: {  	[dreg:$0x0] =	wrdreg $0x60  }
0xae: {  	[dreg:$0x2] =	wrdreg s24  }
0xaf: {  	[dreg:$0x3] =	wrdreg s2  }
0xb0: {  	[dreg:$0x4] =	wrdreg $0x9  }
0xb1: {  	_ =	task.clear_ibuf [dreg:s7], $0x5FFFF;
	_ =	strace $0x90000046  }
0xb2: {  	s29 =	simm.s32 $0x9;
	_ =	strace $0x80000048  }
0xb3: {  	_ =	swait.ge [sflag:s29], $0x1  }
0xb4: {  	[sflag:s29] =	ssyncadd.s32 $0xFFFFFFFF  }
0xb5: {  	_ =	strace $0x90000048  }
0xb6: {  	_ =	sfence  }
0xb7: {  	s30 =	sld [smem:$0x0];
	_ =	sdelay $0x2  }
0xb8: {  	s31 =	sshll.u32 s1, $0xD;
	s1 =	sshrl.u32 s1, $0x2  }
0xb9: {  	s3 =	sand.u32 $0x4000, s31;
	s1 =	sadd.s32 s1, s30  }
0xba: {  	s0 =	sor.u32 s3, s0;
	s1 =	sshll.u32 s1, $0x11  }
0xbb: {  	s0 =	sor.u32 s1, s0  }
0xbc: {  	s0 =	sadd.s32 $0x8F2B, s0  }
0xbd: {  	[sflag:s0] =	ssyncadd.remote.s32 $0x1  }
0xbe: {  	_ =	sfence.sel $0xFFFF  }
0xbf: {  	[dreg:$0x0] =	wrdreg $0xFFFFFFFF;
	(pc) =	sbr.abs _section_cstart, $3  }
0xc0: {  	[dreg:$0x1] =	wrdreg $0xFFFFFFFF  }
0xc1: {  	_ =	task.clear_ibuf [dreg:s7], $0x2FFFF;
	_ =	strace $0x9FFFFFFF  }
0xc2: {  	(tm) =	ssettm $0x7FFFFFFF  }
0xc3: {  	_ =	shalt  }
tec
execute0_lowered:
.L_overlay_start_1:
0x0: {  	(tag) =	ssettag $0x1  }
0x1: {  	s4 =	rddreg [dreg:$0x0]  }
0x2: {  	s1 =	rddreg [dreg:$0x1]  }
0x3: {  	s0 =	rddreg [dreg:$0x2]  }
0x4: {  	s2 =	simm.s32 $0x0;
	s5 =	srdreg.scid;
	s11 =	simm.s32 $0x5400  }
0x5: {  	s12 =	simm.s32 $0x64;
	s13 =	simm.s32 $0x6400;
	s14 =	simm.s32 $0x1  }
0x6: {  	s15 =	simm.s32 $0x7D00;
	s16 =	simm.s32 $0x0;
	[smem:$0x7FF] =	sst s2  }
0x7: {  	s3 =	sadd.s32 $0x1400, s4;
	s8 =	sand.u32 $0x1, s5;
	s5 =	sadd.s32 $0x1B400, s4  }
0x8: {  	s6 =	sadd.s32 $0x3EC00, s4;
	s7 =	sadd.s32 $0x3F600, s4;
	s9 =	ssub.s32 $0x2, s8  }
0x9: {  	s4 =	stileid.u32;
	_ =	strace $0x80000047;
	s10 =	sshrl.u32 s9, $0x1  }
0xa: {  	s31 =	sshll.u32 s4, $0xA;
	s8 =	sshll.u32 s8, $0x9;
	s9 =	ssub.s32 s9, s10  }
0xb: {  	vm0 =	vmmov $0x3;
	s8 =	sor.u32 s8, s31;
	s10 =	simm.s32 $0x2;
	s9 =	smax.u32 s9, $0x1  }
.LBB2_1:
0xc: {  	[tilespmem:s2], [sflag:$0x2] =	stream.linear.gather [hbm4b:s6+s2], $0x4700, $0x38;
	[tilespmem:$0x8D00] =	vst v63  }
0xd: {  	_ =	swait.ge [sflag:s10], $0x4700  }
0xe: {  	[sflag:s10] =	ssyncset.done $0x0  }
0xf: {  	s17 =	simm.s32 $0x0;
	[sflag:s10] =	ssyncadd.s32 $0xFFFFB900  }
.LBB2_2:
0x10: {  	s18 =	sshll.u32 s17, $0x6  }
0x11: {  	s20 =	sadd.s32 s8, s18  }
0x12: {  	s18 =	sshrl.u32 s20, $0x1  }
0x13: {  	s18 =	smul.u32 $0xD, s18;
	_ =	sdelay $0x1  }
0x14: {  	s19 =	simm.s32 $0x4700;
	s21 =	sadd.s32 s3, s18;
	s18 =	simm.s32 $0x0  }
0x15: {  	[tilespmem:s19], [sflag:$0x2] =	stream.linear.gather [hbm4b:s21+s18], $0xD00, $0x38;
	[tilespmem:$0x8D00] =	vst v63  }
0x16: {  	_ =	swait.ge [sflag:s10], $0xD00  }
0x17: {  	s20 =	sshll.u32 s20, $0x3;
	[sflag:s10] =	ssyncset.done $0x0  }
0x18: {  	s31 =	sadd.s32 s1, s20;
	[sflag:s10] =	ssyncadd.s32 $0xFFFFF300  }
0x19: {  	[tilespmem:s11], [sflag:$0x2] =	stream.linear.gather [hbm4b:s31+s18], $0x1000, $0x38;
	[tilespmem:$0x8D00] =	vst v63  }
0x1a: {  	_ =	swait.ge [sflag:s10], $0x1000  }
0x1b: {  	[sflag:s10] =	ssyncset.done $0x0  }
0x1c: {  	[sflag:s10] =	ssyncadd.s32 $0xFFFFF000  }
.LBB2_3:
0x1d: {  	[tilespmem:s13], [sflag:$0x1] =	stream.indirect.gather [hbm4b:s5+s12], $0x40, s19, s12, $0xb8;
	[tilespmem:$0x8D00] =	vst v63  }
0x1e: {  	_ =	swait.ge [sflag:s14], $0x1900  }
0x1f: {  	[sflag:s14] =	ssyncset.done $0x0  }
0x20: {  	s21 =	sshra.s32 s18, $0x2;
	[sflag:s14] =	ssyncadd.s32 $0xFFFFE700  }
0x21: {  	v0 =	vld [tilespmem:s21+$0x5400]  }
0x22: {  	v1 =	vld [tilespmem:s21+$0x5410];
	_ =	sdelay $0x1  }
0x23: {  	v2 =	vld [tilespmem:s21+$0x5420]  }
0x24: {  	v3 =	vld [tilespmem:s21+$0x5430];
	_ =	sdelay $0x1  }
0x25: {  	v8 =	vld [tilespmem:$0x6400]  }
0x26: {  	v10 =	vld [tilespmem:$0x6410]  }
0x27: {  	v4 =	vld.idx.msk [tilespmem:v0+s2+$0x0], $0xffff  }
0x28: {  	v5 =	vld.idx.msk [tilespmem:v1+s2+$0x0], $0xffff  }
0x29: {  	v11 =	vld [tilespmem:$0x6420]  }
0x2a: {  	v6 =	vld.idx.msk [tilespmem:v2+s2+$0x0], $0xffff  }
0x2b: {  	v7 =	vld.idx.msk [tilespmem:v3+s2+$0x0], $0xffff  }
0x2c: {  	v13 =	vld [tilespmem:$0x6430];
	vm1 =	veq.s32 v0, $0x0;
	vm2 =	veq.s32 v1, $0x0  }
0x2d: {  	v12 =	vld [tilespmem:$0x6440];
	v0 =	vsel vm1, $0x0, v4;
	v1 =	vsel vm2, $0x0, v5  }
0x2e: {  	v15 =	vld [tilespmem:$0x6450];
	vm1 =	veq.s32 v2, $0x0;
	v63 =	vadd.f32 v1, v0  }
0x2f: {  	v18 =	vld [tilespmem:$0x6460];
	v14 =	vsel vm1, $0x0, v6;
	vm1 =	veq.s32 v3, $0x0  }
0x30: {  	v23 =	vld [tilespmem:$0x6470];
	v3 =	vsel vm1, $0x0, v7;
	v2 =	vadd.f32 v14, v63  }
0x31: {  	v24 =	vld [tilespmem:$0x6480];
	v20 =	vnsel vm0, $0x0, v3  }
0x32: {  	v25 =	vld [tilespmem:$0x6490];
	v2 =	vadd.f32 v20, v2  }
0x33: {  	v27 =	vld [tilespmem:$0x64A0]  }
0x34: {  	v28 =	vld [tilespmem:$0x64B0];
	(xrf2) =	vadd.scan.msk.f32 $0xffff, v2  }
0x35: {  	v29 =	vld [tilespmem:$0x64C0]  }
0x36: {  	v31 =	vld [tilespmem:$0x64D0]  }
0x37: {  	v32 =	vld [tilespmem:$0x64E0]  }
0x38: {  	v34 =	vld [tilespmem:$0x64F0]  }
0x39: {  	v35 =	vld [tilespmem:$0x6500]  }
0x3a: {  	v36 =	vld [tilespmem:$0x6510]  }
0x3b: {  	v37 =	vld [tilespmem:$0x6520]  }
0x3c: {  	v38 =	vld [tilespmem:$0x6530]  }
0x3d: {  	v39 =	vld [tilespmem:$0x6540]  }
0x3e: {  	v44 =	vld [tilespmem:$0x6550];
	v2, _, _ =	vpop (xrf2)  }
0x3f: {  	v50 =	vld [tilespmem:$0x6560];
	(v2sf) =	vpush v2, $0xF  }
0x40: {  	v51 =	vld [tilespmem:$0x6570]  }
0x41: {  	v52 =	vld [tilespmem:$0x6580]  }
0x42: {  	v53 =	vld [tilespmem:$0x6590]  }
0x43: {  	v54 =	vld [tilespmem:$0x65A0]  }
0x44: {  	v55 =	vld [tilespmem:$0x65B0]  }
0x45: {  	v56 =	vld [tilespmem:$0x65C0]  }
0x46: {  	v57 =	vld [tilespmem:$0x65D0]  }
0x47: {  	v58 =	vld [tilespmem:$0x65E0]  }
0x48: {  	v59 =	vld [tilespmem:$0x65F0]  }
0x49: {  	v60 =	vld [tilespmem:$0x6600]  }
0x4a: {  	v61 =	vld [tilespmem:$0x6610]  }
0x4b: {  	v46 =	vld [tilespmem:$0x6620]  }
0x4c: {  	v49 =	vld [tilespmem:$0x6630]  }
0x4d: {  	v48 =	vld [tilespmem:$0x6640]  }
0x4e: {  	v47 =	vld [tilespmem:$0x6650];
	s22 =	spop (v2sf)  }
0x4f: {  	v41 =	vld [tilespmem:$0x6660];
	s22 =	sadd.f32 $9.999999930e-09, s22  }
0x50: {  	v45 =	vld [tilespmem:$0x6670]  }
0x51: {  	v42 =	vld [tilespmem:$0x6680];
	v4 =	vmov s22  }
0x52: {  	v43 =	vld [tilespmem:$0x6690];
	(erf) = vrcp.f32 v4  }
0x53: {  	v40 =	vld [tilespmem:$0x66A0]  }
0x54: {  	v33 =	vld [tilespmem:$0x66B0]  }
0x55: {  	v30 =	vld [tilespmem:$0x66C0]  }
0x56: {  	v26 =	vld [tilespmem:$0x66D0]  }
0x57: {  	v21 =	vld [tilespmem:$0x66E0]  }
0x58: {  	v22 =	vld [tilespmem:$0x66F0]  }
0x59: {  	v16 =	vld [tilespmem:$0x6700]  }
0x5a: {  	v19 =	vld [tilespmem:$0x6710]  }
0x5b: {  	v6 =	vld [tilespmem:$0x6760];
	v62 =	vpop (erf)  }
0x5c: {  	v5 =	vld [tilespmem:$0x6750];
	v3 =	vmul.f32 v62, v0  }
0x5d: {  	v17 =	vld [tilespmem:$0x6720]  }
0x5e: {  	v9 =	vld [tilespmem:$0x6730];
	v2 =	vmul.f32 v62, v1;
	v63 =	vbroadcast v3, $0x0  }
0x5f: {  	v7 =	vld [tilespmem:$0x6740];
	v4 =	vmul.f32 v62, v14;
	v0 =	vbroadcast v3, $0x1  }
0x60: {  	[tilespmem:$0x1FFD0] =	vst v6;
	v6 =	vld [tilespmem:$0x6770];
	v8 =	vmul.f32 v63, v8;
	v10 =	vmul.f32 v63, v10  }
0x61: {  	[tilespmem:$0x1FFC0] =	vst v5;
	v5 =	vmul.f32 v0, v12;
	v15 =	vmul.f32 v0, v15;
	v12 =	vld [tilespmem:$0x6790]  }
0x62: {  	v11 =	vmul.f32 v63, v11;
	v63 =	vmul.f32 v63, v13;
	v13 =	vld [tilespmem:$0x67A0];
	v10 =	vadd.f32 $0.0e+00, v10  }
0x63: {  	v18 =	vmul.f32 v0, v18;
	v23 =	vmul.f32 v0, v23;
	v1 =	vadd.f32 $0.0e+00, v8;
	v8 =	vld [tilespmem:$0x6780]  }
0x64: {  	v0 =	vadd.f32 $0.0e+00, v63;
	v63 =	vld [tilespmem:$0x67E0];
	v14 =	vadd.f32 v10, v15;
	v15 =	vbroadcast v3, $0x2  }
0x65: {  	v62 =	vmul.f32 v62, v20;
	v20 =	vadd.f32 v1, v5;
	v10 =	vld [tilespmem:$0x67B0];
	v1 =	vadd.f32 $0.0e+00, v11  }
0x66: {  	v11 =	vld [tilespmem:$0x67C0];
	v24 =	vmul.f32 v15, v24  }
0x67: {  	v5 =	vld [tilespmem:$0x67D0];
	v25 =	vmul.f32 v15, v25;
	v1 =	vadd.f32 v1, v18;
	v18 =	vbroadcast v3, $0x3  }
0x68: {  	v23 =	vadd.f32 v0, v23;
	v0 =	vld [tilespmem:$0x67F0];
	v27 =	vmul.f32 v15, v27;
	v15 =	vmul.f32 v28, v15  }
0x69: {  	v24 =	vadd.f32 v20, v24;
	v14 =	vadd.f32 v14, v25;
	v25 =	vmul.f32 v29, v18;
	v20 =	vld [tilespmem:$0x6800]  }
0x6a: {  	v15 =	vadd.f32 v23, v15;
	v28 =	vmul.f32 v31, v18;
	v29 =	vbroadcast v3, $0x4;
	v23 =	vld [tilespmem:$0x6810]  }
0x6b: {  	v1 =	vadd.f32 v1, v27;
	v27 =	vld [tilespmem:$0x6820];
	v31 =	vadd.f32 v24, v25;
	v25 =	vmul.f32 v32, v18  }
0x6c: {  	v14 =	vadd.f32 v14, v28;
	v28 =	vmul.f32 v35, v29;
	v36 =	vmul.f32 v36, v29;
	v24 =	vld [tilespmem:$0x6830]  }
0x6d: {  	v37 =	vmul.f32 v37, v29;
	v38 =	vmul.f32 v38, v29;
	v29 =	vld [tilespmem:$0x6860]  }
0x6e: {  	v18 =	vmul.f32 v34, v18;
	v35 =	vbroadcast v3, $0x5;
	v34 =	vld [tilespmem:$0x6890]  }
0x6f: {  	v1 =	vadd.f32 v25, v1;
	v25 =	vld [tilespmem:$0x6840]  }
0x70: {  	v15 =	vadd.f32 v18, v15;
	v18 =	vadd.f32 v28, v31;
	v28 =	vld [tilespmem:$0x6850];
	v32 =	vmul.f32 v39, v35  }
0x71: {  	v14 =	vadd.f32 v36, v14;
	v44 =	vmul.f32 v44, v35;
	v36 =	vbroadcast v3, $0x6;
	v31 =	vld [tilespmem:$0x6870]  }
0x72: {  	v50 =	vmul.f32 v50, v35;
	v35 =	vmul.f32 v51, v35;
	v39 =	vld [tilespmem:$0x68E0];
	v1 =	vadd.f32 v37, v1  }
0x73: {  	v15 =	vadd.f32 v38, v15;
	v18 =	vadd.f32 v32, v18;
	v32 =	vld [tilespmem:$0x6880];
	v38 =	vmul.f32 v52, v36  }
0x74: {  	v52 =	vmul.f32 v53, v36;
	v53 =	vmul.f32 v54, v36;
	v37 =	vld [tilespmem:$0x68A0]  }
0x75: {  	v54 =	vmul.f32 v55, v36;
	v36 =	vld [tilespmem:$0x68C0];
	v1 =	vadd.f32 v50, v1;
	v50 =	vbroadcast v3, $0x7  }
0x76: {  	v51 =	vbroadcast v3, $0x8;
	v14 =	vadd.f32 v44, v14;
	v44 =	vld [tilespmem:$0x68F0];
	v15 =	vadd.f32 v35, v15  }
0x77: {  	v18 =	vadd.f32 v38, v18;
	v35 =	vld [tilespmem:$0x68B0];
	v55 =	vmul.f32 v56, v50;
	v56 =	vmul.f32 v57, v50  }
0x78: {  	v14 =	vadd.f32 v52, v14;
	v38 =	vld [tilespmem:$0x68D0];
	v57 =	vmul.f32 v58, v50;
	v50 =	vmul.f32 v59, v50  }
0x79: {  	v1 =	vadd.f32 v53, v1;
	v58 =	vmul.f32 v60, v51;
	v60 =	vmul.f32 v46, v51;
	v46 =	vld [tilespmem:$0x6900]  }
0x7a: {  	v15 =	vadd.f32 v54, v15;
	v59 =	vmul.f32 v61, v51;
	v61 =	vbroadcast v3, $0x9;
	v54 =	vld [tilespmem:$0x1FFC0]  }
0x7b: {  	v52 =	vbroadcast v2, $0x1;
	v14 =	vadd.f32 v56, v14;
	v56 =	vmul.f32 v49, v51;
	v49 =	vld [tilespmem:$0x6910]  }
0x7c: {  	v18 =	vadd.f32 v55, v18;
	v1 =	vadd.f32 v57, v1;
	v57 =	vmul.f32 v48, v61;
	v48 =	vld [tilespmem:$0x6920]  }
0x7d: {  	v15 =	vadd.f32 v50, v15;
	v45 =	vmul.f32 v45, v61;
	v50 =	vld [tilespmem:$0x6990];
	v55 =	vbroadcast v3, $0xE  }
0x7e: {  	v51 =	vld [tilespmem:$0x69C0];
	v18 =	vadd.f32 v58, v18;
	v14 =	vadd.f32 v59, v14;
	v58 =	vmul.f32 v47, v61  }
0x7f: {  	v1 =	vadd.f32 v60, v1;
	v59 =	vbroadcast v3, $0xA;
	v47 =	vld [tilespmem:$0x6930];
	v60 =	vmul.f32 v41, v61  }
0x80: {  	v15 =	vadd.f32 v56, v15;
	v41 =	vld [tilespmem:$0x6940];
	v8 =	vmul.f32 v8, v55;
	v12 =	vmul.f32 v12, v55  }
0x81: {  	v13 =	vmul.f32 v13, v55;
	v18 =	vadd.f32 v57, v18;
	v61 =	vmul.f32 v42, v59;
	v42 =	vld [tilespmem:$0x6950]  }
0x82: {  	v14 =	vadd.f32 v58, v14;
	v56 =	vmul.f32 v40, v59;
	v57 =	vbroadcast v3, $0xB;
	v40 =	vld [tilespmem:$0x6960]  }
0x83: {  	v43 =	vmul.f32 v43, v59;
	v1 =	vadd.f32 v60, v1;
	v58 =	vmul.f32 v33, v59;
	v33 =	vld [tilespmem:$0x6970]  }
0x84: {  	v15 =	vadd.f32 v45, v15;
	v60 =	vbroadcast v3, $0xC;
	v59 =	vmul.f32 v30, v57;
	v30 =	vld [tilespmem:$0x6980]  }
0x85: {  	v14 =	vadd.f32 v43, v14;
	v26 =	vmul.f32 v26, v57;
	v21 =	vmul.f32 v21, v57;
	v43 =	vld [tilespmem:$0x69A0]  }
0x86: {  	v1 =	vadd.f32 v56, v1;
	v22 =	vmul.f32 v22, v57;
	v16 =	vmul.f32 v16, v60;
	v56 =	vld [tilespmem:$0x1FFD0]  }
0x87: {  	v18 =	vadd.f32 v61, v18;
	v57 =	vmul.f32 v10, v55;
	v55 =	vmul.f32 v25, v52;
	v25 =	vld [tilespmem:$0x6AC0]  }
0x88: {  	v15 =	vadd.f32 v58, v15;
	v19 =	vmul.f32 v19, v60;
	v17 =	vmul.f32 v17, v60;
	v10 =	vld [tilespmem:$0x6C70]  }
0x89: {  	v61 =	vbroadcast v3, $0xD;
	v3 =	vbroadcast v3, $0xF;
	v14 =	vadd.f32 v26, v14;
	v26 =	vld [tilespmem:$0x69B0]  }
0x8a: {  	v9 =	vmul.f32 v9, v60;
	v18 =	vadd.f32 v59, v18;
	v15 =	vadd.f32 v22, v15;
	v22 =	vld [tilespmem:$0x69F0]  }
0x8b: {  	v1 =	vadd.f32 v21, v1;
	v21 =	vld [tilespmem:$0x6A00];
	v11 =	vmul.f32 v11, v3;
	v5 =	vmul.f32 v5, v3  }
0x8c: {  	v60 =	vmul.f32 v63, v3;
	v0 =	vmul.f32 v0, v3;
	v3 =	vld [tilespmem:$0x6A60]  }
0x8d: {  	v7 =	vmul.f32 v7, v61;
	v59 =	vbroadcast v2, $0x0;
	v16 =	vadd.f32 v16, v18;
	v18 =	vld [tilespmem:$0x69D0]  }
0x8e: {  	v6 =	vmul.f32 v6, v61;
	v14 =	vadd.f32 v19, v14;
	v1 =	vadd.f32 v17, v1;
	v17 =	vld [tilespmem:$0x69E0]  }
0x8f: {  	v9 =	vadd.f32 v9, v15;
	v15 =	vmul.f32 v54, v61;
	v63 =	vmul.f32 v23, v59;
	v19 =	vld [tilespmem:$0x6A70]  }
0x90: {  	v45 =	vmul.f32 v27, v59;
	v23 =	vld [tilespmem:$0x6A80];
	v7 =	vadd.f32 v7, v16;
	v16 =	vmul.f32 v56, v61  }
0x91: {  	v54 =	vmul.f32 v24, v59;
	v24 =	vld [tilespmem:$0x6AB0];
	v14 =	vadd.f32 v15, v14;
	v6 =	vadd.f32 v6, v9  }
0x92: {  	v27 =	vld [tilespmem:$0x6B50];
	v61 =	vmul.f32 v20, v59;
	v1 =	vadd.f32 v16, v1;
	v7 =	vadd.f32 v8, v7  }
0x93: {  	v15 =	vld [tilespmem:$0x6A10];
	v56 =	vmul.f32 v28, v52;
	v58 =	vadd.f32 v12, v14;
	v6 =	vadd.f32 v57, v6  }
0x94: {  	v9 =	vld [tilespmem:$0x6A30];
	v57 =	vbroadcast v2, $0x2;
	v1 =	vadd.f32 v13, v1;
	v7 =	vadd.f32 v11, v7  }
0x95: {  	v20 =	vmul.f32 v31, v52;
	v28 =	vld [tilespmem:$0x6AD0];
	v5 =	vadd.f32 v5, v58;
	v0 =	vadd.f32 v0, v6  }
0x96: {  	v31 =	vld [tilespmem:$0x6AE0];
	v58 =	vmul.f32 v29, v52;
	v59 =	vmul.f32 v32, v57;
	v1 =	vadd.f32 v60, v1  }
0x97: {  	v16 =	vld [tilespmem:$0x6A20];
	v53 =	vadd.f32 v61, v7;
	v5 =	vadd.f32 v63, v5;
	v63 =	vbroadcast v2, $0x3  }
0x98: {  	v12 =	vld [tilespmem:$0x6A40];
	v0 =	vadd.f32 v54, v0;
	v60 =	vmul.f32 v34, v57;
	v61 =	vmul.f32 v37, v57  }
0x99: {  	v8 =	vld [tilespmem:$0x6A90];
	v37 =	vmul.f32 v35, v57;
	v1 =	vadd.f32 v45, v1;
	v45 =	vmul.f32 v36, v63  }
0x9a: {  	v14 =	vld [tilespmem:$0x6AF0];
	v6 =	vadd.f32 v55, v53;
	v52 =	vmul.f32 v38, v63;
	v53 =	vbroadcast v2, $0x4  }
0x9b: {  	v13 =	vld [tilespmem:$0x6A50];
	v5 =	vadd.f32 v56, v5;
	v54 =	vmul.f32 v39, v63;
	v29 =	vmul.f32 v44, v63  }
0x9c: {  	v11 =	vld [tilespmem:$0x6AA0];
	v0 =	vadd.f32 v20, v0;
	v63 =	vbroadcast v2, $0x6;
	v55 =	vmul.f32 v46, v53  }
0x9d: {  	v32 =	vld [tilespmem:$0x6B10];
	v1 =	vadd.f32 v58, v1;
	v56 =	vmul.f32 v49, v53;
	v57 =	vmul.f32 v48, v53  }
0x9e: {  	v34 =	vld [tilespmem:$0x6B20];
	v6 =	vadd.f32 v59, v6;
	v58 =	vbroadcast v2, $0x5;
	v59 =	vmul.f32 v47, v53  }
0x9f: {  	v35 =	vld [tilespmem:$0x6C00];
	v5 =	vadd.f32 v60, v5;
	v46 =	vmul.f32 v30, v63;
	v47 =	vmul.f32 v50, v63  }
0xa0: {  	v7 =	vld [tilespmem:$0x6D90];
	v0 =	vadd.f32 v37, v0;
	v48 =	vmul.f32 v43, v63;
	v49 =	vbroadcast v2, $0x7  }
0xa1: {  	v20 =	vld [tilespmem:$0x6B00];
	v50 =	vmul.f32 v26, v63;
	v1 =	vadd.f32 v61, v1;
	v60 =	vmul.f32 v41, v58  }
0xa2: {  	v36 =	vld [tilespmem:$0x6B30];
	v6 =	vadd.f32 v45, v6;
	v61 =	vmul.f32 v42, v58;
	v45 =	vmul.f32 v40, v58  }
0xa3: {  	v38 =	vld [tilespmem:$0x6B40];
	v5 =	vadd.f32 v52, v5;
	v33 =	vmul.f32 v33, v58;
	v52 =	vmul.f32 v51, v49  }
0xa4: {  	v39 =	vld [tilespmem:$0x6B70];
	v0 =	vadd.f32 v29, v0;
	v53 =	vmul.f32 v18, v49;
	v41 =	vbroadcast v2, $0xA  }
0xa5: {  	v37 =	vld [tilespmem:$0x6B80];
	v1 =	vadd.f32 v54, v1;
	v6 =	vadd.f32 v55, v6;
	v54 =	vbroadcast v2, $0x8  }
0xa6: {  	v26 =	vld [tilespmem:$0x6BB0];
	v5 =	vadd.f32 v56, v5;
	v55 =	vmul.f32 v17, v49;
	v56 =	vmul.f32 v22, v49  }
0xa7: {  	v30 =	vld [tilespmem:$0x6BC0];
	v0 =	vadd.f32 v59, v0;
	v59 =	vbroadcast v2, $0x9;
	v44 =	vmul.f32 v23, v41  }
0xa8: {  	v29 =	vld [tilespmem:$0x6B60];
	v8 =	vmul.f32 v8, v41;
	v1 =	vadd.f32 v57, v1;
	v57 =	vmul.f32 v21, v54  }
0xa9: {  	v40 =	vld [tilespmem:$0x6B90];
	v6 =	vadd.f32 v60, v6;
	v15 =	vmul.f32 v15, v54;
	v58 =	vmul.f32 v16, v54  }
0xaa: {  	v42 =	vld [tilespmem:$0x6BA0];
	v5 =	vadd.f32 v61, v5;
	v60 =	vmul.f32 v9, v54;
	v61 =	vmul.f32 v12, v59  }
0xab: {  	v18 =	vld [tilespmem:$0x6C60];
	v0 =	vadd.f32 v33, v0;
	v63 =	vmul.f32 v13, v59;
	v3 =	vmul.f32 v3, v59  }
0xac: {  	v22 =	vld [tilespmem:$0x6BE0];
	v43 =	vmul.f32 v19, v59;
	v59 =	vbroadcast v2, $0xE;
	v1 =	vadd.f32 v45, v1  }
0xad: {  	v17 =	vld [tilespmem:$0x6C50];
	v6 =	vadd.f32 v46, v6;
	v5 =	vadd.f32 v47, v5;
	v46 =	vbroadcast v2, $0xB  }
0xae: {  	v23 =	vld [tilespmem:$0x6CB0];
	v0 =	vadd.f32 v50, v0;
	v45 =	vmul.f32 v11, v41;
	v47 =	vmul.f32 v24, v41  }
0xaf: {  	v33 =	vld [tilespmem:$0x6BD0];
	v50 =	vbroadcast v2, $0xC;
	v1 =	vadd.f32 v48, v1;
	v48 =	vmul.f32 v25, v46  }
0xb0: {  	v21 =	vld [tilespmem:$0x6BF0];
	v49 =	vmul.f32 v28, v46;
	v51 =	vmul.f32 v31, v46  }
0xb1: {  	v9 =	vld [tilespmem:$0x6C10];
	v6 =	vadd.f32 v52, v6;
	v11 =	vmul.f32 v14, v46;
	v52 =	vmul.f32 v20, v50  }
0xb2: {  	v12 =	vld [tilespmem:$0x6C20];
	v5 =	vadd.f32 v53, v5;
	v53 =	vmul.f32 v32, v50;
	v54 =	vmul.f32 v34, v50  }
0xb3: {  	v16 =	vld [tilespmem:$0x6C40];
	v0 =	vadd.f32 v56, v0;
	v56 =	vmul.f32 v36, v50;
	v36 =	vmul.f32 v42, v59  }
0xb4: {  	v19 =	vld [tilespmem:$0x6C90];
	v42 =	vbroadcast v4, $0x0;
	v46 =	vbroadcast v4, $0x1  }
0xb5: {  	v13 =	vld [tilespmem:$0x6CE0];
	v1 =	vadd.f32 v55, v1;
	v6 =	vadd.f32 v57, v6;
	v55 =	vbroadcast v2, $0xD  }
0xb6: {  	v14 =	vld [tilespmem:$0x6CA0];
	v5 =	vadd.f32 v15, v5;
	v2 =	vbroadcast v2, $0xF;
	v9 =	vmul.f32 v9, v42  }
0xb7: {  	v25 =	vld [tilespmem:$0x6CC0];
	v0 =	vadd.f32 v60, v0;
	v50 =	vmul.f32 v17, v46;
	v10 =	vmul.f32 v10, v46  }
0xb8: {  	v28 =	vld [tilespmem:$0x6D00];
	v1 =	vadd.f32 v58, v1;
	v57 =	vmul.f32 v38, v55;
	v58 =	vmul.f32 v27, v55  }
0xb9: {  	v31 =	vld [tilespmem:$0x6D10];
	v6 =	vadd.f32 v61, v6;
	v60 =	vmul.f32 v29, v55;
	v24 =	vmul.f32 v39, v55  }
0xba: {  	v32 =	vld [tilespmem:$0x6F00];
	v5 =	vadd.f32 v63, v5;
	v61 =	vmul.f32 v37, v59;
	v63 =	vmul.f32 v40, v59  }
0xbb: {  	v15 =	vld [tilespmem:$0x6C30];
	v0 =	vadd.f32 v43, v0;
	v38 =	vmul.f32 v26, v59;
	v40 =	vmul.f32 v30, v2  }
0xbc: {  	v17 =	vld [tilespmem:$0x6DD0];
	v41 =	vmul.f32 v33, v2;
	v1 =	vadd.f32 v3, v1;
	v6 =	vadd.f32 v44, v6  }
0xbd: {  	v27 =	vld [tilespmem:$0x6CF0];
	v43 =	vmul.f32 v22, v2;
	v5 =	vadd.f32 v8, v5;
	v0 =	vadd.f32 v47, v0  }
0xbe: {  	v37 =	vld [tilespmem:$0x6D20];
	v2 =	vmul.f32 v21, v2;
	v1 =	vadd.f32 v45, v1;
	v3 =	vadd.f32 v48, v6  }
0xbf: {  	v8 =	vld [tilespmem:$0x6C80];
	v44 =	vmul.f32 v35, v42;
	v5 =	vadd.f32 v49, v5;
	v0 =	vadd.f32 v11, v0  }
0xc0: {  	v39 =	vld [tilespmem:$0x6D30];
	v45 =	vmul.f32 v12, v42;
	v48 =	vmul.f32 v15, v42;
	v1 =	vadd.f32 v51, v1  }
0xc1: {  	v11 =	vld [tilespmem:$0x6CD0];
	v49 =	vmul.f32 v16, v46;
	v3 =	vadd.f32 v52, v3;
	v5 =	vadd.f32 v53, v5  }
0xc2: {  	v29 =	vld [tilespmem:$0x6D50];
	v0 =	vadd.f32 v56, v0;
	v51 =	vbroadcast v4, $0x2;
	v52 =	vmul.f32 v18, v46  }
0xc3: {  	v21 =	vld [tilespmem:$0x6D60];
	v56 =	vbroadcast v4, $0x3;
	v1 =	vadd.f32 v54, v1;
	v3 =	vadd.f32 v57, v3  }
0xc4: {  	v22 =	vld [tilespmem:$0x6D70];
	v5 =	vadd.f32 v58, v5;
	v53 =	vmul.f32 v8, v51;
	v54 =	vmul.f32 v19, v51  }
0xc5: {  	v30 =	vld [tilespmem:$0x6D80];
	v0 =	vadd.f32 v24, v0;
	v55 =	vmul.f32 v14, v51;
	v57 =	vmul.f32 v23, v51  }
0xc6: {  	v35 =	vld [tilespmem:$0x6E30];
	v58 =	vmul.f32 v25, v56;
	v59 =	vmul.f32 v11, v56;
	v1 =	vadd.f32 v60, v1  }
0xc7: {  	v16 =	vld [tilespmem:$0x6DB0];
	v3 =	vadd.f32 v61, v3;
	v5 =	vadd.f32 v63, v5;
	v60 =	vbroadcast v4, $0x4  }
0xc8: {  	v24 =	vld [tilespmem:$0x6D40];
	v0 =	vadd.f32 v38, v0;
	v61 =	vmul.f32 v13, v56;
	v63 =	vmul.f32 v27, v56  }
0xc9: {  	v12 =	vld [tilespmem:$0x6DC0];
	v1 =	vadd.f32 v36, v1;
	v3 =	vadd.f32 v40, v3;
	v33 =	vmul.f32 v28, v60  }
0xca: {  	v15 =	vld [tilespmem:$0x6E10];
	v5 =	vadd.f32 v41, v5;
	v34 =	vmul.f32 v31, v60;
	v36 =	vmul.f32 v37, v60  }
0xcb: {  	v42 =	vld [tilespmem:$0x6E60];
	v0 =	vadd.f32 v2, v0;
	v37 =	vbroadcast v4, $0x5;
	v39 =	vmul.f32 v39, v60  }
0xcc: {  	v40 =	vld [tilespmem:$0x6E50];
	v31 =	vbroadcast v4, $0x9;
	v1 =	vadd.f32 v43, v1;
	v47 =	vadd.f32 v44, v3  }
0xcd: {  	v18 =	vld [tilespmem:$0x6DE0];
	v5 =	vadd.f32 v9, v5;
	v0 =	vadd.f32 v48, v0;
	v41 =	vmul.f32 v24, v37  }
0xce: {  	v8 =	vld [tilespmem:$0x6E00];
	v43 =	vmul.f32 v29, v37;
	v44 =	vbroadcast v4, $0x6;
	v1 =	vadd.f32 v45, v1  }
0xcf: {  	v9 =	vld [tilespmem:$0x6DA0];
	v46 =	vmul.f32 v21, v37;
	v2 =	vadd.f32 v49, v47;
	v3 =	vadd.f32 v50, v5  }
0xd0: {  	v14 =	vld [tilespmem:$0x6E20];
	v0 =	vadd.f32 v10, v0;
	v47 =	vmul.f32 v22, v37;
	v49 =	vmul.f32 v30, v44  }
0xd1: {  	v10 =	vld [tilespmem:$0x6DF0];
	v7 =	vmul.f32 v7, v44;
	v37 =	vmul.f32 v40, v31;
	v1 =	vadd.f32 v52, v1  }
0xd2: {  	v38 =	vld [tilespmem:$0x6E40];
	v40 =	vmul.f32 v42, v31;
	v2 =	vadd.f32 v53, v2;
	v3 =	vadd.f32 v54, v3  }
0xd3: {  	v60 =	vld [tilespmem:$0x6ED0];
	v0 =	vadd.f32 v57, v0;
	v52 =	vbroadcast v4, $0x7;
	v54 =	vmul.f32 v16, v44  }
0xd4: {  	v48 =	vld [tilespmem:$0x6E80];
	v51 =	vmul.f32 v9, v44;
	v1 =	vadd.f32 v55, v1;
	v2 =	vadd.f32 v58, v2  }
0xd5: {  	v29 =	vld [tilespmem:$0x6EF0];
	v3 =	vadd.f32 v59, v3;
	v56 =	vmul.f32 v12, v52;
	v58 =	vmul.f32 v17, v52  }
0xd6: {  	v45 =	vld [tilespmem:$0x6E70];
	v0 =	vadd.f32 v63, v0;
	v59 =	vbroadcast v4, $0x8;
	v9 =	vmul.f32 v10, v52  }
0xd7: {  	v50 =	vld [tilespmem:$0x6E90];
	v1 =	vadd.f32 v61, v1;
	v2 =	vadd.f32 v33, v2;
	v61 =	vmul.f32 v18, v52  }
0xd8: {  	v53 =	vld [tilespmem:$0x6EA0];
	v3 =	vadd.f32 v34, v3;
	v27 =	vmul.f32 v8, v59;
	v28 =	vmul.f32 v15, v59  }
0xd9: {  	v55 =	vld [tilespmem:$0x6EB0];
	v0 =	vadd.f32 v39, v0;
	v30 =	vmul.f32 v14, v59;
	v33 =	vmul.f32 v35, v59  }
0xda: {  	v57 =	vld [tilespmem:$0x6EC0];
	v35 =	vmul.f32 v38, v31;
	v38 =	vbroadcast v4, $0xA;
	v1 =	vadd.f32 v36, v1  }
0xdb: {  	v63 =	vld [tilespmem:$0x6EE0];
	v2 =	vadd.f32 v41, v2;
	v3 =	vadd.f32 v43, v3;
	v41 =	vmul.f32 v45, v31  }
0xdc: {  	v42 =	vld [tilespmem:$0x6F40];
	v0 =	vadd.f32 v47, v0;
	v43 =	vmul.f32 v48, v38;
	v44 =	vmul.f32 v50, v38  }
0xdd: {  	v34 =	vld [tilespmem:$0x6F10];
	v47 =	vbroadcast v4, $0xB;
	v1 =	vadd.f32 v46, v1;
	v2 =	vadd.f32 v49, v2  }
0xde: {  	v39 =	vld [tilespmem:$0x6F30];
	v0 =	vadd.f32 v54, v0;
	v46 =	vmul.f32 v53, v38;
	v49 =	vmul.f32 v55, v38  }
0xdf: {  	v36 =	vld [tilespmem:$0x6F20];
	v53 =	vmul.f32 v60, v47;
	v54 =	vbroadcast v4, $0xC;
	v1 =	vadd.f32 v51, v1  }
0xe0: {  	v45 =	vld [tilespmem:$0x6F50];
	v2 =	vadd.f32 v56, v2;
	v51 =	vmul.f32 v57, v47;
	v56 =	vmul.f32 v63, v47  }
0xe1: {  	v50 =	vld [tilespmem:$0x6F70];
	v3 =	vadd.f32 v7, v3;
	v57 =	vmul.f32 v29, v47;
	v59 =	vmul.f32 v32, v54  }
0xe2: {  	v0 =	vadd.f32 v9, v0;
	v9 =	vmul.f32 v34, v54;
	v63 =	vbroadcast v4, $0xD  }
0xe3: {  	v52 =	vld [tilespmem:$0x6F80];
	v3 =	vadd.f32 v58, v3;
	v23 =	vmul.f32 v39, v54;
	v47 =	vbroadcast v62, $0x1  }
0xe4: {  	v48 =	vld [tilespmem:$0x6F60];
	v1 =	vadd.f32 v61, v1;
	v2 =	vadd.f32 v27, v2;
	v61 =	vmul.f32 v36, v54  }
0xe5: {  	v55 =	vld [tilespmem:$0x6F90];
	v3 =	vadd.f32 v28, v3;
	v25 =	vmul.f32 v42, v63;
	v27 =	vmul.f32 v45, v63  }
0xe6: {  	v60 =	vld [tilespmem:$0x6FB0];
	v0 =	vadd.f32 v33, v0;
	v28 =	vbroadcast v4, $0xE;
	v8 =	vmul.f32 v50, v63  }
0xe7: {  	v21 =	vld [tilespmem:$0x6FC0];
	v4 =	vbroadcast v4, $0xF;
	v1 =	vadd.f32 v30, v1;
	v2 =	vadd.f32 v35, v2  }
0xe8: {  	v24 =	vld [tilespmem:$0x6FD0];
	v42 =	vbroadcast v62, $0x0;
	v3 =	vadd.f32 v37, v3;
	v0 =	vadd.f32 v41, v0  }
0xe9: {  	v58 =	vld [tilespmem:$0x6FA0];
	v30 =	vmul.f32 v48, v63;
	v32 =	vmul.f32 v52, v28;
	v2 =	vadd.f32 v43, v2  }
0xea: {  	v26 =	vld [tilespmem:$0x6FE0];
	v33 =	vmul.f32 v55, v28;
	v1 =	vadd.f32 v40, v1;
	v3 =	vadd.f32 v44, v3  }
0xeb: {  	v29 =	vld [tilespmem:$0x6FF0];
	v37 =	vmul.f32 v60, v28;
	v0 =	vadd.f32 v49, v0;
	v2 =	vadd.f32 v51, v2  }
0xec: {  	v34 =	vld [tilespmem:$0x7010];
	v39 =	vmul.f32 v21, v4;
	v1 =	vadd.f32 v46, v1;
	v3 =	vadd.f32 v53, v3  }
0xed: {  	v36 =	vld [tilespmem:$0x7020];
	v41 =	vmul.f32 v24, v4;
	v0 =	vadd.f32 v57, v0;
	v2 =	vadd.f32 v59, v2  }
0xee: {  	v31 =	vld [tilespmem:$0x7000];
	v35 =	vmul.f32 v58, v28;
	v1 =	vadd.f32 v56, v1;
	v3 =	vadd.f32 v9, v3  }
0xef: {  	v38 =	vld [tilespmem:$0x7030];
	v44 =	vmul.f32 v26, v4;
	v0 =	vadd.f32 v23, v0;
	v2 =	vadd.f32 v25, v2  }
0xf0: {  	v40 =	vld [tilespmem:$0x7040];
	v4 =	vmul.f32 v29, v4;
	v1 =	vadd.f32 v61, v1;
	v3 =	vadd.f32 v27, v3  }
0xf1: {  	v43 =	vld [tilespmem:$0x7050];
	v49 =	vmul.f32 v34, v42;
	v0 =	vadd.f32 v8, v0;
	v2 =	vadd.f32 v32, v2  }
0xf2: {  	v48 =	vld [tilespmem:$0x7070];
	v50 =	vmul.f32 v36, v42;
	v1 =	vadd.f32 v30, v1;
	v3 =	vadd.f32 v33, v3  }
0xf3: {  	v45 =	vld [tilespmem:$0x7060];
	v46 =	vmul.f32 v31, v42;
	v0 =	vadd.f32 v37, v0;
	v2 =	vadd.f32 v39, v2  }
0xf4: {  	v53 =	vmul.f32 v38, v42;
	v1 =	vadd.f32 v35, v1;
	v3 =	vadd.f32 v41, v3  }
0xf5: {  	v52 =	vld [tilespmem:s21+$0x5432];
	v51 =	vmul.f32 v40, v47;
	v0 =	vadd.f32 v4, v0;
	v2 =	vadd.f32 v46, v2  }
0xf6: {  	v55 =	vld [tilespmem:s21+$0x5442];
	v54 =	vmul.f32 v43, v47;
	v1 =	vadd.f32 v44, v1;
	v3 =	vadd.f32 v49, v3  }
0xf7: {  	v57 =	vld [tilespmem:s21+$0x5452];
	v58 =	vmul.f32 v48, v47;
	v0 =	vadd.f32 v53, v0;
	v2 =	vadd.f32 v51, v2  }
0xf8: {  	v56 =	vmul.f32 v45, v47;
	v59 =	vld [tilespmem:s21+$0x5462];
	v1 =	vadd.f32 v50, v1;
	v3 =	vadd.f32 v54, v3  }
0xf9: {  	v0 =	vadd.f32 v58, v0;
	[tilespmem:s21+$0x7D00] =	vst v2  }
0xfa: {  	v1 =	vadd.f32 v56, v1;
	[tilespmem:s21+$0x7D10] =	vst v3  }
0xfb: {  	[tilespmem:s21+$0x7D30] =	vst v0  }
0xfc: {  	[tilespmem:s21+$0x7D20] =	vst v1  }
0xfd: {  	v0 =	vld.idx.msk [tilespmem:v52+s2+$0x0], $0xffff  }
0xfe: {  	v1 =	vld.idx.msk [tilespmem:v55+s2+$0x0], $0xffff  }
0xff: {  	v2 =	vld.idx.msk [tilespmem:v57+s2+$0x0], $0xffff  }
0x100: {  	v3 =	vld.idx.msk [tilespmem:v59+s2+$0x0], $0xffff  }
0x101: {  	v4 =	vld [tilespmem:$0x7080]  }
0x102: {  	v11 =	vld [tilespmem:$0x7090]  }
0x103: {  	v10 =	vld [tilespmem:$0x70A0]  }
0x104: {  	vm1 =	veq.s32 v52, $0x0;
	vm2 =	veq.s32 v55, $0x0;
	v13 =	vld [tilespmem:$0x70B0]  }
0x105: {  	v12 =	vld [tilespmem:$0x70C0];
	v0 =	vsel vm1, $0x0, v0;
	v1 =	vsel vm2, $0x0, v1  }
0x106: {  	v15 =	vld [tilespmem:$0x70D0];
	vm1 =	veq.s32 v57, $0x0;
	v60 =	vadd.f32 v1, v0  }
0x107: {  	v18 =	vld [tilespmem:$0x70E0];
	v14 =	vsel vm1, $0x0, v2;
	vm1 =	veq.s32 v59, $0x0  }
0x108: {  	v20 =	vld [tilespmem:$0x70F0];
	v61 =	vsel vm1, $0x0, v3;
	v62 =	vadd.f32 v14, v60  }
0x109: {  	v23 =	vld [tilespmem:$0x7100];
	v8 =	vnsel vm0, $0x0, v61  }
0x10a: {  	v24 =	vld [tilespmem:$0x7110];
	v2 =	vadd.f32 v8, v62  }
0x10b: {  	v25 =	vld [tilespmem:$0x7120]  }
0x10c: {  	v27 =	vld [tilespmem:$0x7130];
	(xrf2) =	vadd.scan.msk.f32 $0xffff, v2  }
0x10d: {  	v28 =	vld [tilespmem:$0x7140]  }
0x10e: {  	v29 =	vld [tilespmem:$0x7150]  }
0x10f: {  	v31 =	vld [tilespmem:$0x7160]  }
0x110: {  	v32 =	vld [tilespmem:$0x7170]  }
0x111: {  	v34 =	vld [tilespmem:$0x7180]  }
0x112: {  	v35 =	vld [tilespmem:$0x7190]  }
0x113: {  	v36 =	vld [tilespmem:$0x71A0]  }
0x114: {  	v37 =	vld [tilespmem:$0x71B0]  }
0x115: {  	v38 =	vld [tilespmem:$0x71C0]  }
0x116: {  	v39 =	vld [tilespmem:$0x71D0];
	v2, _, _ =	vpop (xrf2)  }
0x117: {  	v44 =	vld [tilespmem:$0x71E0];
	(v2sf) =	vpush v2, $0xF  }
0x118: {  	v50 =	vld [tilespmem:$0x71F0]  }
0x119: {  	v51 =	vld [tilespmem:$0x7200]  }
0x11a: {  	v52 =	vld [tilespmem:$0x7210]  }
0x11b: {  	v53 =	vld [tilespmem:$0x7220]  }
0x11c: {  	v54 =	vld [tilespmem:$0x7230]  }
0x11d: {  	v55 =	vld [tilespmem:$0x7240]  }
0x11e: {  	v56 =	vld [tilespmem:$0x7250]  }
0x11f: {  	v58 =	vld [tilespmem:$0x7270]  }
0x120: {  	v46 =	vld [tilespmem:$0x72A0]  }
0x121: {  	v49 =	vld [tilespmem:$0x72B0]  }
0x122: {  	v48 =	vld [tilespmem:$0x72C0]  }
0x123: {  	v47 =	vld [tilespmem:$0x72D0]  }
0x124: {  	v41 =	vld [tilespmem:$0x72E0]  }
0x125: {  	v45 =	vld [tilespmem:$0x72F0]  }
0x126: {  	v42 =	vld [tilespmem:$0x7300];
	s31 =	spop (v2sf)  }
0x127: {  	v43 =	vld [tilespmem:$0x7310];
	s22 =	sadd.f32 $9.999999930e-09, s31  }
0x128: {  	v40 =	vld [tilespmem:$0x7320]  }
0x129: {  	v33 =	vld [tilespmem:$0x7330];
	v63 =	vmov s22  }
0x12a: {  	v30 =	vld [tilespmem:$0x7340];
	(erf) = vrcp.f32 v63  }
0x12b: {  	v26 =	vld [tilespmem:$0x7350]  }
0x12c: {  	v21 =	vld [tilespmem:$0x7360]  }
0x12d: {  	v22 =	vld [tilespmem:$0x7370]  }
0x12e: {  	v16 =	vld [tilespmem:$0x7380]  }
0x12f: {  	v19 =	vld [tilespmem:$0x7390]  }
0x130: {  	v17 =	vld [tilespmem:$0x73A0]  }
0x131: {  	v6 =	vld [tilespmem:$0x73E0]  }
0x132: {  	v9 =	vld [tilespmem:$0x73B0]  }
0x133: {  	v7 =	vld [tilespmem:$0x73C0];
	v61 =	vpop (erf)  }
0x134: {  	v5 =	vld [tilespmem:$0x73D0];
	v3 =	vmul.f32 v61, v0  }
0x135: {  	v57 =	vld [tilespmem:$0x7260]  }
0x136: {  	[tilespmem:$0x1FFF0] =	vst v6;
	v6 =	vld [tilespmem:$0x73F0];
	v62 =	vbroadcast v3, $0x0  }
0x137: {  	v59 =	vld [tilespmem:$0x7280];
	v2 =	vmul.f32 v61, v1;
	v0 =	vbroadcast v3, $0x1  }
0x138: {  	v60 =	vld [tilespmem:$0x7290];
	v63 =	vmul.f32 v62, v4;
	v11 =	vmul.f32 v62, v11  }
0x139: {  	v4 =	vmul.f32 v61, v14;
	v61 =	vmul.f32 v61, v8;
	v8 =	vld [tilespmem:$0x7400]  }
0x13a: {  	[tilespmem:$0x1FFE0] =	vst v5;
	v5 =	vmul.f32 v0, v12;
	v15 =	vmul.f32 v0, v15;
	v12 =	vld [tilespmem:$0x7410]  }
0x13b: {  	v10 =	vmul.f32 v62, v10;
	v62 =	vmul.f32 v62, v13;
	v13 =	vld [tilespmem:$0x7420];
	v11 =	vadd.f32 $0.0e+00, v11  }
0x13c: {  	v18 =	vmul.f32 v0, v18;
	v20 =	vmul.f32 v0, v20;
	v1 =	vadd.f32 $0.0e+00, v63;
	v63 =	vld [tilespmem:$0x7430]  }
0x13d: {  	v0 =	vadd.f32 $0.0e+00, v62;
	v62 =	vld [tilespmem:$0x7460];
	v11 =	vadd.f32 v11, v15;
	v15 =	vbroadcast v3, $0x2  }
0x13e: {  	v14 =	vadd.f32 v1, v5;
	v1 =	vadd.f32 $0.0e+00, v10;
	v10 =	vld [tilespmem:$0x7440]  }
0x13f: {  	v5 =	vld [tilespmem:$0x7450];
	v0 =	vadd.f32 v0, v20;
	v23 =	vmul.f32 v15, v23;
	v24 =	vmul.f32 v15, v24  }
0x140: {  	v20 =	vld [tilespmem:$0x7480];
	v1 =	vadd.f32 v1, v18;
	v25 =	vmul.f32 v15, v25;
	v18 =	vbroadcast v3, $0x3  }
0x141: {  	v14 =	vadd.f32 v14, v23;
	v23 =	vmul.f32 v27, v15;
	v15 =	vld [tilespmem:$0x7470];
	v11 =	vadd.f32 v11, v24  }
0x142: {  	v1 =	vadd.f32 v1, v25;
	v24 =	vmul.f32 v28, v18;
	v28 =	vbroadcast v3, $0x4;
	v27 =	vld [tilespmem:$0x74A0]  }
0x143: {  	v25 =	vmul.f32 v29, v18;
	v29 =	vmul.f32 v31, v18;
	v0 =	vadd.f32 v0, v23;
	v23 =	vld [tilespmem:$0x7490]  }
0x144: {  	v18 =	vmul.f32 v32, v18;
	v14 =	vadd.f32 v14, v24;
	v31 =	vmul.f32 v34, v28;
	v24 =	vld [tilespmem:$0x74B0]  }
0x145: {  	v11 =	vadd.f32 v11, v25;
	v32 =	vmul.f32 v35, v28;
	v36 =	vmul.f32 v36, v28;
	v25 =	vld [tilespmem:$0x74C0]  }
0x146: {  	v34 =	vbroadcast v3, $0x5;
	v37 =	vmul.f32 v37, v28;
	v28 =	vld [tilespmem:$0x74D0]  }
0x147: {  	v1 =	vadd.f32 v29, v1;
	v29 =	vld [tilespmem:$0x74E0];
	v35 =	vbroadcast v3, $0x6;
	v0 =	vadd.f32 v18, v0  }
0x148: {  	v14 =	vadd.f32 v31, v14;
	v38 =	vmul.f32 v38, v34;
	v18 =	vmul.f32 v39, v34;
	v31 =	vld [tilespmem:$0x74F0]  }
0x149: {  	v11 =	vadd.f32 v32, v11;
	v44 =	vmul.f32 v44, v34;
	v50 =	vmul.f32 v50, v34;
	v32 =	vld [tilespmem:$0x7500]  }
0x14a: {  	v51 =	vmul.f32 v51, v35;
	v52 =	vmul.f32 v52, v35;
	v34 =	vld [tilespmem:$0x7510]  }
0x14b: {  	v1 =	vadd.f32 v36, v1;
	v53 =	vmul.f32 v53, v35;
	v54 =	vmul.f32 v54, v35;
	v35 =	vld [tilespmem:$0x7530]  }
0x14c: {  	v36 =	vld [tilespmem:$0x7540];
	v0 =	vadd.f32 v37, v0;
	v14 =	vadd.f32 v38, v14  }
0x14d: {  	v39 =	vld [tilespmem:$0x7560];
	v11 =	vadd.f32 v18, v11;
	v1 =	vadd.f32 v44, v1;
	v44 =	vbroadcast v3, $0x7  }
0x14e: {  	v37 =	vld [tilespmem:$0x7520];
	v0 =	vadd.f32 v50, v0;
	v14 =	vadd.f32 v51, v14  }
0x14f: {  	v38 =	vld [tilespmem:$0x7550];
	v11 =	vadd.f32 v52, v11;
	v55 =	vmul.f32 v55, v44;
	v56 =	vmul.f32 v56, v44  }
0x150: {  	v18 =	vld [tilespmem:$0x7770];
	v1 =	vadd.f32 v53, v1;
	v50 =	vbroadcast v3, $0x8;
	v57 =	vmul.f32 v57, v44  }
0x151: {  	v52 =	vmul.f32 v58, v44;
	v44 =	vld [tilespmem:$0x7570];
	v58 =	vbroadcast v3, $0x9;
	v14 =	vadd.f32 v55, v14  }
0x152: {  	v59 =	vmul.f32 v59, v50;
	v1 =	vadd.f32 v57, v1;
	v57 =	vmul.f32 v46, v50;
	v46 =	vld [tilespmem:$0x7580]  }
0x153: {  	v11 =	vadd.f32 v56, v11;
	v60 =	vmul.f32 v60, v50;
	v55 =	vmul.f32 v47, v58;
	v47 =	vld [tilespmem:$0x75B0]  }
0x154: {  	v14 =	vadd.f32 v59, v14;
	v59 =	vmul.f32 v49, v50;
	v49 =	vld [tilespmem:$0x7590]  }
0x155: {  	v56 =	vbroadcast v3, $0xA;
	v11 =	vadd.f32 v60, v11;
	v60 =	vmul.f32 v48, v58;
	v48 =	vld [tilespmem:$0x75A0]  }
0x156: {  	v0 =	vadd.f32 v54, v0;
	v1 =	vadd.f32 v57, v1;
	v57 =	vmul.f32 v41, v58;
	v41 =	vld [tilespmem:$0x75C0]  }
0x157: {  	v45 =	vmul.f32 v45, v58;
	v58 =	vmul.f32 v42, v56;
	v42 =	vld [tilespmem:$0x75D0]  }
0x158: {  	v0 =	vadd.f32 v52, v0;
	v53 =	vmul.f32 v33, v56;
	v33 =	vld [tilespmem:$0x75F0]  }
0x159: {  	v43 =	vmul.f32 v43, v56;
	v50 =	vld [tilespmem:$0x7640];
	v14 =	vadd.f32 v60, v14;
	v60 =	vbroadcast v3, $0xB  }
0x15a: {  	v0 =	vadd.f32 v59, v0;
	v11 =	vadd.f32 v55, v11;
	v59 =	vmul.f32 v40, v56;
	v40 =	vld [tilespmem:$0x75E0]  }
0x15b: {  	v1 =	vadd.f32 v57, v1;
	v56 =	vbroadcast v3, $0xC;
	v54 =	vmul.f32 v30, v60;
	v30 =	vld [tilespmem:$0x7600]  }
0x15c: {  	v0 =	vadd.f32 v45, v0;
	v55 =	vmul.f32 v26, v60;
	v45 =	vld [tilespmem:$0x7610];
	v21 =	vmul.f32 v21, v60  }
0x15d: {  	v11 =	vadd.f32 v43, v11;
	v22 =	vmul.f32 v22, v60;
	v43 =	vld [tilespmem:$0x7620];
	v16 =	vmul.f32 v16, v56  }
0x15e: {  	v14 =	vadd.f32 v58, v14;
	v57 =	vmul.f32 v19, v56;
	v19 =	vld [tilespmem:$0x7630];
	v17 =	vmul.f32 v17, v56  }
0x15f: {  	v1 =	vadd.f32 v59, v1;
	v58 =	vbroadcast v3, $0xD;
	v59 =	vld [tilespmem:$0x1FFE0];
	v60 =	vbroadcast v3, $0xE  }
0x160: {  	v9 =	vmul.f32 v9, v56;
	v26 =	vld [tilespmem:$0x1FFF0];
	v3 =	vbroadcast v3, $0xF  }
0x161: {  	v0 =	vadd.f32 v53, v0;
	v1 =	vadd.f32 v21, v1;
	v21 =	vld [tilespmem:$0x7680];
	v51 =	vmul.f32 v12, v60  }
0x162: {  	v14 =	vadd.f32 v54, v14;
	v12 =	vld [tilespmem:$0x7690];
	v10 =	vmul.f32 v10, v3;
	v5 =	vmul.f32 v5, v3  }
0x163: {  	v11 =	vadd.f32 v55, v11;
	v55 =	vmul.f32 v62, v3;
	v3 =	vmul.f32 v15, v3;
	v15 =	vld [tilespmem:$0x76E0]  }
0x164: {  	v7 =	vmul.f32 v7, v58;
	v6 =	vmul.f32 v6, v58;
	v14 =	vadd.f32 v16, v14;
	v16 =	vld [tilespmem:$0x7650]  }
0x165: {  	v54 =	vbroadcast v2, $0x0;
	v0 =	vadd.f32 v22, v0;
	v1 =	vadd.f32 v17, v1;
	v17 =	vld [tilespmem:$0x7660]  }
0x166: {  	v8 =	vmul.f32 v8, v60;
	v13 =	vmul.f32 v13, v60;
	v11 =	vadd.f32 v57, v11;
	v22 =	vld [tilespmem:$0x7670]  }
0x167: {  	v56 =	vmul.f32 v20, v54;
	v20 =	vld [tilespmem:$0x76F0];
	v62 =	vmul.f32 v24, v54;
	v0 =	vadd.f32 v9, v0  }
0x168: {  	v24 =	vld [tilespmem:$0x7730];
	v9 =	vmul.f32 v59, v58;
	v7 =	vadd.f32 v7, v14;
	v14 =	vmul.f32 v26, v58  }
0x169: {  	v53 =	vmul.f32 v63, v60;
	v58 =	vmul.f32 v27, v54;
	v26 =	vld [tilespmem:$0x7700]  }
0x16a: {  	v59 =	vbroadcast v2, $0x1;
	v27 =	vld [tilespmem:$0x77D0];
	v9 =	vadd.f32 v9, v11;
	v1 =	vadd.f32 v14, v1  }
0x16b: {  	v57 =	vmul.f32 v23, v54;
	v14 =	vld [tilespmem:$0x76A0];
	v0 =	vadd.f32 v6, v0;
	v52 =	vadd.f32 v8, v7  }
0x16c: {  	v8 =	vld [tilespmem:$0x76B0];
	v63 =	vmul.f32 v25, v59;
	v28 =	vmul.f32 v28, v59;
	v9 =	vadd.f32 v51, v9  }
0x16d: {  	v11 =	vld [tilespmem:$0x76C0];
	v23 =	vmul.f32 v31, v59;
	v1 =	vadd.f32 v13, v1;
	v0 =	vadd.f32 v53, v0  }
0x16e: {  	v7 =	vld [tilespmem:$0x7710];
	v6 =	vadd.f32 v10, v52;
	v51 =	vbroadcast v2, $0x2;
	v5 =	vadd.f32 v5, v9  }
0x16f: {  	v25 =	vld [tilespmem:$0x7740];
	v52 =	vmul.f32 v29, v59;
	v1 =	vadd.f32 v55, v1;
	v0 =	vadd.f32 v3, v0  }
0x170: {  	v31 =	vld [tilespmem:$0x7760];
	v60 =	vadd.f32 v56, v6;
	v53 =	vmul.f32 v32, v51;
	v56 =	vbroadcast v2, $0x3  }
0x171: {  	v13 =	vld [tilespmem:$0x76D0];
	v54 =	vmul.f32 v34, v51;
	v55 =	vmul.f32 v37, v51;
	v5 =	vadd.f32 v57, v5  }
0x172: {  	v10 =	vld [tilespmem:$0x7720];
	v1 =	vadd.f32 v58, v1;
	v57 =	vmul.f32 v35, v51;
	v58 =	vmul.f32 v36, v56  }
0x173: {  	v32 =	vld [tilespmem:$0x7790];
	v3 =	vadd.f32 v63, v60;
	v59 =	vmul.f32 v38, v56;
	v60 =	vbroadcast v2, $0x4  }
0x174: {  	v34 =	vld [tilespmem:$0x77A0];
	v0 =	vadd.f32 v62, v0;
	v62 =	vmul.f32 v39, v56;
	v29 =	vmul.f32 v44, v56  }
0x175: {  	v37 =	vld [tilespmem:$0x7800];
	v5 =	vadd.f32 v28, v5;
	v1 =	vadd.f32 v52, v1;
	v63 =	vmul.f32 v46, v60  }
0x176: {  	v9 =	vld [tilespmem:$0x7900];
	v0 =	vadd.f32 v23, v0;
	v46 =	vmul.f32 v48, v60;
	v48 =	vbroadcast v2, $0x5  }
0x177: {  	v6 =	vld [tilespmem:$0x7A10];
	v3 =	vadd.f32 v53, v3;
	v44 =	vmul.f32 v49, v60;
	v49 =	vmul.f32 v47, v60  }
0x178: {  	v36 =	vld [tilespmem:$0x77B0];
	v53 =	vbroadcast v2, $0x6;
	v5 =	vadd.f32 v54, v5;
	v51 =	vmul.f32 v41, v48  }
0x179: {  	v38 =	vld [tilespmem:$0x77C0];
	v1 =	vadd.f32 v55, v1;
	v52 =	vmul.f32 v42, v48;
	v54 =	vmul.f32 v40, v48  }
0x17a: {  	v39 =	vld [tilespmem:$0x77F0];
	v0 =	vadd.f32 v57, v0;
	v33 =	vmul.f32 v33, v48;
	v55 =	vmul.f32 v30, v53  }
0x17b: {  	v28 =	vld [tilespmem:$0x7750];
	v3 =	vadd.f32 v58, v3;
	v56 =	vmul.f32 v45, v53;
	v58 =	vbroadcast v2, $0x7  }
0x17c: {  	v23 =	vld [tilespmem:$0x7780];
	v57 =	vmul.f32 v43, v53;
	v45 =	vbroadcast v2, $0x9;
	v5 =	vadd.f32 v59, v5  }
0x17d: {  	v40 =	vld [tilespmem:$0x7810];
	v1 =	vadd.f32 v62, v1;
	v59 =	vmul.f32 v19, v53;
	v60 =	vmul.f32 v50, v58  }
0x17e: {  	v42 =	vld [tilespmem:$0x7820];
	v3 =	vadd.f32 v63, v3;
	v62 =	vmul.f32 v16, v58;
	v63 =	vbroadcast v2, $0x8  }
0x17f: {  	v30 =	vld [tilespmem:$0x7840];
	v35 =	vmul.f32 v17, v58;
	v41 =	vmul.f32 v22, v58  }
0x180: {  	v0 =	vadd.f32 v29, v0;
	v29 =	vld [tilespmem:$0x77E0];
	v47 =	vmul.f32 v11, v45;
	v48 =	vmul.f32 v13, v45  }
0x181: {  	v19 =	vld [tilespmem:$0x7830];
	v50 =	vmul.f32 v15, v45;
	v53 =	vbroadcast v2, $0xB;
	v5 =	vadd.f32 v44, v5  }
0x182: {  	v22 =	vld [tilespmem:$0x7860];
	v1 =	vadd.f32 v46, v1;
	v43 =	vmul.f32 v21, v63;
	v12 =	vmul.f32 v12, v63  }
0x183: {  	v11 =	vld [tilespmem:$0x78A0];
	v0 =	vadd.f32 v49, v0;
	v44 =	vmul.f32 v14, v63;
	v46 =	vmul.f32 v8, v63  }
0x184: {  	v13 =	vld [tilespmem:$0x78B0];
	v3 =	vadd.f32 v51, v3;
	v49 =	vbroadcast v2, $0xA;
	v14 =	vmul.f32 v20, v45  }
0x185: {  	v15 =	vld [tilespmem:$0x78C0];
	v58 =	vmul.f32 v31, v53;
	v63 =	vbroadcast v2, $0xD;
	v5 =	vadd.f32 v52, v5  }
0x186: {  	v16 =	vld [tilespmem:$0x78D0];
	v1 =	vadd.f32 v54, v1;
	v51 =	vmul.f32 v26, v49;
	v7 =	vmul.f32 v7, v49  }
0x187: {  	v17 =	vld [tilespmem:$0x78E0];
	v0 =	vadd.f32 v33, v0;
	v52 =	vmul.f32 v10, v49;
	v54 =	vmul.f32 v24, v49  }
0x188: {  	v21 =	vld [tilespmem:$0x7870];
	v3 =	vadd.f32 v55, v3;
	v55 =	vmul.f32 v25, v53;
	v10 =	vmul.f32 v18, v53  }
0x189: {  	v8 =	vld [tilespmem:$0x7890];
	v25 =	vmul.f32 v39, v63;
	v1 =	vadd.f32 v57, v1;
	v57 =	vbroadcast v2, $0xC  }
0x18a: {  	v20 =	vld [tilespmem:$0x7910];
	v5 =	vadd.f32 v56, v5;
	v0 =	vadd.f32 v59, v0;
	v56 =	vmul.f32 v28, v53  }
0x18b: {  	v33 =	vld [tilespmem:$0x7850];
	v3 =	vadd.f32 v60, v3;
	v59 =	vmul.f32 v23, v57;
	v60 =	vmul.f32 v32, v57  }
0x18c: {  	v18 =	vld [tilespmem:$0x7920];
	v5 =	vadd.f32 v62, v5;
	v62 =	vmul.f32 v34, v57;
	v31 =	vmul.f32 v36, v57  }
0x18d: {  	v24 =	vld [tilespmem:$0x7930];
	v1 =	vadd.f32 v35, v1;
	v32 =	vmul.f32 v38, v63;
	v34 =	vmul.f32 v27, v63  }
0x18e: {  	v26 =	vld [tilespmem:$0x7940];
	v0 =	vadd.f32 v41, v0;
	v36 =	vbroadcast v2, $0xE;
	v38 =	vmul.f32 v29, v63  }
0x18f: {  	v28 =	vld [tilespmem:$0x7980];
	v3 =	vadd.f32 v43, v3;
	v2 =	vbroadcast v2, $0xF;
	v57 =	vbroadcast v4, $0x2  }
0x190: {  	v35 =	vld [tilespmem:$0x7880];
	v63 =	vbroadcast v4, $0x3;
	v5 =	vadd.f32 v12, v5;
	v39 =	vmul.f32 v37, v36  }
0x191: {  	v27 =	vld [tilespmem:$0x7970];
	v1 =	vadd.f32 v44, v1;
	v40 =	vmul.f32 v40, v36;
	v43 =	vmul.f32 v42, v36  }
0x192: {  	v41 =	vld [tilespmem:$0x7990];
	v0 =	vadd.f32 v46, v0;
	v45 =	vmul.f32 v19, v36;
	v46 =	vmul.f32 v30, v2  }
0x193: {  	v23 =	vld [tilespmem:$0x79C0];
	v3 =	vadd.f32 v47, v3;
	v47 =	vmul.f32 v33, v2;
	v49 =	vmul.f32 v22, v2  }
0x194: {  	v29 =	vld [tilespmem:$0x79D0];
	v2 =	vmul.f32 v21, v2;
	v5 =	vadd.f32 v48, v5;
	v1 =	vadd.f32 v50, v1  }
0x195: {  	v12 =	vld [tilespmem:$0x78F0];
	v0 =	vadd.f32 v14, v0;
	v3 =	vadd.f32 v51, v3;
	v48 =	vbroadcast v4, $0x0  }
0x196: {  	v44 =	vld [tilespmem:$0x79A0];
	v33 =	vmul.f32 v26, v63;
	v5 =	vadd.f32 v7, v5;
	v1 =	vadd.f32 v52, v1  }
0x197: {  	v19 =	vld [tilespmem:$0x79B0];
	v0 =	vadd.f32 v54, v0;
	v50 =	vmul.f32 v35, v48;
	v8 =	vmul.f32 v8, v48  }
0x198: {  	v14 =	vld [tilespmem:$0x7960];
	v3 =	vadd.f32 v55, v3;
	v51 =	vmul.f32 v11, v48;
	v52 =	vbroadcast v4, $0x1  }
0x199: {  	v21 =	vld [tilespmem:$0x79E0];
	v54 =	vmul.f32 v13, v48;
	v35 =	vbroadcast v4, $0x4;
	v5 =	vadd.f32 v56, v5  }
0x19a: {  	v22 =	vld [tilespmem:$0x79F0];
	v1 =	vadd.f32 v58, v1;
	v55 =	vmul.f32 v15, v52;
	v56 =	vmul.f32 v16, v52  }
0x19b: {  	v30 =	vld [tilespmem:$0x7A00];
	v0 =	vadd.f32 v10, v0;
	v58 =	vmul.f32 v17, v52;
	v11 =	vmul.f32 v12, v52  }
0x19c: {  	v3 =	vadd.f32 v59, v3;
	v10 =	vld [tilespmem:$0x7950];
	v59 =	vmul.f32 v9, v57;
	v41 =	vmul.f32 v41, v35  }
0x19d: {  	v36 =	vld [tilespmem:$0x7A90];
	v37 =	vmul.f32 v14, v63;
	v5 =	vadd.f32 v60, v5;
	v1 =	vadd.f32 v62, v1  }
0x19e: {  	v42 =	vld [tilespmem:$0x7AB0];
	v0 =	vadd.f32 v31, v0;
	v3 =	vadd.f32 v32, v3;
	v60 =	vmul.f32 v20, v57  }
0x19f: {  	v15 =	vld [tilespmem:$0x7A30];
	v62 =	vmul.f32 v18, v57;
	v5 =	vadd.f32 v34, v5;
	v1 =	vadd.f32 v38, v1  }
0x1a0: {  	v12 =	vld [tilespmem:$0x7A40];
	v0 =	vadd.f32 v25, v0;
	v3 =	vadd.f32 v39, v3;
	v25 =	vmul.f32 v24, v57  }
0x1a1: {  	v16 =	vld [tilespmem:$0x7A50];
	v38 =	vmul.f32 v27, v63;
	v34 =	vmul.f32 v10, v63;
	v5 =	vadd.f32 v40, v5  }
0x1a2: {  	v9 =	vld [tilespmem:$0x7A80];
	v1 =	vadd.f32 v43, v1;
	v0 =	vadd.f32 v45, v0;
	v40 =	vmul.f32 v28, v35  }
0x1a3: {  	v52 =	vld [tilespmem:$0x7AF0];
	v3 =	vadd.f32 v46, v3;
	v43 =	vmul.f32 v44, v35;
	v44 =	vbroadcast v4, $0x5  }
0x1a4: {  	v18 =	vld [tilespmem:$0x7A60];
	v46 =	vmul.f32 v19, v35;
	v5 =	vadd.f32 v47, v5;
	v1 =	vadd.f32 v49, v1  }
0x1a5: {  	v31 =	vld [tilespmem:$0x7B50];
	v0 =	vadd.f32 v2, v0;
	v53 =	vadd.f32 v50, v3;
	v48 =	vmul.f32 v23, v44  }
0x1a6: {  	v39 =	vld [tilespmem:$0x7AA0];
	v50 =	vmul.f32 v29, v44;
	v5 =	vadd.f32 v8, v5;
	v1 =	vadd.f32 v51, v1  }
0x1a7: {  	v57 =	vld [tilespmem:$0x7B10];
	v0 =	vadd.f32 v54, v0;
	v2 =	vadd.f32 v55, v53;
	v51 =	vbroadcast v4, $0x6  }
0x1a8: {  	v63 =	vld [tilespmem:$0x7B30];
	v53 =	vmul.f32 v21, v44;
	v54 =	vmul.f32 v22, v44;
	v3 =	vadd.f32 v56, v5  }
0x1a9: {  	v8 =	vld [tilespmem:$0x7A20];
	v1 =	vadd.f32 v58, v1;
	v0 =	vadd.f32 v11, v0;
	v56 =	vmul.f32 v30, v51  }
0x1aa: {  	v45 =	vld [tilespmem:$0x7AC0];
	v2 =	vadd.f32 v59, v2;
	v6 =	vmul.f32 v6, v51;
	v59 =	vbroadcast v4, $0x7  }
0x1ab: {  	v28 =	vld [tilespmem:$0x7B40];
	v30 =	vbroadcast v4, $0x8;
	v3 =	vadd.f32 v60, v3;
	v1 =	vadd.f32 v62, v1  }
0x1ac: {  	v11 =	vld [tilespmem:$0x7A70];
	v0 =	vadd.f32 v25, v0;
	v62 =	vmul.f32 v15, v51;
	v27 =	vmul.f32 v12, v59  }
0x1ad: {  	v47 =	vld [tilespmem:$0x7AD0];
	v2 =	vadd.f32 v33, v2;
	v29 =	vmul.f32 v16, v59;
	v32 =	vmul.f32 v18, v59  }
0x1ae: {  	v49 =	vld [tilespmem:$0x7AE0];
	v35 =	vmul.f32 v36, v30;
	v58 =	vmul.f32 v8, v51;
	v3 =	vadd.f32 v34, v3  }
0x1af: {  	v55 =	vld [tilespmem:$0x7B00];
	v1 =	vadd.f32 v37, v1;
	v0 =	vadd.f32 v38, v0;
	v34 =	vmul.f32 v9, v30  }
0x1b0: {  	v60 =	vld [tilespmem:$0x7B20];
	v2 =	vadd.f32 v40, v2;
	v37 =	vmul.f32 v39, v30;
	v38 =	vbroadcast v4, $0x9  }
0x1b1: {  	v33 =	vld [tilespmem:$0x7B60];
	v40 =	vmul.f32 v42, v30;
	v8 =	vmul.f32 v11, v59;
	v3 =	vadd.f32 v41, v3  }
0x1b2: {  	v36 =	vld [tilespmem:$0x7B70];
	v1 =	vadd.f32 v43, v1;
	v0 =	vadd.f32 v46, v0;
	v42 =	vmul.f32 v45, v38  }
0x1b3: {  	v25 =	vld [tilespmem:$0x7C20];
	v2 =	vadd.f32 v48, v2;
	v44 =	vmul.f32 v47, v38;
	v45 =	vbroadcast v4, $0xA  }
0x1b4: {  	v39 =	vld [tilespmem:$0x7B80];
	v47 =	vmul.f32 v49, v38;
	v48 =	vmul.f32 v52, v38;
	v3 =	vadd.f32 v50, v3  }
0x1b5: {  	v41 =	vld [tilespmem:$0x7B90];
	v1 =	vadd.f32 v53, v1;
	v0 =	vadd.f32 v54, v0;
	v50 =	vmul.f32 v55, v45  }
0x1b6: {  	v43 =	vld [tilespmem:$0x7BA0];
	v2 =	vadd.f32 v56, v2;
	v51 =	vmul.f32 v57, v45;
	v54 =	vbroadcast v4, $0xB  }
0x1b7: {  	v46 =	vld [tilespmem:$0x7BB0];
	v53 =	vmul.f32 v60, v45;
	v56 =	vmul.f32 v63, v45;
	v3 =	vadd.f32 v6, v3  }
0x1b8: {  	v49 =	vld [tilespmem:$0x7BC0];
	v1 =	vadd.f32 v58, v1;
	v58 =	vmul.f32 v28, v54;
	v60 =	vmul.f32 v31, v54  }
0x1b9: {  	v52 =	vld [tilespmem:$0x7BD0];
	v0 =	vadd.f32 v62, v0;
	v62 =	vbroadcast v4, $0xC;
	v23 =	vmul.f32 v33, v54  }
0x1ba: {  	v63 =	vld [tilespmem:$0x7C10];
	v2 =	vadd.f32 v27, v2;
	v24 =	vmul.f32 v36, v54;
	v36 =	vbroadcast v4, $0xE  }
0x1bb: {  	v55 =	vld [tilespmem:$0x7BE0];
	v3 =	vadd.f32 v29, v3;
	v1 =	vadd.f32 v32, v1;
	v26 =	vmul.f32 v39, v62  }
0x1bc: {  	v57 =	vld [tilespmem:$0x7BF0];
	v0 =	vadd.f32 v8, v0;
	v8 =	vmul.f32 v41, v62;
	v28 =	vmul.f32 v43, v62  }
0x1bd: {  	v59 =	vld [tilespmem:$0x7C00];
	v2 =	vadd.f32 v34, v2;
	v29 =	vbroadcast v4, $0xD;
	v31 =	vmul.f32 v46, v62  }
0x1be: {  	v43 =	vmul.f32 v25, v36;
	v4 =	vbroadcast v4, $0xF;
	v3 =	vadd.f32 v35, v3  }
0x1bf: {  	v27 =	vld [tilespmem:$0x7C30];
	v41 =	vmul.f32 v63, v36;
	v1 =	vadd.f32 v37, v1;
	v0 =	vadd.f32 v40, v0  }
0x1c0: {  	v30 =	vld [tilespmem:$0x7C40];
	v2 =	vadd.f32 v42, v2;
	v33 =	vmul.f32 v49, v29;
	v35 =	vmul.f32 v52, v29  }
0x1c1: {  	v38 =	vmul.f32 v55, v29;
	v9 =	vmul.f32 v57, v29;
	v3 =	vadd.f32 v44, v3  }
0x1c2: {  	v32 =	vld [tilespmem:$0x7C50];
	v40 =	vmul.f32 v59, v36;
	v1 =	vadd.f32 v47, v1;
	v2 =	vadd.f32 v50, v2  }
0x1c3: {  	v34 =	vld [tilespmem:$0x7C60];
	v55 =	vbroadcast v61, $0x1;
	v0 =	vadd.f32 v48, v0;
	v3 =	vadd.f32 v51, v3  }
0x1c4: {  	v39 =	vld [tilespmem:$0x7C80];
	v45 =	vmul.f32 v27, v36;
	v1 =	vadd.f32 v53, v1;
	v2 =	vadd.f32 v58, v2  }
0x1c5: {  	v37 =	vld [tilespmem:$0x7C70];
	v47 =	vmul.f32 v30, v4;
	v0 =	vadd.f32 v56, v0;
	v3 =	vadd.f32 v60, v3  }
0x1c6: {  	v42 =	vld [tilespmem:$0x7C90];
	v50 =	vbroadcast v61, $0x0;
	v1 =	vadd.f32 v23, v1;
	v2 =	vadd.f32 v26, v2  }
0x1c7: {  	v46 =	vld [tilespmem:$0x7CB0];
	v49 =	vmul.f32 v32, v4;
	v0 =	vadd.f32 v24, v0;
	v3 =	vadd.f32 v8, v3  }
0x1c8: {  	v44 =	vld [tilespmem:$0x7CA0];
	v52 =	vmul.f32 v34, v4;
	v1 =	vadd.f32 v28, v1;
	v2 =	vadd.f32 v33, v2  }
0x1c9: {  	v48 =	vld [tilespmem:$0x7CC0];
	v54 =	vmul.f32 v39, v50;
	v0 =	vadd.f32 v31, v0;
	v3 =	vadd.f32 v35, v3  }
0x1ca: {  	v51 =	vld [tilespmem:$0x7CD0];
	v4 =	vmul.f32 v37, v4;
	v1 =	vadd.f32 v38, v1;
	v2 =	vadd.f32 v40, v2  }
0x1cb: {  	v53 =	vld [tilespmem:$0x7CE0];
	v57 =	vmul.f32 v42, v50;
	v0 =	vadd.f32 v9, v0;
	v3 =	vadd.f32 v41, v3  }
0x1cc: {  	v56 =	vld [tilespmem:$0x7CF0];
	v60 =	vmul.f32 v46, v50;
	v1 =	vadd.f32 v43, v1;
	v2 =	vadd.f32 v47, v2  }
0x1cd: {  	v58 =	vmul.f32 v44, v50;
	v0 =	vadd.f32 v45, v0;
	v3 =	vadd.f32 v49, v3  }
0x1ce: {  	v59 =	vmul.f32 v48, v55;
	v1 =	vadd.f32 v52, v1;
	v2 =	vadd.f32 v54, v2  }
0x1cf: {  	v61 =	vmul.f32 v51, v55;
	v0 =	vadd.f32 v4, v0;
	v3 =	vadd.f32 v57, v3  }
0x1d0: {  	p0 =	sne.s32 s18, $0x3E00;
	v62 =	vmul.f32 v53, v55;
	v1 =	vadd.f32 v58, v1;
	v2 =	vadd.f32 v59, v2  }
.Ltmp0:
0x1d1: {  	v63 =	vmul.f32 v56, v55;
	v0 =	vadd.f32 v60, v0;
	v3 =	vadd.f32 v61, v3;
	(pc) =	sbr.rel @p0 .LBB2_3-.Ltmp0, $4  }
0x1d2: {  	v1 =	vadd.f32 v62, v1;
	[tilespmem:s21+$0x7D40] =	vst v2  }
0x1d3: {  	v0 =	vadd.f32 v63, v0;
	[tilespmem:s21+$0x7D50] =	vst v3  }
0x1d4: {  	[tilespmem:s21+$0x7D60] =	vst v1  }
0x1d5: {  	s19 =	sadd.s32 $0x68, s19;
	s18 =	sadd.s32 $0x200, s18;
	[tilespmem:s21+$0x7D70] =	vst v0  }
0x1d6: {  	s17 =	sadd.s32 $0x1, s17  }
0x1d7: {  	p0 =	sne.s32 s17, $0x8  }
.Ltmp1:
0x1d8: {  	s18 =	sadd.s32 s7, s20;
	(pc) =	sbr.rel @p0 .LBB2_2-.Ltmp1, $4  }
0x1d9: {  	[hbm4b:s18+s2] =	stream.linear.scatter [tilespmem:s15], [sflag:$0x2], $0x1000, $0x38;
	[tilespmem:$0x8D00] =	vst v63  }
0x1da: {  	_ =	swait.ge [sflag:s10], $0x1000  }
0x1db: {  	[sflag:s10] =	ssyncset.done $0x0  }
0x1dc: {  	[sflag:s10] =	ssyncadd.s32 $0xFFFFF000  }
0x1dd: {  	s16 =	sadd.s32 $0x1, s16  }
0x1de: {  	p0 =	sne.s32 s16, s9  }
.Ltmp2:
0x1df: {  	_ = 	snop;
	(pc) =	sbr.rel @p0 .LBB2_1-.Ltmp2, $1  }
0x1e0: {  	_ =	sdelay $0x3  }
0x1e1: {  	_ =	sfence.sel $0x180000  }
0x1e2: {  	[bflag:$0x0] =	sbarrier.arrive $0xFFFF  }
0x1e3: {  	p0 =	sne.s32 s4, $0x0;
	_ =	strace $0x90000047  }
0x1e4: {  	s0 =	sadd.s32 @!p0 $0x100000, s0;
	[bflag:$0x2] =	sbarrier.arrive $0xFFFF  }
0x1e5: {  	[sflag:s0] =	ssyncadd.tile.s32 @!p0 $0x1;
	_ =	shalt  }
.Lfunc_end2:
_tile_overlayer_lowered:
.L_overlay_start_2:
0x1e6: {  	(tag) =	ssettag $0x2  }
0x1e7: {  	s0 =	rddreg [dreg:$0x0];
	s2 =	stileid.u32  }
0x1e8: {  	s1 =	rddreg [dreg:$0x1];
	p0 =	sne.s32 s2, $0x0  }
0x1e9: {  	s3 =	rddreg [dreg:$0x2];
	[bflag:$0x3] =	sbarrier.arrive $0xFFFF;
	s2 =	simm.s32 @!p0 $0x1C02  }
0x1ea: {  	[timem:s3], [sflag:s2] =	dma.local @!p0 [hbm:s0], s1  }
0x1eb: {  	s0 =	simm.s32 @!p0 $0x2  }
0x1ec: {  	_ =	swait.ge @!p0 [sflag:s0], s1  }
0x1ed: {  	s1 =	ssub.s32 @!p0 $0x0, s1;
	[sflag:s0] =	ssyncset.done @!p0 $0x0  }
0x1ee: {  	[sflag:s0] =	ssyncadd.s32 @!p0 s1  }
0x1ef: {  	[bflag:$0x3] =	sbarrier.arrive $0xFFFF  }
0x1f0: {  	_ =	shalt  }

</sc_bundles>
